<compile_context>
chip_gen: v7x
topology: tpu7x:2x2x1
jax: 0.10.2.dev20260603
libtpu: 0.0.44.dev20260713+nightly
codegen_flags: <defaults>
</compile_context>

<pallas_src>
import functools

import jax
import jax.numpy as jnp
from jax import lax
from jax.experimental import pallas as pl
from jax.experimental.pallas import tpu as pltpu
from jax.experimental.pallas import tpu_sc as plsc

N = 8192
D = 64
K = 16
BR = 256
W = 128


_NET8 = [p for r in range(8)
         for p in ([(0, 1), (2, 3), (4, 5), (6, 7)] if r % 2 == 0
                   else [(1, 2), (3, 4), (5, 6)])]
F = 8
SW = N // F


HN = N // 2


def _topk_body(h, q_ref, k_ref, idx_ref, csq_ref):
    i = pl.program_id(0)
    km = k_ref[...]

    @pl.when(i == 0)
    def _():
        csq_ref[...] = jnp.sum(km * km, axis=1)[None, :]

    q = q_ref[...]
    rsq = jnp.sum(q * q, axis=1, keepdims=True)
    dot = lax.dot_general(
        q.astype(jnp.bfloat16), km.astype(jnp.bfloat16),
        (((1,), (1,)), ((), ())), preferred_element_type=jnp.float32)
    s = (rsq + csq_ref[...]) - 2.0 * dot
    rowv = (h * HN + i * BR) + lax.broadcasted_iota(jnp.int32, (BR, 1), 0)
    iota_sw = lax.broadcasted_iota(jnp.int32, (BR, SW), 1)
    inf = jnp.float32(jnp.inf)
    nbig = jnp.int32(N)

    vals, cols = [], []
    for k in range(F):
        ck = iota_sw + k * SW
        vk = s[:, k * SW:(k + 1) * SW]
        vk = vk + jnp.where(ck == rowv, jnp.float32(1e9), jnp.float32(0.0))
        vals.append(vk)
        cols.append(jnp.full((BR, SW), k, jnp.int32))
    for (ii, jj) in _NET8:
        av, ac, bv, bc = vals[ii], cols[ii], vals[jj], cols[jj]
        swap = bv < av
        vals[ii] = jnp.minimum(av, bv)
        cols[ii] = jnp.where(swap, bc, ac)
        vals[jj] = jnp.maximum(av, bv)
        cols[jj] = jnp.where(swap, ac, bc)
    perm = cols[0]
    for k in range(1, F):
        perm = perm | (cols[k] << (3 * k))

    lane16 = lax.broadcasted_iota(jnp.int32, (BR, K), 1)
    acc = jnp.zeros((BR, K), jnp.int32)
    for t in range(K - 1):
        headcol = ((perm & 7) * SW) | iota_sw
        m = jnp.min(vals[0], axis=1, keepdims=True)
        eq = vals[0] == m
        a = jnp.min(jnp.where(eq, headcol, nbig), axis=1, keepdims=True)
        acc = jnp.where(lane16 == t, a, acc)
        if t == K - 2:
            break
        hit = eq & (headcol == a)
        for k in range(F - 1):
            vals[k] = jnp.where(hit, vals[k + 1], vals[k])
        vals[F - 1] = jnp.where(hit, inf, vals[F - 1])
        perm = jnp.where(hit, lax.shift_right_logical(perm, 3), perm)
    acc = jnp.where(lane16 == (K - 1), rowv, acc)
    idx_ref[...] = acc


def _knn_idx(emb, h):
    nb = HN // BR
    return pl.pallas_call(
        functools.partial(_topk_body, h),
        grid=(nb,),
        in_specs=[
            pl.BlockSpec((BR, D), lambda i, _h=h: (_h * (HN // BR) + i, 0)),
            pl.BlockSpec((N, D), lambda i: (0, 0)),
        ],
        out_specs=pl.BlockSpec((BR, K), lambda i: (i, 0)),
        out_shape=jax.ShapeDtypeStruct((HN, K), jnp.int32),
        scratch_shapes=[pltpu.VMEM((1, N), jnp.float32)],
    )(emb, emb)


def _table_body(emb_ref, sw_ref, tab_ref):
    tab_ref[...] = jnp.concatenate(
        [emb_ref[...], sw_ref[...], jnp.zeros((N, 128 - D - 1), jnp.float32)],
        axis=1)


def _build_table(emb, sw2):
    return pl.pallas_call(
        _table_body,
        in_specs=[
            pl.BlockSpec((N, D), lambda: (0, 0)),
            pl.BlockSpec((N, 1), lambda: (0, 0)),
        ],
        out_specs=pl.BlockSpec((N, 128), lambda: (0, 0)),
        out_shape=jax.ShapeDtypeStruct((N, 128), jnp.float32),
    )(emb, sw2)


def _sc_gather(tab, gidx):
    mesh = plsc.VectorSubcoreMesh(
        core_axis_name="core", subcore_axis_name="subcore")

    @functools.partial(
        pl.kernel,
        out_type=jax.ShapeDtypeStruct((HN * K, 128), jnp.float32),
        mesh=mesh,
    )
    def k(tab_hbm, gidx_hbm, g_hbm):
        def body(gi_vmem, go_vmem):
            pltpu.sync_copy(tab_hbm.at[gi_vmem.at[0]], go_vmem)

        pltpu.emit_pipeline(
            body,
            grid=(HN * K // W,),
            in_specs=[pl.BlockSpec((1, W), lambda i: (0, i))],
            out_specs=[pl.BlockSpec((W, 128), lambda i: (i, 0))],
            core_axis_name=("core", "subcore"),
            dimension_semantics=(pltpu.PARALLEL,),
        )(gidx_hbm, g_hbm)

    return k(tab, gidx)


BA = 2048


def _asm_body(emb_ref, g_ref, out_ref):
    eb = emb_ref[...]
    rows = lax.broadcasted_iota(jnp.int32, (BA, BA // K), 0)
    cols = lax.broadcasted_iota(jnp.int32, (BA, BA // K), 1)
    rep = (rows // K == cols).astype(jnp.float32)
    node = lax.dot_general(
        rep, eb, (((1,), (0,)), ((), ())), preferred_element_type=jnp.float32,
        precision=lax.Precision.HIGHEST)
    gb = g_ref[...]
    out_ref[...] = jnp.concatenate(
        [node, gb[:, 0:D], gb[:, D:D + 1]], axis=1)


def _assemble(emb, g, h, prev=None):
    nb = HN * K // BA
    args = [emb, g]
    kwargs = {}
    if prev is not None:
        args.append(prev)
        kwargs["input_output_aliases"] = {2: 0}
        in3 = [pl.BlockSpec(memory_space=pl.ANY)]
    else:
        in3 = []

    def body(emb_ref, g_ref, *rest):
        _asm_body(emb_ref, g_ref, rest[-1])

    return pl.pallas_call(
        body,
        grid=(nb,),
        in_specs=[
            pl.BlockSpec((BA // K, D), lambda i, _h=h: (_h * nb + i, 0)),
            pl.BlockSpec((BA, 128), lambda i: (i, 0)),
        ] + in3,
        out_specs=pl.BlockSpec((BA, 2 * D + 1), lambda i, _h=h: (_h * nb + i, 0)),
        out_shape=jax.ShapeDtypeStruct((N * K, 2 * D + 1), jnp.float32),
        **kwargs,
    )(*args)


def kernel(emb_in, sum_weights):
    tab = _build_table(emb_in, sum_weights.reshape(N, 1))
    idx0 = _knn_idx(emb_in, 0)
    g0 = _sc_gather(tab, idx0.reshape(1, HN * K))
    idx1 = _knn_idx(emb_in, 1)
    g1 = _sc_gather(tab, idx1.reshape(1, HN * K))
    out0 = _assemble(emb_in, g0, 0)
    return _assemble(emb_in, g1, 1, prev=out0)

# --- scband reference (transcript-rebuilt; emitter-appended) ---
"""Pipeline reference for scband-knn-10548439679761 (READ-ONLY COPY).

The authoritative reference and input builder live on the scoring server;
editing this copy changes nothing except your own understanding.
"""

import jax, jax.numpy as jnp
import numpy as np

NB_SPARSE = 16

def setup_inputs(seed: int = 0) -> dict:
    key = jax.random.key(seed)
    k1, k2 = jax.random.split(key)
    emb_in = jax.random.normal(k1, (8192, 64), dtype=jnp.float32)
    sum_weights = jax.random.uniform(k2, (8192,), dtype=jnp.float32)
    return {"emb_in": emb_in, "sum_weights": sum_weights}


def _knn_indices(emb_in, k):
    # Euclidean kNN excluding self, mirroring sklearn NearestNeighbors.kneighbors()
    sq = jnp.sum(emb_in * emb_in, axis=1)
    d2 = sq[:, None] + sq[None, :] - 2.0 * (emb_in @ emb_in.T)
    n = emb_in.shape[0]
    d2 = d2 + jnp.eye(n, dtype=emb_in.dtype) * 1e9  # exclude self
    _, idx = jax.lax.top_k(-d2, k - 1)
    return idx  # [n, k-1]


def reference(emb_in, sum_weights):
    n, d = emb_in.shape
    k = min(n, NB_SPARSE)
    # get_indices: k-1 nearest neighbors of each node (self excluded)
    idx_in = _knn_indices(emb_in, k)
    # make_samples: append self index as the k-th neighbor
    idx = jnp.concatenate([idx_in, jnp.arange(n, dtype=idx_in.dtype)[:, None]], axis=1)  # [n, k]
    node = jnp.repeat(emb_in[:, None, :], k, axis=1)           # [n, k, d]  (emb_in[i].repeat(k,1))
    neighbors = jnp.take(emb_in, idx, axis=0)                  # [n, k, d]  (emb_in[idx[i]])
    edge_wts = jnp.take(sum_weights, idx, axis=0)[:, :, None]  # [n, k, 1]  (sum_weights[idx[i]])
    samples = jnp.concatenate([node, neighbors, edge_wts], axis=2)  # [n, k, 2d+1]
    all_samples = samples.reshape(n * k, 2 * d + 1)
    return all_samples

if __name__ == "__main__":
    import jax
    _d = setup_inputs()
    print(jax.jit(kernel)(*tuple(_d.values())))

</pallas_src>

<mosaic_0001>
#map = affine_map<(d0, d1) -> (0, 0)>
module attributes {stable_mosaic.version = 14 : i64} {
  func.func @k(%arg0: i32, %arg1: i32, %arg2: memref<8192x128xf32, #tpu.memory_space<hbm>>, %arg3: memref<1x65536xi32, #tpu.memory_space<hbm>>, %arg4: memref<65536x128xf32, #tpu.memory_space<hbm>>) attributes {dimension_semantics = [#tpu.dimension_semantics<core_parallel>, #tpu.dimension_semantics<subcore_parallel>], iteration_bounds = array<i64: 2, 16>, scalar_prefetch = 0 : i64, scratch_operands = 0 : i64, tpu.core_type = #tpu.core_type<sc_vector_subcore>, window_params = [{transform_indices = #map}, {transform_indices = #map}, {transform_indices = #map}]} {
    %mul3A = arith.constant 1 : i32
    %mul3A_0 = arith.muli %arg1, %mul3A : i32
    %add3A = arith.constant 0 : i32
    %add3A_1 = arith.addi %add3A, %mul3A_0 : i32
    %mul3A_2 = arith.constant 16 : i32
    %mul3A_3 = arith.muli %arg0, %mul3A_2 : i32
    %add3A_4 = arith.addi %add3A_1, %mul3A_3 : i32
    %mul3A_5 = arith.constant 16 : i32
    %mul3A_6 = arith.muli %add3A_4, %mul3A_5 : i32
    "tpu.region"() ({
      %run_scoped3A = memref.alloca() : memref<2x1x128xi32, #tpu.memory_space<vmem>>
      %run_scoped3A_7 = tpu.sem_alloc : memref<2x!tpu.dma_semaphore, #tpu.memory_space<semaphore_mem>>
      %run_scoped3A_8 = memref.alloca() : memref<2x128x128xf32, #tpu.memory_space<vmem>>
      %run_scoped3A_9 = tpu.sem_alloc : memref<2x!tpu.dma_semaphore, #tpu.memory_space<semaphore_mem>>
      %add3A_10 = arith.constant 0 : i32
      %add3A_11 = arith.addi %add3A_10, %mul3A_6 : i32
      %select_n3A = arith.constant true
      %select_n3A_12 = arith.constant 0 : i32
      %select_n3A_13 = arith.constant -1 : i32
      %select_n3A_14 = arith.select %select_n3A, %select_n3A_13, %select_n3A_12 : i32
      %eq3A = arith.constant -1 : i32
      %eq3A_15 = arith.cmpi eq, %select_n3A_14, %eq3A : i32
      %select_n3A_16 = arith.constant 15 : i32
      %select_n3A_17 = arith.select %eq3A_15, %select_n3A_16, %select_n3A_14 : i32
      %add3A_18 = arith.addi %select_n3A_17, %mul3A_6 : i32
      %select_n3A_19 = arith.constant true
      %select_n3A_20 = arith.constant 0 : i32
      %select_n3A_21 = arith.constant 1 : i32
      %select_n3A_22 = arith.select %select_n3A_19, %select_n3A_21, %select_n3A_20 : i32
      %eq3A_23 = arith.constant 16 : i32
      %eq3A_24 = arith.cmpi eq, %select_n3A_22, %eq3A_23 : i32
      %select_n3A_25 = arith.constant 0 : i32
      %select_n3A_26 = arith.select %eq3A_24, %select_n3A_25, %select_n3A_22 : i32
      %add3A_27 = arith.addi %select_n3A_26, %mul3A_6 : i32
      %add3A_28 = arith.constant 1 : i32
      %add3A_29 = arith.addi %select_n3A_26, %add3A_28 : i32
      %select_n3A_30 = arith.constant true
      %select_n3A_31 = arith.select %select_n3A_30, %add3A_29, %select_n3A_26 : i32
      %eq3A_32 = arith.constant 16 : i32
      %eq3A_33 = arith.cmpi eq, %select_n3A_31, %eq3A_32 : i32
      %select_n3A_34 = arith.constant 0 : i32
      %select_n3A_35 = arith.select %eq3A_33, %select_n3A_34, %select_n3A_31 : i32
      %add3A_36 = arith.addi %select_n3A_35, %mul3A_6 : i32
      "tpu.trace_start"() <{level = 10 : i32, message = "ep_initialize_0"}> : () -> ()
      %rem3A = arith.constant 0 : i32
      %rem3A_37 = arith.constant 2 : i32
      %rem3A_38 = arith.remui %rem3A, %rem3A_37 : i32
      %mul3A_39 = arith.constant 128 : i32
      %mul3A_40 = arith.muli %mul3A_39, %add3A_11 : i32
      %dma_start3A = arith.constant 0 : i32
      %dma_start3A_41 = arith.constant 0 : i32
      %dma_start3A_42 = tpu.memref_slice %run_scoped3A[%rem3A_38, %dma_start3A, %dma_start3A_41] : memref<2x1x128xi32, #tpu.memory_space<vmem>> -> memref<1x1x128xi32, #tpu.memory_space<vmem>>
      %dma_start3A_43 = tpu.memref_squeeze %dma_start3A_42 : memref<1x1x128xi32, #tpu.memory_space<vmem>> -> memref<1x128xi32, #tpu.memory_space<vmem>>
      %dma_start3A_44 = arith.constant 0 : i32
      %dma_start3A_45 = tpu.memref_slice %arg3[%dma_start3A_44, %mul3A_40] : memref<1x65536xi32, #tpu.memory_space<hbm>> -> memref<1x128xi32, #tpu.memory_space<hbm>>
      %dma_start3A_46 = tpu.memref_slice %run_scoped3A_7[%rem3A_38] : memref<2x!tpu.dma_semaphore, #tpu.memory_space<semaphore_mem>> -> memref<1x!tpu.dma_semaphore, #tpu.memory_space<semaphore_mem>>
      %dma_start3A_47 = tpu.memref_squeeze %dma_start3A_46 : memref<1x!tpu.dma_semaphore, #tpu.memory_space<semaphore_mem>> -> memref<!tpu.dma_semaphore, #tpu.memory_space<semaphore_mem>>
      %dma_start3A_48 = arith.constant 0 : i32
      %dma_start3A_49 = arith.constant 0 : i32
      %dma_start3A_50 = tpu.memref_slice %run_scoped3A[%rem3A_38, %dma_start3A_48, %dma_start3A_49] : memref<2x1x128xi32, #tpu.memory_space<vmem>> -> memref<1x1x128xi32, #tpu.memory_space<vmem>>
      %dma_start3A_51 = tpu.memref_squeeze %dma_start3A_50 : memref<1x1x128xi32, #tpu.memory_space<vmem>> -> memref<1x128xi32, #tpu.memory_space<vmem>>
      %dma_start3A_52 = arith.constant 0 : i32
      %dma_start3A_53 = tpu.memref_slice %arg3[%dma_start3A_52, %mul3A_40] : memref<1x65536xi32, #tpu.memory_space<hbm>> -> memref<1x128xi32, #tpu.memory_space<hbm>>
      tpu.enqueue_dma source(%dma_start3A_53 : memref<1x128xi32, #tpu.memory_space<hbm>>) target(%dma_start3A_51 : memref<1x128xi32, #tpu.memory_space<vmem>>) target_semaphore(%dma_start3A_47 : memref<!tpu.dma_semaphore, #tpu.memory_space<semaphore_mem>>)
      %add3A_54 = arith.constant 0 : i32
      %add3A_55 = arith.constant 1 : i32
      %add3A_56 = arith.addi %add3A_54, %add3A_55 : i32
      %select_n3A_57 = arith.constant true
      %select_n3A_58 = arith.constant 0 : i32
      %select_n3A_59 = arith.select %select_n3A_57, %add3A_56, %select_n3A_58 : i32
      "tpu.trace_stop"() : () -> ()
      %scan3A = arith.constant 0 : i32
      %scan3A_60 = arith.constant 0 : i32
      %scan3A_61 = arith.constant 0 : i32
      %scan3A_62 = arith.constant 0 : i32
      %scan3A_63 = arith.constant 0 : i32
      %scan3A_64 = arith.constant 16 : i32
      %scan3A_65 = arith.addi %scan3A_63, %scan3A_64 : i32
      %scan3A_66 = arith.constant 1 : i32
      %scan3A_67:5 = scf.for %scan3A_121 = %scan3A_63 to %scan3A_65 step %scan3A_66 iter_args(%scan3A_122 = %select_n3A_59, %scan3A_123 = %scan3A, %scan3A_124 = %scan3A_60, %scan3A_125 = %scan3A_61, %scan3A_126 = %scan3A_62) -> (i32, i32, i32, i32, i32)  : i32 {
        %eq3A_127 = arith.constant 0 : i32
        %eq3A_128 = arith.cmpi eq, %scan3A_121, %eq3A_127 : i32
        %eq3A_129 = arith.constant 15 : i32
        %eq3A_130 = arith.cmpi eq, %scan3A_121, %eq3A_129 : i32
        %add3A_131 = arith.addi %scan3A_126, %mul3A_6 : i32
        %sub3A_132 = arith.constant 1 : i32
        %sub3A_133 = arith.subi %scan3A_126, %sub3A_132 : i32
        %select_n3A_134 = arith.constant true
        %select_n3A_135 = arith.select %select_n3A_134, %sub3A_133, %scan3A_126 : i32
        %eq3A_136 = arith.constant -1 : i32
        %eq3A_137 = arith.cmpi eq, %select_n3A_135, %eq3A_136 : i32
        %select_n3A_138 = arith.constant 15 : i32
        %select_n3A_139 = arith.select %eq3A_137, %select_n3A_138, %select_n3A_135 : i32
        %add3A_140 = arith.addi %select_n3A_139, %mul3A_6 : i32
        %add3A_141 = arith.constant 1 : i32
        %add3A_142 = arith.addi %scan3A_126, %add3A_141 : i32
        %select_n3A_143 = arith.constant true
        %select_n3A_144 = arith.select %select_n3A_143, %add3A_142, %scan3A_126 : i32
        %eq3A_145 = arith.constant 16 : i32
        %eq3A_146 = arith.cmpi eq, %select_n3A_144, %eq3A_145 : i32
        %select_n3A_147 = arith.constant 0 : i32
        %select_n3A_148 = arith.select %eq3A_146, %select_n3A_147, %select_n3A_144 : i32
        %add3A_149 = arith.addi %select_n3A_148, %mul3A_6 : i32
        %add3A_150 = arith.constant 1 : i32
        %add3A_151 = arith.addi %select_n3A_148, %add3A_150 : i32
        %select_n3A_152 = arith.constant true
        %select_n3A_153 = arith.select %select_n3A_152, %add3A_151, %select_n3A_148 : i32
        %eq3A_154 = arith.constant 16 : i32
        %eq3A_155 = arith.cmpi eq, %select_n3A_153, %eq3A_154 : i32
        %select_n3A_156 = arith.constant 0 : i32
        %select_n3A_157 = arith.select %eq3A_155, %select_n3A_156, %select_n3A_153 : i32
        %add3A_158 = arith.addi %select_n3A_157, %mul3A_6 : i32
        %ne3A = arith.cmpi ne, %add3A_131, %add3A_149 : i32
        %or3A = arith.constant false
        %or3A_159 = arith.ori %or3A, %ne3A : i1
        %ge3A = arith.constant 15 : i32
        %ge3A_160 = arith.cmpi sge, %scan3A_121, %ge3A : i32
        %not3A = arith.constant true
        %not3A_161 = arith.xori %ge3A_160, %not3A : i1
        %and3A = arith.andi %or3A_159, %not3A_161 : i1
        %convert_element_type3A = arith.extui %and3A : i1 to i32
        %cond3A = arith.constant 0 : i32
        %cond3A_162 = arith.cmpi ne, %convert_element_type3A, %cond3A : i32
        scf.if %cond3A_162 {
          "tpu.trace_start"() <{level = 10 : i32, message = "ep_copy_in"}> : () -> ()
          %rem3A_264 = arith.constant 2 : i32
          %rem3A_265 = arith.remui %scan3A_122, %rem3A_264 : i32
          %mul3A_266 = arith.constant 128 : i32
          %mul3A_267 = arith.muli %mul3A_266, %add3A_149 : i32
          %dma_start3A_268 = arith.constant 0 : i32
          %dma_start3A_269 = arith.constant 0 : i32
          %dma_start3A_270 = tpu.memref_slice %run_scoped3A[%rem3A_265, %dma_start3A_268, %dma_start3A_269] : memref<2x1x128xi32, #tpu.memory_space<vmem>> -> memref<1x1x128xi32, #tpu.memory_space<vmem>>
          %dma_start3A_271 = tpu.memref_squeeze %dma_start3A_270 : memref<1x1x128xi32, #tpu.memory_space<vmem>> -> memref<1x128xi32, #tpu.memory_space<vmem>>
          %dma_start3A_272 = arith.constant 0 : i32
          %dma_start3A_273 = tpu.memref_slice %arg3[%dma_start3A_272, %mul3A_267] : memref<1x65536xi32, #tpu.memory_space<hbm>> -> memref<1x128xi32, #tpu.memory_space<hbm>>
          %dma_start3A_274 = tpu.memref_slice %run_scoped3A_7[%rem3A_265] : memref<2x!tpu.dma_semaphore, #tpu.memory_space<semaphore_mem>> -> memref<1x!tpu.dma_semaphore, #tpu.memory_space<semaphore_mem>>
          %dma_start3A_275 = tpu.memref_squeeze %dma_start3A_274 : memref<1x!tpu.dma_semaphore, #tpu.memory_space<semaphore_mem>> -> memref<!tpu.dma_semaphore, #tpu.memory_space<semaphore_mem>>
          %dma_start3A_276 = arith.constant 0 : i32
          %dma_start3A_277 = arith.constant 0 : i32
          %dma_start3A_278 = tpu.memref_slice %run_scoped3A[%rem3A_265, %dma_start3A_276, %dma_start3A_277] : memref<2x1x128xi32, #tpu.memory_space<vmem>> -> memref<1x1x128xi32, #tpu.memory_space<vmem>>
          %dma_start3A_279 = tpu.memref_squeeze %dma_start3A_278 : memref<1x1x128xi32, #tpu.memory_space<vmem>> -> memref<1x128xi32, #tpu.memory_space<vmem>>
          %dma_start3A_280 = arith.constant 0 : i32
          %dma_start3A_281 = tpu.memref_slice %arg3[%dma_start3A_280, %mul3A_267] : memref<1x65536xi32, #tpu.memory_space<hbm>> -> memref<1x128xi32, #tpu.memory_space<hbm>>
          tpu.enqueue_dma source(%dma_start3A_281 : memref<1x128xi32, #tpu.memory_space<hbm>>) target(%dma_start3A_279 : memref<1x128xi32, #tpu.memory_space<vmem>>) target_semaphore(%dma_start3A_275 : memref<!tpu.dma_semaphore, #tpu.memory_space<semaphore_mem>>)
          "tpu.trace_stop"() : () -> ()
        } else {
        }
        %and3A_163 = arith.constant true
        %and3A_164 = arith.andi %and3A, %and3A_163 : i1
        %add3A_165 = arith.constant 1 : i32
        %add3A_166 = arith.addi %scan3A_122, %add3A_165 : i32
        %select_n3A_167 = arith.select %and3A_164, %add3A_166, %scan3A_122 : i32
        %ne3A_168 = arith.cmpi ne, %add3A_131, %add3A_149 : i32
        %or3A_169 = arith.constant false
        %or3A_170 = arith.ori %or3A_169, %ne3A_168 : i1
        %or3A_171 = arith.constant false
        %or3A_172 = arith.ori %or3A_170, %or3A_171 : i1
        %ge3A_173 = arith.constant 15 : i32
        %ge3A_174 = arith.cmpi sge, %scan3A_121, %ge3A_173 : i32
        %not3A_175 = arith.constant true
        %not3A_176 = arith.xori %ge3A_174, %not3A_175 : i1
        %and3A_177 = arith.andi %or3A_172, %not3A_176 : i1
        %ne3A_178 = arith.cmpi ne, %add3A_131, %add3A_140 : i32
        %or3A_179 = arith.constant false
        %or3A_180 = arith.ori %or3A_179, %ne3A_178 : i1
        %or3A_181 = arith.ori %or3A_180, %eq3A_128 : i1
        %convert_element_type3A_182 = arith.extui %or3A_181 : i1 to i32
        %cond3A_183 = arith.constant 0 : i32
        %cond3A_184 = arith.cmpi ne, %convert_element_type3A_182, %cond3A_183 : i32
        scf.if %cond3A_184 {
          "tpu.trace_start"() <{level = 10 : i32, message = "ep_wait_in"}> : () -> ()
          %mul3A_264 = arith.constant 128 : i32
          %mul3A_265 = arith.muli %mul3A_264, %add3A_131 : i32
          %rem3A_266 = arith.constant 2 : i32
          %rem3A_267 = arith.remui %scan3A_123, %rem3A_266 : i32
          %dma_wait3A_268 = arith.constant 0 : i32
          %dma_wait3A_269 = arith.constant 0 : i32
          %dma_wait3A_270 = tpu.memref_slice %run_scoped3A[%rem3A_267, %dma_wait3A_268, %dma_wait3A_269] : memref<2x1x128xi32, #tpu.memory_space<vmem>> -> memref<1x1x128xi32, #tpu.memory_space<vmem>>
          %dma_wait3A_271 = tpu.memref_squeeze %dma_wait3A_270 : memref<1x1x128xi32, #tpu.memory_space<vmem>> -> memref<1x128xi32, #tpu.memory_space<vmem>>
          %dma_wait3A_272 = arith.constant 0 : i32
          %dma_wait3A_273 = tpu.memref_slice %arg3[%dma_wait3A_272, %mul3A_265] : memref<1x65536xi32, #tpu.memory_space<hbm>> -> memref<1x128xi32, #tpu.memory_space<hbm>>
          %dma_wait3A_274 = tpu.memref_slice %run_scoped3A_7[%rem3A_267] : memref<2x!tpu.dma_semaphore, #tpu.memory_space<semaphore_mem>> -> memref<1x!tpu.dma_semaphore, #tpu.memory_space<semaphore_mem>>
          %dma_wait3A_275 = tpu.memref_squeeze %dma_wait3A_274 : memref<1x!tpu.dma_semaphore, #tpu.memory_space<semaphore_mem>> -> memref<!tpu.dma_semaphore, #tpu.memory_space<semaphore_mem>>
          %dma_wait3A_276 = arith.constant 0 : i32
          %dma_wait3A_277 = arith.constant 0 : i32
          %dma_wait3A_278 = tpu.memref_slice %run_scoped3A[%rem3A_267, %dma_wait3A_276, %dma_wait3A_277] : memref<2x1x128xi32, #tpu.memory_space<vmem>> -> memref<1x1x128xi32, #tpu.memory_space<vmem>>
          %dma_wait3A_279 = tpu.memref_squeeze %dma_wait3A_278 : memref<1x1x128xi32, #tpu.memory_space<vmem>> -> memref<1x128xi32, #tpu.memory_space<vmem>>
          %dma_wait3A_280 = arith.constant 0 : i32
          %dma_wait3A_281 = tpu.memref_slice %arg3[%dma_wait3A_280, %mul3A_265] : memref<1x65536xi32, #tpu.memory_space<hbm>> -> memref<1x128xi32, #tpu.memory_space<hbm>>
          tpu.wait_dma2 semaphore(%dma_wait3A_275 : memref<!tpu.dma_semaphore, #tpu.memory_space<semaphore_mem>>) src(%dma_wait3A_281 : memref<1x128xi32, #tpu.memory_space<hbm>>) dst(%dma_wait3A_279 : memref<1x128xi32, #tpu.memory_space<vmem>>)
          "tpu.trace_stop"() : () -> ()
        } else {
        }
        %ne3A_185 = arith.cmpi ne, %add3A_131, %add3A_140 : i32
        %or3A_186 = arith.constant false
        %or3A_187 = arith.ori %or3A_186, %ne3A_185 : i1
        %or3A_188 = arith.constant false
        %or3A_189 = arith.ori %or3A_187, %or3A_188 : i1
        %or3A_190 = arith.ori %or3A_189, %eq3A_128 : i1
        %convert_element_type3A_191 = arith.extui %or3A_190 : i1 to i32
        %cond3A_192 = arith.constant 0 : i32
        %cond3A_193 = arith.cmpi ne, %convert_element_type3A_191, %cond3A_192 : i32
        scf.if %cond3A_193 {
        } else {
        }
        %rem3A_194 = arith.constant 2 : i32
        %rem3A_195 = arith.remui %scan3A_123, %rem3A_194 : i32
        %rem3A_196 = arith.constant 2 : i32
        %rem3A_197 = arith.remui %scan3A_124, %rem3A_196 : i32
        %run_scoped3A_198 = arith.constant 0 : i32
        "tpu.trace_start"() <{level = 10 : i32, message = "ep_run_kernel"}> : () -> ()
        "tpu.region"() ({
          %run_scoped3A_264 = tpu.sem_alloc : memref<!tpu.dma_semaphore, #tpu.memory_space<semaphore_mem>>
          %dma_start3A_265 = arith.constant 0 : i32
          %dma_start3A_266 = arith.constant 0 : i32
          %dma_start3A_267 = tpu.memref_slice %run_scoped3A_8[%rem3A_197, %dma_start3A_265, %dma_start3A_266] : memref<2x128x128xf32, #tpu.memory_space<vmem>> -> memref<1x128x128xf32, #tpu.memory_space<vmem>>
          %dma_start3A_268 = tpu.memref_squeeze %dma_start3A_267 : memref<1x128x128xf32, #tpu.memory_space<vmem>> -> memref<128x128xf32, #tpu.memory_space<vmem>>
          %dma_start3A_269 = arith.constant 0 : i32
          %dma_start3A_270 = arith.constant 0 : i32
          %dma_start3A_271 = tpu.memref_slice %run_scoped3A[%rem3A_195, %dma_start3A_269, %dma_start3A_270] : memref<2x1x128xi32, #tpu.memory_space<vmem>> -> memref<1x1x128xi32, #tpu.memory_space<vmem>>
          %dma_start3A_272 = tpu.memref_squeeze %dma_start3A_271 : memref<1x1x128xi32, #tpu.memory_space<vmem>> -> memref<1x128xi32, #tpu.memory_space<vmem>>
          %dma_start3A_273 = arith.constant 0 : i32
          %dma_start3A_274 = tpu.memref_slice %dma_start3A_272[%run_scoped3A_198, %dma_start3A_273] : memref<1x128xi32, #tpu.memory_space<vmem>> -> memref<1x128xi32, #tpu.memory_space<vmem>>
          %dma_start3A_275 = tpu.memref_squeeze %dma_start3A_274 : memref<1x128xi32, #tpu.memory_space<vmem>> -> memref<128xi32, #tpu.memory_space<vmem>>
          %dma_start3A_276 = arith.constant 0 : i32
          %dma_start3A_277 = arith.constant 0 : i32
          %dma_start3A_278 = tpu.memref_slice %arg2[%dma_start3A_276, %dma_start3A_277] : memref<8192x128xf32, #tpu.memory_space<hbm>> -> memref<8192x128xf32, #tpu.memory_space<hbm>>
          tpu.enqueue_indirect_dma source(%dma_start3A_278 : memref<8192x128xf32, #tpu.memory_space<hbm>>) target(%dma_start3A_268 : memref<128x128xf32, #tpu.memory_space<vmem>>) offsets(%dma_start3A_275 : memref<128xi32, #tpu.memory_space<vmem>>) semaphore(%run_scoped3A_264 : memref<!tpu.dma_semaphore, #tpu.memory_space<semaphore_mem>>)
          %dma_wait3A_279 = arith.constant 0 : i32
          %dma_wait3A_280 = arith.constant 0 : i32
          %dma_wait3A_281 = tpu.memref_slice %run_scoped3A_8[%rem3A_197, %dma_wait3A_279, %dma_wait3A_280] : memref<2x128x128xf32, #tpu.memory_space<vmem>> -> memref<1x128x128xf32, #tpu.memory_space<vmem>>
          %dma_wait3A_282 = tpu.memref_squeeze %dma_wait3A_281 : memref<1x128x128xf32, #tpu.memory_space<vmem>> -> memref<128x128xf32, #tpu.memory_space<vmem>>
          %dma_wait3A_283 = arith.constant 0 : i32
          %dma_wait3A_284 = arith.constant 0 : i32
          %dma_wait3A_285 = tpu.memref_slice %run_scoped3A[%rem3A_195, %dma_wait3A_283, %dma_wait3A_284] : memref<2x1x128xi32, #tpu.memory_space<vmem>> -> memref<1x1x128xi32, #tpu.memory_space<vmem>>
          %dma_wait3A_286 = tpu.memref_squeeze %dma_wait3A_285 : memref<1x1x128xi32, #tpu.memory_space<vmem>> -> memref<1x128xi32, #tpu.memory_space<vmem>>
          %dma_wait3A_287 = arith.constant 0 : i32
          %dma_wait3A_288 = tpu.memref_slice %dma_wait3A_286[%run_scoped3A_198, %dma_wait3A_287] : memref<1x128xi32, #tpu.memory_space<vmem>> -> memref<1x128xi32, #tpu.memory_space<vmem>>
          %dma_wait3A_289 = tpu.memref_squeeze %dma_wait3A_288 : memref<1x128xi32, #tpu.memory_space<vmem>> -> memref<128xi32, #tpu.memory_space<vmem>>
          %dma_wait3A_290 = arith.constant 0 : i32
          %dma_wait3A_291 = arith.constant 0 : i32
          %dma_wait3A_292 = tpu.memref_slice %arg2[%dma_wait3A_290, %dma_wait3A_291] : memref<8192x128xf32, #tpu.memory_space<hbm>> -> memref<8192x128xf32, #tpu.memory_space<hbm>>
          tpu.wait_indirect_dma semaphore(%run_scoped3A_264 : memref<!tpu.dma_semaphore, #tpu.memory_space<semaphore_mem>>) src(%dma_wait3A_292 : memref<8192x128xf32, #tpu.memory_space<hbm>>) dst(%dma_wait3A_282 : memref<128x128xf32, #tpu.memory_space<vmem>>)
          tpu.yield
        }) : () -> ()
        "tpu.trace_stop"() : () -> ()
        %ne3A_199 = arith.cmpi ne, %add3A_131, %add3A_149 : i32
        %or3A_200 = arith.constant false
        %or3A_201 = arith.ori %or3A_200, %ne3A_199 : i1
        %or3A_202 = arith.ori %or3A_201, %eq3A_130 : i1
        %convert_element_type3A_203 = arith.extui %or3A_202 : i1 to i32
        %cond3A_204 = arith.constant 0 : i32
        %cond3A_205 = arith.cmpi ne, %convert_element_type3A_203, %cond3A_204 : i32
        scf.if %cond3A_205 {
        } else {
        }
        %and3A_206 = arith.constant false
        %and3A_207 = arith.andi %or3A_202, %and3A_206 : i1
        %ne3A_208 = arith.cmpi ne, %add3A_131, %add3A_149 : i32
        %or3A_209 = arith.constant false
        %or3A_210 = arith.ori %or3A_209, %ne3A_208 : i1
        %or3A_211 = arith.constant false
        %or3A_212 = arith.ori %or3A_210, %or3A_211 : i1
        %or3A_213 = arith.ori %or3A_212, %eq3A_130 : i1
        %convert_element_type3A_214 = arith.extui %or3A_213 : i1 to i32
        %cond3A_215 = arith.constant 0 : i32
        %cond3A_216 = arith.cmpi ne, %convert_element_type3A_214, %cond3A_215 : i32
        scf.if %cond3A_216 {
          "tpu.trace_start"() <{level = 10 : i32, message = "ep_copy_out"}> : () -> ()
          %rem3A_264 = arith.constant 2 : i32
          %rem3A_265 = arith.remui %scan3A_124, %rem3A_264 : i32
          %mul3A_266 = arith.constant 128 : i32
          %mul3A_267 = arith.muli %mul3A_266, %add3A_131 : i32
          %dma_start3A_268 = arith.constant 0 : i32
          %dma_start3A_269 = arith.constant 0 : i32
          %dma_start3A_270 = tpu.memref_slice %run_scoped3A_8[%rem3A_265, %dma_start3A_268, %dma_start3A_269] : memref<2x128x128xf32, #tpu.memory_space<vmem>> -> memref<1x128x128xf32, #tpu.memory_space<vmem>>
          %dma_start3A_271 = tpu.memref_squeeze %dma_start3A_270 : memref<1x128x128xf32, #tpu.memory_space<vmem>> -> memref<128x128xf32, #tpu.memory_space<vmem>>
          %dma_start3A_272 = arith.constant 0 : i32
          %dma_start3A_273 = tpu.memref_slice %arg4[%mul3A_267, %dma_start3A_272] : memref<65536x128xf32, #tpu.memory_space<hbm>> -> memref<128x128xf32, #tpu.memory_space<hbm>>
          %dma_start3A_274 = tpu.memref_slice %run_scoped3A_9[%rem3A_265] : memref<2x!tpu.dma_semaphore, #tpu.memory_space<semaphore_mem>> -> memref<1x!tpu.dma_semaphore, #tpu.memory_space<semaphore_mem>>
          %dma_start3A_275 = tpu.memref_squeeze %dma_start3A_274 : memref<1x!tpu.dma_semaphore, #tpu.memory_space<semaphore_mem>> -> memref<!tpu.dma_semaphore, #tpu.memory_space<semaphore_mem>>
          %dma_start3A_276 = arith.constant 0 : i32
          %dma_start3A_277 = tpu.memref_slice %arg4[%mul3A_267, %dma_start3A_276] : memref<65536x128xf32, #tpu.memory_space<hbm>> -> memref<128x128xf32, #tpu.memory_space<hbm>>
          %dma_start3A_278 = arith.constant 0 : i32
          %dma_start3A_279 = arith.constant 0 : i32
          %dma_start3A_280 = tpu.memref_slice %run_scoped3A_8[%rem3A_265, %dma_start3A_278, %dma_start3A_279] : memref<2x128x128xf32, #tpu.memory_space<vmem>> -> memref<1x128x128xf32, #tpu.memory_space<vmem>>
          %dma_start3A_281 = tpu.memref_squeeze %dma_start3A_280 : memref<1x128x128xf32, #tpu.memory_space<vmem>> -> memref<128x128xf32, #tpu.memory_space<vmem>>
          tpu.enqueue_dma source(%dma_start3A_281 : memref<128x128xf32, #tpu.memory_space<vmem>>) target(%dma_start3A_277 : memref<128x128xf32, #tpu.memory_space<hbm>>) target_semaphore(%dma_start3A_275 : memref<!tpu.dma_semaphore, #tpu.memory_space<semaphore_mem>>)
          "tpu.trace_stop"() : () -> ()
        } else {
        }
        %and3A_217 = arith.constant true
        %and3A_218 = arith.andi %or3A_213, %and3A_217 : i1
        %add3A_219 = arith.constant 1 : i32
        %add3A_220 = arith.addi %scan3A_124, %add3A_219 : i32
        %select_n3A_221 = arith.select %and3A_218, %add3A_220, %scan3A_124 : i32
        %ne3A_222 = arith.cmpi ne, %add3A_131, %add3A_140 : i32
        %or3A_223 = arith.constant false
        %or3A_224 = arith.ori %or3A_223, %ne3A_222 : i1
        %not3A_225 = arith.constant true
        %not3A_226 = arith.xori %eq3A_128, %not3A_225 : i1
        %and3A_227 = arith.andi %or3A_224, %not3A_226 : i1
        %convert_element_type3A_228 = arith.extui %and3A_227 : i1 to i32
        %cond3A_229 = arith.constant 0 : i32
        %cond3A_230 = arith.cmpi ne, %convert_element_type3A_228, %cond3A_229 : i32
        scf.if %cond3A_230 {
        } else {
        }
        %and3A_231 = arith.constant false
        %and3A_232 = arith.andi %and3A_227, %and3A_231 : i1
        %ne3A_233 = arith.cmpi ne, %add3A_131, %add3A_140 : i32
        %or3A_234 = arith.constant false
        %or3A_235 = arith.ori %or3A_234, %ne3A_233 : i1
        %or3A_236 = arith.constant false
        %or3A_237 = arith.ori %or3A_235, %or3A_236 : i1
        %not3A_238 = arith.constant true
        %not3A_239 = arith.xori %eq3A_128, %not3A_238 : i1
        %and3A_240 = arith.andi %or3A_237, %not3A_239 : i1
        %convert_element_type3A_241 = arith.extui %and3A_240 : i1 to i32
        %cond3A_242 = arith.constant 0 : i32
        %cond3A_243 = arith.cmpi ne, %convert_element_type3A_241, %cond3A_242 : i32
        scf.if %cond3A_243 {
          "tpu.trace_start"() <{level = 10 : i32, message = "ep_wait_out"}> : () -> ()
          %rem3A_264 = arith.constant 2 : i32
          %rem3A_265 = arith.remui %scan3A_125, %rem3A_264 : i32
          %mul3A_266 = arith.constant 128 : i32
          %mul3A_267 = arith.muli %mul3A_266, %add3A_140 : i32
          %dma_wait3A_268 = arith.constant 0 : i32
          %dma_wait3A_269 = arith.constant 0 : i32
          %dma_wait3A_270 = tpu.memref_slice %run_scoped3A_8[%rem3A_265, %dma_wait3A_268, %dma_wait3A_269] : memref<2x128x128xf32, #tpu.memory_space<vmem>> -> memref<1x128x128xf32, #tpu.memory_space<vmem>>
          %dma_wait3A_271 = tpu.memref_squeeze %dma_wait3A_270 : memref<1x128x128xf32, #tpu.memory_space<vmem>> -> memref<128x128xf32, #tpu.memory_space<vmem>>
          %dma_wait3A_272 = arith.constant 0 : i32
          %dma_wait3A_273 = tpu.memref_slice %arg4[%mul3A_267, %dma_wait3A_272] : memref<65536x128xf32, #tpu.memory_space<hbm>> -> memref<128x128xf32, #tpu.memory_space<hbm>>
          %dma_wait3A_274 = tpu.memref_slice %run_scoped3A_9[%rem3A_265] : memref<2x!tpu.dma_semaphore, #tpu.memory_space<semaphore_mem>> -> memref<1x!tpu.dma_semaphore, #tpu.memory_space<semaphore_mem>>
          %dma_wait3A_275 = tpu.memref_squeeze %dma_wait3A_274 : memref<1x!tpu.dma_semaphore, #tpu.memory_space<semaphore_mem>> -> memref<!tpu.dma_semaphore, #tpu.memory_space<semaphore_mem>>
          %dma_wait3A_276 = arith.constant 0 : i32
          %dma_wait3A_277 = tpu.memref_slice %arg4[%mul3A_267, %dma_wait3A_276] : memref<65536x128xf32, #tpu.memory_space<hbm>> -> memref<128x128xf32, #tpu.memory_space<hbm>>
          %dma_wait3A_278 = arith.constant 0 : i32
          %dma_wait3A_279 = arith.constant 0 : i32
          %dma_wait3A_280 = tpu.memref_slice %run_scoped3A_8[%rem3A_265, %dma_wait3A_278, %dma_wait3A_279] : memref<2x128x128xf32, #tpu.memory_space<vmem>> -> memref<1x128x128xf32, #tpu.memory_space<vmem>>
          %dma_wait3A_281 = tpu.memref_squeeze %dma_wait3A_280 : memref<1x128x128xf32, #tpu.memory_space<vmem>> -> memref<128x128xf32, #tpu.memory_space<vmem>>
          tpu.wait_dma2 semaphore(%dma_wait3A_275 : memref<!tpu.dma_semaphore, #tpu.memory_space<semaphore_mem>>) src(%dma_wait3A_281 : memref<128x128xf32, #tpu.memory_space<vmem>>) dst(%dma_wait3A_277 : memref<128x128xf32, #tpu.memory_space<hbm>>)
          "tpu.trace_stop"() : () -> ()
        } else {
        }
        %and3A_244 = arith.constant true
        %and3A_245 = arith.andi %and3A_240, %and3A_244 : i1
        %add3A_246 = arith.constant 1 : i32
        %add3A_247 = arith.addi %scan3A_125, %add3A_246 : i32
        %select_n3A_248 = arith.select %and3A_245, %add3A_247, %scan3A_125 : i32
        %ne3A_249 = arith.cmpi ne, %add3A_131, %add3A_149 : i32
        %or3A_250 = arith.constant false
        %or3A_251 = arith.ori %or3A_250, %ne3A_249 : i1
        %or3A_252 = arith.ori %or3A_251, %eq3A_130 : i1
        %add3A_253 = arith.constant 1 : i32
        %add3A_254 = arith.addi %scan3A_123, %add3A_253 : i32
        %select_n3A_255 = arith.select %or3A_252, %add3A_254, %scan3A_123 : i32
        %add3A_256 = arith.constant 1 : i32
        %add3A_257 = arith.addi %scan3A_126, %add3A_256 : i32
        %select_n3A_258 = arith.constant true
        %select_n3A_259 = arith.select %select_n3A_258, %add3A_257, %scan3A_126 : i32
        %eq3A_260 = arith.constant 16 : i32
        %eq3A_261 = arith.cmpi eq, %select_n3A_259, %eq3A_260 : i32
        %select_n3A_262 = arith.constant 0 : i32
        %select_n3A_263 = arith.select %eq3A_261, %select_n3A_262, %select_n3A_259 : i32
        scf.yield %select_n3A_167, %select_n3A_255, %select_n3A_221, %select_n3A_248, %select_n3A_263 : i32, i32, i32, i32, i32
      }
      %scan3A_68 = arith.constant 16 : i32
      %sub3A = arith.constant 1 : i32
      %sub3A_69 = arith.subi %scan3A_67#4, %sub3A : i32
      %select_n3A_70 = arith.constant true
      %select_n3A_71 = arith.select %select_n3A_70, %sub3A_69, %scan3A_67#4 : i32
      %eq3A_72 = arith.constant -1 : i32
      %eq3A_73 = arith.cmpi eq, %select_n3A_71, %eq3A_72 : i32
      %select_n3A_74 = arith.constant 15 : i32
      %select_n3A_75 = arith.select %eq3A_73, %select_n3A_74, %select_n3A_71 : i32
      %add3A_76 = arith.addi %select_n3A_75, %mul3A_6 : i32
      %sub3A_77 = arith.constant 1 : i32
      %sub3A_78 = arith.subi %select_n3A_75, %sub3A_77 : i32
      %select_n3A_79 = arith.constant true
      %select_n3A_80 = arith.select %select_n3A_79, %sub3A_78, %select_n3A_75 : i32
      %eq3A_81 = arith.constant -1 : i32
      %eq3A_82 = arith.cmpi eq, %select_n3A_80, %eq3A_81 : i32
      %select_n3A_83 = arith.constant 15 : i32
      %select_n3A_84 = arith.select %eq3A_82, %select_n3A_83, %select_n3A_80 : i32
      %add3A_85 = arith.addi %select_n3A_84, %mul3A_6 : i32
      %add3A_86 = arith.constant 1 : i32
      %add3A_87 = arith.addi %select_n3A_75, %add3A_86 : i32
      %select_n3A_88 = arith.constant true
      %select_n3A_89 = arith.select %select_n3A_88, %add3A_87, %select_n3A_75 : i32
      %eq3A_90 = arith.constant 16 : i32
      %eq3A_91 = arith.cmpi eq, %select_n3A_89, %eq3A_90 : i32
      %select_n3A_92 = arith.constant 0 : i32
      %select_n3A_93 = arith.select %eq3A_91, %select_n3A_92, %select_n3A_89 : i32
      %add3A_94 = arith.addi %select_n3A_93, %mul3A_6 : i32
      %add3A_95 = arith.constant 1 : i32
      %add3A_96 = arith.addi %select_n3A_93, %add3A_95 : i32
      %select_n3A_97 = arith.constant true
      %select_n3A_98 = arith.select %select_n3A_97, %add3A_96, %select_n3A_93 : i32
      %eq3A_99 = arith.constant 16 : i32
      %eq3A_100 = arith.cmpi eq, %select_n3A_98, %eq3A_99 : i32
      %select_n3A_101 = arith.constant 0 : i32
      %select_n3A_102 = arith.select %eq3A_100, %select_n3A_101, %select_n3A_98 : i32
      %add3A_103 = arith.addi %select_n3A_102, %mul3A_6 : i32
      "tpu.trace_start"() <{level = 10 : i32, message = "ep_finalize"}> : () -> ()
      %rem3A_104 = arith.constant 2 : i32
      %rem3A_105 = arith.remui %scan3A_67#3, %rem3A_104 : i32
      %mul3A_106 = arith.constant 128 : i32
      %mul3A_107 = arith.muli %mul3A_106, %add3A_76 : i32
      %dma_wait3A = arith.constant 0 : i32
      %dma_wait3A_108 = arith.constant 0 : i32
      %dma_wait3A_109 = tpu.memref_slice %run_scoped3A_8[%rem3A_105, %dma_wait3A, %dma_wait3A_108] : memref<2x128x128xf32, #tpu.memory_space<vmem>> -> memref<1x128x128xf32, #tpu.memory_space<vmem>>
      %dma_wait3A_110 = tpu.memref_squeeze %dma_wait3A_109 : memref<1x128x128xf32, #tpu.memory_space<vmem>> -> memref<128x128xf32, #tpu.memory_space<vmem>>
      %dma_wait3A_111 = arith.constant 0 : i32
      %dma_wait3A_112 = tpu.memref_slice %arg4[%mul3A_107, %dma_wait3A_111] : memref<65536x128xf32, #tpu.memory_space<hbm>> -> memref<128x128xf32, #tpu.memory_space<hbm>>
      %dma_wait3A_113 = tpu.memref_slice %run_scoped3A_9[%rem3A_105] : memref<2x!tpu.dma_semaphore, #tpu.memory_space<semaphore_mem>> -> memref<1x!tpu.dma_semaphore, #tpu.memory_space<semaphore_mem>>
      %dma_wait3A_114 = tpu.memref_squeeze %dma_wait3A_113 : memref<1x!tpu.dma_semaphore, #tpu.memory_space<semaphore_mem>> -> memref<!tpu.dma_semaphore, #tpu.memory_space<semaphore_mem>>
      %dma_wait3A_115 = arith.constant 0 : i32
      %dma_wait3A_116 = tpu.memref_slice %arg4[%mul3A_107, %dma_wait3A_115] : memref<65536x128xf32, #tpu.memory_space<hbm>> -> memref<128x128xf32, #tpu.memory_space<hbm>>
      %dma_wait3A_117 = arith.constant 0 : i32
      %dma_wait3A_118 = arith.constant 0 : i32
      %dma_wait3A_119 = tpu.memref_slice %run_scoped3A_8[%rem3A_105, %dma_wait3A_117, %dma_wait3A_118] : memref<2x128x128xf32, #tpu.memory_space<vmem>> -> memref<1x128x128xf32, #tpu.memory_space<vmem>>
      %dma_wait3A_120 = tpu.memref_squeeze %dma_wait3A_119 : memref<1x128x128xf32, #tpu.memory_space<vmem>> -> memref<128x128xf32, #tpu.memory_space<vmem>>
      tpu.wait_dma2 semaphore(%dma_wait3A_114 : memref<!tpu.dma_semaphore, #tpu.memory_space<semaphore_mem>>) src(%dma_wait3A_120 : memref<128x128xf32, #tpu.memory_space<vmem>>) dst(%dma_wait3A_116 : memref<128x128xf32, #tpu.memory_space<hbm>>)
      "tpu.trace_stop"() : () -> ()
      tpu.yield
    }) : () -> ()
    return
  }
}

#map = affine_map<(d0, d1) -> (0, 0)>
module attributes {stable_mosaic.version = 14 : i64} {
  func.func @k(%arg0: i32, %arg1: i32, %arg2: memref<8192x128xf32, #tpu.memory_space<hbm>>, %arg3: memref<1x65536xi32, #tpu.memory_space<hbm>>, %arg4: memref<65536x128xf32, #tpu.memory_space<hbm>>) attributes {dimension_semantics = [#tpu.dimension_semantics<core_parallel>, #tpu.dimension_semantics<subcore_parallel>], iteration_bounds = array<i64: 2, 16>, scalar_prefetch = 0 : i64, scratch_operands = 0 : i64, tpu.core_type = #tpu.core_type<sc_vector_subcore>, window_params = [{transform_indices = #map}, {transform_indices = #map}, {transform_indices = #map}]} {
    %mul3A = arith.constant 1 : i32
    %mul3A_0 = arith.muli %arg1, %mul3A : i32
    %add3A = arith.constant 0 : i32
    %add3A_1 = arith.addi %add3A, %mul3A_0 : i32
    %mul3A_2 = arith.constant 16 : i32
    %mul3A_3 = arith.muli %arg0, %mul3A_2 : i32
    %add3A_4 = arith.addi %add3A_1, %mul3A_3 : i32
    %mul3A_5 = arith.constant 16 : i32
    %mul3A_6 = arith.muli %add3A_4, %mul3A_5 : i32
    "tpu.region"() ({
      %run_scoped3A = memref.alloca() : memref<2x1x128xi32, #tpu.memory_space<vmem>>
      %run_scoped3A_7 = tpu.sem_alloc : memref<2x!tpu.dma_semaphore, #tpu.memory_space<semaphore_mem>>
      %run_scoped3A_8 = memref.alloca() : memref<2x128x128xf32, #tpu.memory_space<vmem>>
      %run_scoped3A_9 = tpu.sem_alloc : memref<2x!tpu.dma_semaphore, #tpu.memory_space<semaphore_mem>>
      %add3A_10 = arith.constant 0 : i32
      %add3A_11 = arith.addi %add3A_10, %mul3A_6 : i32
      %select_n3A = arith.constant true
      %select_n3A_12 = arith.constant 0 : i32
      %select_n3A_13 = arith.constant -1 : i32
      %select_n3A_14 = arith.select %select_n3A, %select_n3A_13, %select_n3A_12 : i32
      %eq3A = arith.constant -1 : i32
      %eq3A_15 = arith.cmpi eq, %select_n3A_14, %eq3A : i32
      %select_n3A_16 = arith.constant 15 : i32
      %select_n3A_17 = arith.select %eq3A_15, %select_n3A_16, %select_n3A_14 : i32
      %add3A_18 = arith.addi %select_n3A_17, %mul3A_6 : i32
      %select_n3A_19 = arith.constant true
      %select_n3A_20 = arith.constant 0 : i32
      %select_n3A_21 = arith.constant 1 : i32
      %select_n3A_22 = arith.select %select_n3A_19, %select_n3A_21, %select_n3A_20 : i32
      %eq3A_23 = arith.constant 16 : i32
      %eq3A_24 = arith.cmpi eq, %select_n3A_22, %eq3A_23 : i32
      %select_n3A_25 = arith.constant 0 : i32
      %select_n3A_26 = arith.select %eq3A_24, %select_n3A_25, %select_n3A_22 : i32
      %add3A_27 = arith.addi %select_n3A_26, %mul3A_6 : i32
      %add3A_28 = arith.constant 1 : i32
      %add3A_29 = arith.addi %select_n3A_26, %add3A_28 : i32
      %select_n3A_30 = arith.constant true
      %select_n3A_31 = arith.select %select_n3A_30, %add3A_29, %select_n3A_26 : i32
      %eq3A_32 = arith.constant 16 : i32
      %eq3A_33 = arith.cmpi eq, %select_n3A_31, %eq3A_32 : i32
      %select_n3A_34 = arith.constant 0 : i32
      %select_n3A_35 = arith.select %eq3A_33, %select_n3A_34, %select_n3A_31 : i32
      %add3A_36 = arith.addi %select_n3A_35, %mul3A_6 : i32
      "tpu.trace_start"() <{level = 10 : i32, message = "ep_initialize_0"}> : () -> ()
      %rem3A = arith.constant 0 : i32
      %rem3A_37 = arith.constant 2 : i32
      %rem3A_38 = arith.remui %rem3A, %rem3A_37 : i32
      %mul3A_39 = arith.constant 128 : i32
      %mul3A_40 = arith.muli %mul3A_39, %add3A_11 : i32
      %dma_start3A = arith.constant 0 : i32
      %dma_start3A_41 = arith.constant 0 : i32
      %dma_start3A_42 = tpu.memref_slice %run_scoped3A[%rem3A_38, %dma_start3A, %dma_start3A_41] : memref<2x1x128xi32, #tpu.memory_space<vmem>> -> memref<1x1x128xi32, #tpu.memory_space<vmem>>
      %dma_start3A_43 = tpu.memref_squeeze %dma_start3A_42 : memref<1x1x128xi32, #tpu.memory_space<vmem>> -> memref<1x128xi32, #tpu.memory_space<vmem>>
      %dma_start3A_44 = arith.constant 0 : i32
      %dma_start3A_45 = tpu.memref_slice %arg3[%dma_start3A_44, %mul3A_40] : memref<1x65536xi32, #tpu.memory_space<hbm>> -> memref<1x128xi32, #tpu.memory_space<hbm>>
      %dma_start3A_46 = tpu.memref_slice %run_scoped3A_7[%rem3A_38] : memref<2x!tpu.dma_semaphore, #tpu.memory_space<semaphore_mem>> -> memref<1x!tpu.dma_semaphore, #tpu.memory_space<semaphore_mem>>
      %dma_start3A_47 = tpu.memref_squeeze %dma_start3A_46 : memref<1x!tpu.dma_semaphore, #tpu.memory_space<semaphore_mem>> -> memref<!tpu.dma_semaphore, #tpu.memory_space<semaphore_mem>>
      %dma_start3A_48 = arith.constant 0 : i32
      %dma_start3A_49 = arith.constant 0 : i32
      %dma_start3A_50 = tpu.memref_slice %run_scoped3A[%rem3A_38, %dma_start3A_48, %dma_start3A_49] : memref<2x1x128xi32, #tpu.memory_space<vmem>> -> memref<1x1x128xi32, #tpu.memory_space<vmem>>
      %dma_start3A_51 = tpu.memref_squeeze %dma_start3A_50 : memref<1x1x128xi32, #tpu.memory_space<vmem>> -> memref<1x128xi32, #tpu.memory_space<vmem>>
      %dma_start3A_52 = arith.constant 0 : i32
      %dma_start3A_53 = tpu.memref_slice %arg3[%dma_start3A_52, %mul3A_40] : memref<1x65536xi32, #tpu.memory_space<hbm>> -> memref<1x128xi32, #tpu.memory_space<hbm>>
      tpu.enqueue_dma source(%dma_start3A_53 : memref<1x128xi32, #tpu.memory_space<hbm>>) target(%dma_start3A_51 : memref<1x128xi32, #tpu.memory_space<vmem>>) target_semaphore(%dma_start3A_47 : memref<!tpu.dma_semaphore, #tpu.memory_space<semaphore_mem>>)
      %add3A_54 = arith.constant 0 : i32
      %add3A_55 = arith.constant 1 : i32
      %add3A_56 = arith.addi %add3A_54, %add3A_55 : i32
      %select_n3A_57 = arith.constant true
      %select_n3A_58 = arith.constant 0 : i32
      %select_n3A_59 = arith.select %select_n3A_57, %add3A_56, %select_n3A_58 : i32
      "tpu.trace_stop"() : () -> ()
      %scan3A = arith.constant 0 : i32
      %scan3A_60 = arith.constant 0 : i32
      %scan3A_61 = arith.constant 0 : i32
      %scan3A_62 = arith.constant 0 : i32
      %scan3A_63 = arith.constant 0 : i32
      %scan3A_64 = arith.constant 16 : i32
      %scan3A_65 = arith.addi %scan3A_63, %scan3A_64 : i32
      %scan3A_66 = arith.constant 1 : i32
      %scan3A_67:5 = scf.for %scan3A_121 = %scan3A_63 to %scan3A_65 step %scan3A_66 iter_args(%scan3A_122 = %select_n3A_59, %scan3A_123 = %scan3A, %scan3A_124 = %scan3A_60, %scan3A_125 = %scan3A_61, %scan3A_126 = %scan3A_62) -> (i32, i32, i32, i32, i32)  : i32 {
        %eq3A_127 = arith.constant 0 : i32
        %eq3A_128 = arith.cmpi eq, %scan3A_121, %eq3A_127 : i32
        %eq3A_129 = arith.constant 15 : i32
        %eq3A_130 = arith.cmpi eq, %scan3A_121, %eq3A_129 : i32
        %add3A_131 = arith.addi %scan3A_126, %mul3A_6 : i32
        %sub3A_132 = arith.constant 1 : i32
        %sub3A_133 = arith.subi %scan3A_126, %sub3A_132 : i32
        %select_n3A_134 = arith.constant true
        %select_n3A_135 = arith.select %select_n3A_134, %sub3A_133, %scan3A_126 : i32
        %eq3A_136 = arith.constant -1 : i32
        %eq3A_137 = arith.cmpi eq, %select_n3A_135, %eq3A_136 : i32
        %select_n3A_138 = arith.constant 15 : i32
        %select_n3A_139 = arith.select %eq3A_137, %select_n3A_138, %select_n3A_135 : i32
        %add3A_140 = arith.addi %select_n3A_139, %mul3A_6 : i32
        %add3A_141 = arith.constant 1 : i32
        %add3A_142 = arith.addi %scan3A_126, %add3A_141 : i32
        %select_n3A_143 = arith.constant true
        %select_n3A_144 = arith.select %select_n3A_143, %add3A_142, %scan3A_126 : i32
        %eq3A_145 = arith.constant 16 : i32
        %eq3A_146 = arith.cmpi eq, %select_n3A_144, %eq3A_145 : i32
        %select_n3A_147 = arith.constant 0 : i32
        %select_n3A_148 = arith.select %eq3A_146, %select_n3A_147, %select_n3A_144 : i32
        %add3A_149 = arith.addi %select_n3A_148, %mul3A_6 : i32
        %add3A_150 = arith.constant 1 : i32
        %add3A_151 = arith.addi %select_n3A_148, %add3A_150 : i32
        %select_n3A_152 = arith.constant true
        %select_n3A_153 = arith.select %select_n3A_152, %add3A_151, %select_n3A_148 : i32
        %eq3A_154 = arith.constant 16 : i32
        %eq3A_155 = arith.cmpi eq, %select_n3A_153, %eq3A_154 : i32
        %select_n3A_156 = arith.constant 0 : i32
        %select_n3A_157 = arith.select %eq3A_155, %select_n3A_156, %select_n3A_153 : i32
        %add3A_158 = arith.addi %select_n3A_157, %mul3A_6 : i32
        %ne3A = arith.cmpi ne, %add3A_131, %add3A_149 : i32
        %or3A = arith.constant false
        %or3A_159 = arith.ori %or3A, %ne3A : i1
        %ge3A = arith.constant 15 : i32
        %ge3A_160 = arith.cmpi sge, %scan3A_121, %ge3A : i32
        %not3A = arith.constant true
        %not3A_161 = arith.xori %ge3A_160, %not3A : i1
        %and3A = arith.andi %or3A_159, %not3A_161 : i1
        %convert_element_type3A = arith.extui %and3A : i1 to i32
        %cond3A = arith.constant 0 : i32
        %cond3A_162 = arith.cmpi ne, %convert_element_type3A, %cond3A : i32
        scf.if %cond3A_162 {
          "tpu.trace_start"() <{level = 10 : i32, message = "ep_copy_in"}> : () -> ()
          %rem3A_264 = arith.constant 2 : i32
          %rem3A_265 = arith.remui %scan3A_122, %rem3A_264 : i32
          %mul3A_266 = arith.constant 128 : i32
          %mul3A_267 = arith.muli %mul3A_266, %add3A_149 : i32
          %dma_start3A_268 = arith.constant 0 : i32
          %dma_start3A_269 = arith.constant 0 : i32
          %dma_start3A_270 = tpu.memref_slice %run_scoped3A[%rem3A_265, %dma_start3A_268, %dma_start3A_269] : memref<2x1x128xi32, #tpu.memory_space<vmem>> -> memref<1x1x128xi32, #tpu.memory_space<vmem>>
          %dma_start3A_271 = tpu.memref_squeeze %dma_start3A_270 : memref<1x1x128xi32, #tpu.memory_space<vmem>> -> memref<1x128xi32, #tpu.memory_space<vmem>>
          %dma_start3A_272 = arith.constant 0 : i32
          %dma_start3A_273 = tpu.memref_slice %arg3[%dma_start3A_272, %mul3A_267] : memref<1x65536xi32, #tpu.memory_space<hbm>> -> memref<1x128xi32, #tpu.memory_space<hbm>>
          %dma_start3A_274 = tpu.memref_slice %run_scoped3A_7[%rem3A_265] : memref<2x!tpu.dma_semaphore, #tpu.memory_space<semaphore_mem>> -> memref<1x!tpu.dma_semaphore, #tpu.memory_space<semaphore_mem>>
          %dma_start3A_275 = tpu.memref_squeeze %dma_start3A_274 : memref<1x!tpu.dma_semaphore, #tpu.memory_space<semaphore_mem>> -> memref<!tpu.dma_semaphore, #tpu.memory_space<semaphore_mem>>
          %dma_start3A_276 = arith.constant 0 : i32
          %dma_start3A_277 = arith.constant 0 : i32
          %dma_start3A_278 = tpu.memref_slice %run_scoped3A[%rem3A_265, %dma_start3A_276, %dma_start3A_277] : memref<2x1x128xi32, #tpu.memory_space<vmem>> -> memref<1x1x128xi32, #tpu.memory_space<vmem>>
          %dma_start3A_279 = tpu.memref_squeeze %dma_start3A_278 : memref<1x1x128xi32, #tpu.memory_space<vmem>> -> memref<1x128xi32, #tpu.memory_space<vmem>>
          %dma_start3A_280 = arith.constant 0 : i32
          %dma_start3A_281 = tpu.memref_slice %arg3[%dma_start3A_280, %mul3A_267] : memref<1x65536xi32, #tpu.memory_space<hbm>> -> memref<1x128xi32, #tpu.memory_space<hbm>>
          tpu.enqueue_dma source(%dma_start3A_281 : memref<1x128xi32, #tpu.memory_space<hbm>>) target(%dma_start3A_279 : memref<1x128xi32, #tpu.memory_space<vmem>>) target_semaphore(%dma_start3A_275 : memref<!tpu.dma_semaphore, #tpu.memory_space<semaphore_mem>>)
          "tpu.trace_stop"() : () -> ()
        } else {
        }
        %and3A_163 = arith.constant true
        %and3A_164 = arith.andi %and3A, %and3A_163 : i1
        %add3A_165 = arith.constant 1 : i32
        %add3A_166 = arith.addi %scan3A_122, %add3A_165 : i32
        %select_n3A_167 = arith.select %and3A_164, %add3A_166, %scan3A_122 : i32
        %ne3A_168 = arith.cmpi ne, %add3A_131, %add3A_149 : i32
        %or3A_169 = arith.constant false
        %or3A_170 = arith.ori %or3A_169, %ne3A_168 : i1
        %or3A_171 = arith.constant false
        %or3A_172 = arith.ori %or3A_170, %or3A_171 : i1
        %ge3A_173 = arith.constant 15 : i32
        %ge3A_174 = arith.cmpi sge, %scan3A_121, %ge3A_173 : i32
        %not3A_175 = arith.constant true
        %not3A_176 = arith.xori %ge3A_174, %not3A_175 : i1
        %and3A_177 = arith.andi %or3A_172, %not3A_176 : i1
        %ne3A_178 = arith.cmpi ne, %add3A_131, %add3A_140 : i32
        %or3A_179 = arith.constant false
        %or3A_180 = arith.ori %or3A_179, %ne3A_178 : i1
        %or3A_181 = arith.ori %or3A_180, %eq3A_128 : i1
        %convert_element_type3A_182 = arith.extui %or3A_181 : i1 to i32
        %cond3A_183 = arith.constant 0 : i32
        %cond3A_184 = arith.cmpi ne, %convert_element_type3A_182, %cond3A_183 : i32
        scf.if %cond3A_184 {
          "tpu.trace_start"() <{level = 10 : i32, message = "ep_wait_in"}> : () -> ()
          %mul3A_264 = arith.constant 128 : i32
          %mul3A_265 = arith.muli %mul3A_264, %add3A_131 : i32
          %rem3A_266 = arith.constant 2 : i32
          %rem3A_267 = arith.remui %scan3A_123, %rem3A_266 : i32
          %dma_wait3A_268 = arith.constant 0 : i32
          %dma_wait3A_269 = arith.constant 0 : i32
          %dma_wait3A_270 = tpu.memref_slice %run_scoped3A[%rem3A_267, %dma_wait3A_268, %dma_wait3A_269] : memref<2x1x128xi32, #tpu.memory_space<vmem>> -> memref<1x1x128xi32, #tpu.memory_space<vmem>>
          %dma_wait3A_271 = tpu.memref_squeeze %dma_wait3A_270 : memref<1x1x128xi32, #tpu.memory_space<vmem>> -> memref<1x128xi32, #tpu.memory_space<vmem>>
          %dma_wait3A_272 = arith.constant 0 : i32
          %dma_wait3A_273 = tpu.memref_slice %arg3[%dma_wait3A_272, %mul3A_265] : memref<1x65536xi32, #tpu.memory_space<hbm>> -> memref<1x128xi32, #tpu.memory_space<hbm>>
          %dma_wait3A_274 = tpu.memref_slice %run_scoped3A_7[%rem3A_267] : memref<2x!tpu.dma_semaphore, #tpu.memory_space<semaphore_mem>> -> memref<1x!tpu.dma_semaphore, #tpu.memory_space<semaphore_mem>>
          %dma_wait3A_275 = tpu.memref_squeeze %dma_wait3A_274 : memref<1x!tpu.dma_semaphore, #tpu.memory_space<semaphore_mem>> -> memref<!tpu.dma_semaphore, #tpu.memory_space<semaphore_mem>>
          %dma_wait3A_276 = arith.constant 0 : i32
          %dma_wait3A_277 = arith.constant 0 : i32
          %dma_wait3A_278 = tpu.memref_slice %run_scoped3A[%rem3A_267, %dma_wait3A_276, %dma_wait3A_277] : memref<2x1x128xi32, #tpu.memory_space<vmem>> -> memref<1x1x128xi32, #tpu.memory_space<vmem>>
          %dma_wait3A_279 = tpu.memref_squeeze %dma_wait3A_278 : memref<1x1x128xi32, #tpu.memory_space<vmem>> -> memref<1x128xi32, #tpu.memory_space<vmem>>
          %dma_wait3A_280 = arith.constant 0 : i32
          %dma_wait3A_281 = tpu.memref_slice %arg3[%dma_wait3A_280, %mul3A_265] : memref<1x65536xi32, #tpu.memory_space<hbm>> -> memref<1x128xi32, #tpu.memory_space<hbm>>
          tpu.wait_dma2 semaphore(%dma_wait3A_275 : memref<!tpu.dma_semaphore, #tpu.memory_space<semaphore_mem>>) src(%dma_wait3A_281 : memref<1x128xi32, #tpu.memory_space<hbm>>) dst(%dma_wait3A_279 : memref<1x128xi32, #tpu.memory_space<vmem>>)
          "tpu.trace_stop"() : () -> ()
        } else {
        }
        %ne3A_185 = arith.cmpi ne, %add3A_131, %add3A_140 : i32
        %or3A_186 = arith.constant false
        %or3A_187 = arith.ori %or3A_186, %ne3A_185 : i1
        %or3A_188 = arith.constant false
        %or3A_189 = arith.ori %or3A_187, %or3A_188 : i1
        %or3A_190 = arith.ori %or3A_189, %eq3A_128 : i1
        %convert_element_type3A_191 = arith.extui %or3A_190 : i1 to i32
        %cond3A_192 = arith.constant 0 : i32
        %cond3A_193 = arith.cmpi ne, %convert_element_type3A_191, %cond3A_192 : i32
        scf.if %cond3A_193 {
        } else {
        }
        %rem3A_194 = arith.constant 2 : i32
        %rem3A_195 = arith.remui %scan3A_123, %rem3A_194 : i32
        %rem3A_196 = arith.constant 2 : i32
        %rem3A_197 = arith.remui %scan3A_124, %rem3A_196 : i32
        %run_scoped3A_198 = arith.constant 0 : i32
        "tpu.trace_start"() <{level = 10 : i32, message = "ep_run_kernel"}> : () -> ()
        "tpu.region"() ({
          %run_scoped3A_264 = tpu.sem_alloc : memref<!tpu.dma_semaphore, #tpu.memory_space<semaphore_mem>>
          %dma_start3A_265 = arith.constant 0 : i32
          %dma_start3A_266 = arith.constant 0 : i32
          %dma_start3A_267 = tpu.memref_slice %run_scoped3A_8[%rem3A_197, %dma_start3A_265, %dma_start3A_266] : memref<2x128x128xf32, #tpu.memory_space<vmem>> -> memref<1x128x128xf32, #tpu.memory_space<vmem>>
          %dma_start3A_268 = tpu.memref_squeeze %dma_start3A_267 : memref<1x128x128xf32, #tpu.memory_space<vmem>> -> memref<128x128xf32, #tpu.memory_space<vmem>>
          %dma_start3A_269 = arith.constant 0 : i32
          %dma_start3A_270 = arith.constant 0 : i32
          %dma_start3A_271 = tpu.memref_slice %run_scoped3A[%rem3A_195, %dma_start3A_269, %dma_start3A_270] : memref<2x1x128xi32, #tpu.memory_space<vmem>> -> memref<1x1x128xi32, #tpu.memory_space<vmem>>
          %dma_start3A_272 = tpu.memref_squeeze %dma_start3A_271 : memref<1x1x128xi32, #tpu.memory_space<vmem>> -> memref<1x128xi32, #tpu.memory_space<vmem>>
          %dma_start3A_273 = arith.constant 0 : i32
          %dma_start3A_274 = tpu.memref_slice %dma_start3A_272[%run_scoped3A_198, %dma_start3A_273] : memref<1x128xi32, #tpu.memory_space<vmem>> -> memref<1x128xi32, #tpu.memory_space<vmem>>
          %dma_start3A_275 = tpu.memref_squeeze %dma_start3A_274 : memref<1x128xi32, #tpu.memory_space<vmem>> -> memref<128xi32, #tpu.memory_space<vmem>>
          %dma_start3A_276 = arith.constant 0 : i32
          %dma_start3A_277 = arith.constant 0 : i32
          %dma_start3A_278 = tpu.memref_slice %arg2[%dma_start3A_276, %dma_start3A_277] : memref<8192x128xf32, #tpu.memory_space<hbm>> -> memref<8192x128xf32, #tpu.memory_space<hbm>>
          tpu.enqueue_indirect_dma source(%dma_start3A_278 : memref<8192x128xf32, #tpu.memory_space<hbm>>) target(%dma_start3A_268 : memref<128x128xf32, #tpu.memory_space<vmem>>) offsets(%dma_start3A_275 : memref<128xi32, #tpu.memory_space<vmem>>) semaphore(%run_scoped3A_264 : memref<!tpu.dma_semaphore, #tpu.memory_space<semaphore_mem>>)
          %dma_wait3A_279 = arith.constant 0 : i32
          %dma_wait3A_280 = arith.constant 0 : i32
          %dma_wait3A_281 = tpu.memref_slice %run_scoped3A_8[%rem3A_197, %dma_wait3A_279, %dma_wait3A_280] : memref<2x128x128xf32, #tpu.memory_space<vmem>> -> memref<1x128x128xf32, #tpu.memory_space<vmem>>
          %dma_wait3A_282 = tpu.memref_squeeze %dma_wait3A_281 : memref<1x128x128xf32, #tpu.memory_space<vmem>> -> memref<128x128xf32, #tpu.memory_space<vmem>>
          %dma_wait3A_283 = arith.constant 0 : i32
          %dma_wait3A_284 = arith.constant 0 : i32
          %dma_wait3A_285 = tpu.memref_slice %run_scoped3A[%rem3A_195, %dma_wait3A_283, %dma_wait3A_284] : memref<2x1x128xi32, #tpu.memory_space<vmem>> -> memref<1x1x128xi32, #tpu.memory_space<vmem>>
          %dma_wait3A_286 = tpu.memref_squeeze %dma_wait3A_285 : memref<1x1x128xi32, #tpu.memory_space<vmem>> -> memref<1x128xi32, #tpu.memory_space<vmem>>
          %dma_wait3A_287 = arith.constant 0 : i32
          %dma_wait3A_288 = tpu.memref_slice %dma_wait3A_286[%run_scoped3A_198, %dma_wait3A_287] : memref<1x128xi32, #tpu.memory_space<vmem>> -> memref<1x128xi32, #tpu.memory_space<vmem>>
          %dma_wait3A_289 = tpu.memref_squeeze %dma_wait3A_288 : memref<1x128xi32, #tpu.memory_space<vmem>> -> memref<128xi32, #tpu.memory_space<vmem>>
          %dma_wait3A_290 = arith.constant 0 : i32
          %dma_wait3A_291 = arith.constant 0 : i32
          %dma_wait3A_292 = tpu.memref_slice %arg2[%dma_wait3A_290, %dma_wait3A_291] : memref<8192x128xf32, #tpu.memory_space<hbm>> -> memref<8192x128xf32, #tpu.memory_space<hbm>>
          tpu.wait_indirect_dma semaphore(%run_scoped3A_264 : memref<!tpu.dma_semaphore, #tpu.memory_space<semaphore_mem>>) src(%dma_wait3A_292 : memref<8192x128xf32, #tpu.memory_space<hbm>>) dst(%dma_wait3A_282 : memref<128x128xf32, #tpu.memory_space<vmem>>)
          tpu.yield
        }) : () -> ()
        "tpu.trace_stop"() : () -> ()
        %ne3A_199 = arith.cmpi ne, %add3A_131, %add3A_149 : i32
        %or3A_200 = arith.constant false
        %or3A_201 = arith.ori %or3A_200, %ne3A_199 : i1
        %or3A_202 = arith.ori %or3A_201, %eq3A_130 : i1
        %convert_element_type3A_203 = arith.extui %or3A_202 : i1 to i32
        %cond3A_204 = arith.constant 0 : i32
        %cond3A_205 = arith.cmpi ne, %convert_element_type3A_203, %cond3A_204 : i32
        scf.if %cond3A_205 {
        } else {
        }
        %and3A_206 = arith.constant false
        %and3A_207 = arith.andi %or3A_202, %and3A_206 : i1
        %ne3A_208 = arith.cmpi ne, %add3A_131, %add3A_149 : i32
        %or3A_209 = arith.constant false
        %or3A_210 = arith.ori %or3A_209, %ne3A_208 : i1
        %or3A_211 = arith.constant false
        %or3A_212 = arith.ori %or3A_210, %or3A_211 : i1
        %or3A_213 = arith.ori %or3A_212, %eq3A_130 : i1
        %convert_element_type3A_214 = arith.extui %or3A_213 : i1 to i32
        %cond3A_215 = arith.constant 0 : i32
        %cond3A_216 = arith.cmpi ne, %convert_element_type3A_214, %cond3A_215 : i32
        scf.if %cond3A_216 {
          "tpu.trace_start"() <{level = 10 : i32, message = "ep_copy_out"}> : () -> ()
          %rem3A_264 = arith.constant 2 : i32
          %rem3A_265 = arith.remui %scan3A_124, %rem3A_264 : i32
          %mul3A_266 = arith.constant 128 : i32
          %mul3A_267 = arith.muli %mul3A_266, %add3A_131 : i32
          %dma_start3A_268 = arith.constant 0 : i32
          %dma_start3A_269 = arith.constant 0 : i32
          %dma_start3A_270 = tpu.memref_slice %run_scoped3A_8[%rem3A_265, %dma_start3A_268, %dma_start3A_269] : memref<2x128x128xf32, #tpu.memory_space<vmem>> -> memref<1x128x128xf32, #tpu.memory_space<vmem>>
          %dma_start3A_271 = tpu.memref_squeeze %dma_start3A_270 : memref<1x128x128xf32, #tpu.memory_space<vmem>> -> memref<128x128xf32, #tpu.memory_space<vmem>>
          %dma_start3A_272 = arith.constant 0 : i32
          %dma_start3A_273 = tpu.memref_slice %arg4[%mul3A_267, %dma_start3A_272] : memref<65536x128xf32, #tpu.memory_space<hbm>> -> memref<128x128xf32, #tpu.memory_space<hbm>>
          %dma_start3A_274 = tpu.memref_slice %run_scoped3A_9[%rem3A_265] : memref<2x!tpu.dma_semaphore, #tpu.memory_space<semaphore_mem>> -> memref<1x!tpu.dma_semaphore, #tpu.memory_space<semaphore_mem>>
          %dma_start3A_275 = tpu.memref_squeeze %dma_start3A_274 : memref<1x!tpu.dma_semaphore, #tpu.memory_space<semaphore_mem>> -> memref<!tpu.dma_semaphore, #tpu.memory_space<semaphore_mem>>
          %dma_start3A_276 = arith.constant 0 : i32
          %dma_start3A_277 = tpu.memref_slice %arg4[%mul3A_267, %dma_start3A_276] : memref<65536x128xf32, #tpu.memory_space<hbm>> -> memref<128x128xf32, #tpu.memory_space<hbm>>
          %dma_start3A_278 = arith.constant 0 : i32
          %dma_start3A_279 = arith.constant 0 : i32
          %dma_start3A_280 = tpu.memref_slice %run_scoped3A_8[%rem3A_265, %dma_start3A_278, %dma_start3A_279] : memref<2x128x128xf32, #tpu.memory_space<vmem>> -> memref<1x128x128xf32, #tpu.memory_space<vmem>>
          %dma_start3A_281 = tpu.memref_squeeze %dma_start3A_280 : memref<1x128x128xf32, #tpu.memory_space<vmem>> -> memref<128x128xf32, #tpu.memory_space<vmem>>
          tpu.enqueue_dma source(%dma_start3A_281 : memref<128x128xf32, #tpu.memory_space<vmem>>) target(%dma_start3A_277 : memref<128x128xf32, #tpu.memory_space<hbm>>) target_semaphore(%dma_start3A_275 : memref<!tpu.dma_semaphore, #tpu.memory_space<semaphore_mem>>)
          "tpu.trace_stop"() : () -> ()
        } else {
        }
        %and3A_217 = arith.constant true
        %and3A_218 = arith.andi %or3A_213, %and3A_217 : i1
        %add3A_219 = arith.constant 1 : i32
        %add3A_220 = arith.addi %scan3A_124, %add3A_219 : i32
        %select_n3A_221 = arith.select %and3A_218, %add3A_220, %scan3A_124 : i32
        %ne3A_222 = arith.cmpi ne, %add3A_131, %add3A_140 : i32
        %or3A_223 = arith.constant false
        %or3A_224 = arith.ori %or3A_223, %ne3A_222 : i1
        %not3A_225 = arith.constant true
        %not3A_226 = arith.xori %eq3A_128, %not3A_225 : i1
        %and3A_227 = arith.andi %or3A_224, %not3A_226 : i1
        %convert_element_type3A_228 = arith.extui %and3A_227 : i1 to i32
        %cond3A_229 = arith.constant 0 : i32
        %cond3A_230 = arith.cmpi ne, %convert_element_type3A_228, %cond3A_229 : i32
        scf.if %cond3A_230 {
        } else {
        }
        %and3A_231 = arith.constant false
        %and3A_232 = arith.andi %and3A_227, %and3A_231 : i1
        %ne3A_233 = arith.cmpi ne, %add3A_131, %add3A_140 : i32
        %or3A_234 = arith.constant false
        %or3A_235 = arith.ori %or3A_234, %ne3A_233 : i1
        %or3A_236 = arith.constant false
        %or3A_237 = arith.ori %or3A_235, %or3A_236 : i1
        %not3A_238 = arith.constant true
        %not3A_239 = arith.xori %eq3A_128, %not3A_238 : i1
        %and3A_240 = arith.andi %or3A_237, %not3A_239 : i1
        %convert_element_type3A_241 = arith.extui %and3A_240 : i1 to i32
        %cond3A_242 = arith.constant 0 : i32
        %cond3A_243 = arith.cmpi ne, %convert_element_type3A_241, %cond3A_242 : i32
        scf.if %cond3A_243 {
          "tpu.trace_start"() <{level = 10 : i32, message = "ep_wait_out"}> : () -> ()
          %rem3A_264 = arith.constant 2 : i32
          %rem3A_265 = arith.remui %scan3A_125, %rem3A_264 : i32
          %mul3A_266 = arith.constant 128 : i32
          %mul3A_267 = arith.muli %mul3A_266, %add3A_140 : i32
          %dma_wait3A_268 = arith.constant 0 : i32
          %dma_wait3A_269 = arith.constant 0 : i32
          %dma_wait3A_270 = tpu.memref_slice %run_scoped3A_8[%rem3A_265, %dma_wait3A_268, %dma_wait3A_269] : memref<2x128x128xf32, #tpu.memory_space<vmem>> -> memref<1x128x128xf32, #tpu.memory_space<vmem>>
          %dma_wait3A_271 = tpu.memref_squeeze %dma_wait3A_270 : memref<1x128x128xf32, #tpu.memory_space<vmem>> -> memref<128x128xf32, #tpu.memory_space<vmem>>
          %dma_wait3A_272 = arith.constant 0 : i32
          %dma_wait3A_273 = tpu.memref_slice %arg4[%mul3A_267, %dma_wait3A_272] : memref<65536x128xf32, #tpu.memory_space<hbm>> -> memref<128x128xf32, #tpu.memory_space<hbm>>
          %dma_wait3A_274 = tpu.memref_slice %run_scoped3A_9[%rem3A_265] : memref<2x!tpu.dma_semaphore, #tpu.memory_space<semaphore_mem>> -> memref<1x!tpu.dma_semaphore, #tpu.memory_space<semaphore_mem>>
          %dma_wait3A_275 = tpu.memref_squeeze %dma_wait3A_274 : memref<1x!tpu.dma_semaphore, #tpu.memory_space<semaphore_mem>> -> memref<!tpu.dma_semaphore, #tpu.memory_space<semaphore_mem>>
          %dma_wait3A_276 = arith.constant 0 : i32
          %dma_wait3A_277 = tpu.memref_slice %arg4[%mul3A_267, %dma_wait3A_276] : memref<65536x128xf32, #tpu.memory_space<hbm>> -> memref<128x128xf32, #tpu.memory_space<hbm>>
          %dma_wait3A_278 = arith.constant 0 : i32
          %dma_wait3A_279 = arith.constant 0 : i32
          %dma_wait3A_280 = tpu.memref_slice %run_scoped3A_8[%rem3A_265, %dma_wait3A_278, %dma_wait3A_279] : memref<2x128x128xf32, #tpu.memory_space<vmem>> -> memref<1x128x128xf32, #tpu.memory_space<vmem>>
          %dma_wait3A_281 = tpu.memref_squeeze %dma_wait3A_280 : memref<1x128x128xf32, #tpu.memory_space<vmem>> -> memref<128x128xf32, #tpu.memory_space<vmem>>
          tpu.wait_dma2 semaphore(%dma_wait3A_275 : memref<!tpu.dma_semaphore, #tpu.memory_space<semaphore_mem>>) src(%dma_wait3A_281 : memref<128x128xf32, #tpu.memory_space<vmem>>) dst(%dma_wait3A_277 : memref<128x128xf32, #tpu.memory_space<hbm>>)
          "tpu.trace_stop"() : () -> ()
        } else {
        }
        %and3A_244 = arith.constant true
        %and3A_245 = arith.andi %and3A_240, %and3A_244 : i1
        %add3A_246 = arith.constant 1 : i32
        %add3A_247 = arith.addi %scan3A_125, %add3A_246 : i32
        %select_n3A_248 = arith.select %and3A_245, %add3A_247, %scan3A_125 : i32
        %ne3A_249 = arith.cmpi ne, %add3A_131, %add3A_149 : i32
        %or3A_250 = arith.constant false
        %or3A_251 = arith.ori %or3A_250, %ne3A_249 : i1
        %or3A_252 = arith.ori %or3A_251, %eq3A_130 : i1
        %add3A_253 = arith.constant 1 : i32
        %add3A_254 = arith.addi %scan3A_123, %add3A_253 : i32
        %select_n3A_255 = arith.select %or3A_252, %add3A_254, %scan3A_123 : i32
        %add3A_256 = arith.constant 1 : i32
        %add3A_257 = arith.addi %scan3A_126, %add3A_256 : i32
        %select_n3A_258 = arith.constant true
        %select_n3A_259 = arith.select %select_n3A_258, %add3A_257, %scan3A_126 : i32
        %eq3A_260 = arith.constant 16 : i32
        %eq3A_261 = arith.cmpi eq, %select_n3A_259, %eq3A_260 : i32
        %select_n3A_262 = arith.constant 0 : i32
        %select_n3A_263 = arith.select %eq3A_261, %select_n3A_262, %select_n3A_259 : i32
        scf.yield %select_n3A_167, %select_n3A_255, %select_n3A_221, %select_n3A_248, %select_n3A_263 : i32, i32, i32, i32, i32
      }
      %scan3A_68 = arith.constant 16 : i32
      %sub3A = arith.constant 1 : i32
      %sub3A_69 = arith.subi %scan3A_67#4, %sub3A : i32
      %select_n3A_70 = arith.constant true
      %select_n3A_71 = arith.select %select_n3A_70, %sub3A_69, %scan3A_67#4 : i32
      %eq3A_72 = arith.constant -1 : i32
      %eq3A_73 = arith.cmpi eq, %select_n3A_71, %eq3A_72 : i32
      %select_n3A_74 = arith.constant 15 : i32
      %select_n3A_75 = arith.select %eq3A_73, %select_n3A_74, %select_n3A_71 : i32
      %add3A_76 = arith.addi %select_n3A_75, %mul3A_6 : i32
      %sub3A_77 = arith.constant 1 : i32
      %sub3A_78 = arith.subi %select_n3A_75, %sub3A_77 : i32
      %select_n3A_79 = arith.constant true
      %select_n3A_80 = arith.select %select_n3A_79, %sub3A_78, %select_n3A_75 : i32
      %eq3A_81 = arith.constant -1 : i32
      %eq3A_82 = arith.cmpi eq, %select_n3A_80, %eq3A_81 : i32
      %select_n3A_83 = arith.constant 15 : i32
      %select_n3A_84 = arith.select %eq3A_82, %select_n3A_83, %select_n3A_80 : i32
      %add3A_85 = arith.addi %select_n3A_84, %mul3A_6 : i32
      %add3A_86 = arith.constant 1 : i32
      %add3A_87 = arith.addi %select_n3A_75, %add3A_86 : i32
      %select_n3A_88 = arith.constant true
      %select_n3A_89 = arith.select %select_n3A_88, %add3A_87, %select_n3A_75 : i32
      %eq3A_90 = arith.constant 16 : i32
      %eq3A_91 = arith.cmpi eq, %select_n3A_89, %eq3A_90 : i32
      %select_n3A_92 = arith.constant 0 : i32
      %select_n3A_93 = arith.select %eq3A_91, %select_n3A_92, %select_n3A_89 : i32
      %add3A_94 = arith.addi %select_n3A_93, %mul3A_6 : i32
      %add3A_95 = arith.constant 1 : i32
      %add3A_96 = arith.addi %select_n3A_93, %add3A_95 : i32
      %select_n3A_97 = arith.constant true
      %select_n3A_98 = arith.select %select_n3A_97, %add3A_96, %select_n3A_93 : i32
      %eq3A_99 = arith.constant 16 : i32
      %eq3A_100 = arith.cmpi eq, %select_n3A_98, %eq3A_99 : i32
      %select_n3A_101 = arith.constant 0 : i32
      %select_n3A_102 = arith.select %eq3A_100, %select_n3A_101, %select_n3A_98 : i32
      %add3A_103 = arith.addi %select_n3A_102, %mul3A_6 : i32
      "tpu.trace_start"() <{level = 10 : i32, message = "ep_finalize"}> : () -> ()
      %rem3A_104 = arith.constant 2 : i32
      %rem3A_105 = arith.remui %scan3A_67#3, %rem3A_104 : i32
      %mul3A_106 = arith.constant 128 : i32
      %mul3A_107 = arith.muli %mul3A_106, %add3A_76 : i32
      %dma_wait3A = arith.constant 0 : i32
      %dma_wait3A_108 = arith.constant 0 : i32
      %dma_wait3A_109 = tpu.memref_slice %run_scoped3A_8[%rem3A_105, %dma_wait3A, %dma_wait3A_108] : memref<2x128x128xf32, #tpu.memory_space<vmem>> -> memref<1x128x128xf32, #tpu.memory_space<vmem>>
      %dma_wait3A_110 = tpu.memref_squeeze %dma_wait3A_109 : memref<1x128x128xf32, #tpu.memory_space<vmem>> -> memref<128x128xf32, #tpu.memory_space<vmem>>
      %dma_wait3A_111 = arith.constant 0 : i32
      %dma_wait3A_112 = tpu.memref_slice %arg4[%mul3A_107, %dma_wait3A_111] : memref<65536x128xf32, #tpu.memory_space<hbm>> -> memref<128x128xf32, #tpu.memory_space<hbm>>
      %dma_wait3A_113 = tpu.memref_slice %run_scoped3A_9[%rem3A_105] : memref<2x!tpu.dma_semaphore, #tpu.memory_space<semaphore_mem>> -> memref<1x!tpu.dma_semaphore, #tpu.memory_space<semaphore_mem>>
      %dma_wait3A_114 = tpu.memref_squeeze %dma_wait3A_113 : memref<1x!tpu.dma_semaphore, #tpu.memory_space<semaphore_mem>> -> memref<!tpu.dma_semaphore, #tpu.memory_space<semaphore_mem>>
      %dma_wait3A_115 = arith.constant 0 : i32
      %dma_wait3A_116 = tpu.memref_slice %arg4[%mul3A_107, %dma_wait3A_115] : memref<65536x128xf32, #tpu.memory_space<hbm>> -> memref<128x128xf32, #tpu.memory_space<hbm>>
      %dma_wait3A_117 = arith.constant 0 : i32
      %dma_wait3A_118 = arith.constant 0 : i32
      %dma_wait3A_119 = tpu.memref_slice %run_scoped3A_8[%rem3A_105, %dma_wait3A_117, %dma_wait3A_118] : memref<2x128x128xf32, #tpu.memory_space<vmem>> -> memref<1x128x128xf32, #tpu.memory_space<vmem>>
      %dma_wait3A_120 = tpu.memref_squeeze %dma_wait3A_119 : memref<1x128x128xf32, #tpu.memory_space<vmem>> -> memref<128x128xf32, #tpu.memory_space<vmem>>
      tpu.wait_dma2 semaphore(%dma_wait3A_114 : memref<!tpu.dma_semaphore, #tpu.memory_space<semaphore_mem>>) src(%dma_wait3A_120 : memref<128x128xf32, #tpu.memory_space<vmem>>) dst(%dma_wait3A_116 : memref<128x128xf32, #tpu.memory_space<hbm>>)
      "tpu.trace_stop"() : () -> ()
      tpu.yield
    }) : () -> ()
    return
  }
}

module attributes {stable_mosaic.version = 14 : i64} {
  func.func @_topk_body(%arg0: i32, %arg1: memref<256x64xf32, #tpu.memory_space<vmem>>, %arg2: memref<8192x64xf32, #tpu.memory_space<vmem>>, %arg3: memref<256x16xi32, #tpu.memory_space<vmem>>, %arg4: memref<1x8192xf32, #tpu.memory_space<vmem>>) attributes {dimension_semantics = [#tpu.dimension_semantics<arbitrary>], iteration_bounds = array<i64: 16>, scalar_prefetch = 0 : i64, scratch_operands = 1 : i64, tpu.core_type = #tpu.core_type<tc>, window_params = [{transform_indices = @transform_0, window_bounds = array<i64: 256, 64>}, {pipeline_mode = #tpu.pipeline_mode<synchronous>, transform_indices = @transform_1, window_bounds = array<i64: 8192, 64>}, {transform_indices = @transform_2, window_bounds = array<i64: 256, 16>}]} {
    %get3A = arith.constant 0 : index
    %get3A_0 = arith.constant 0 : index
    %get3A_1 = vector.load %arg2[%get3A, %get3A_0] : memref<8192x64xf32, #tpu.memory_space<vmem>>, vector<8192x64xf32>
    %eq3A = arith.constant 0 : i32
    %eq3A_2 = arith.cmpi eq, %arg0, %eq3A : i32
    %convert_element_type3A = arith.extui %eq3A_2 : i1 to i32
    %cond3A = arith.constant 0 : i32
    %cond3A_3 = arith.cmpi ne, %convert_element_type3A, %cond3A : i32
    scf.if %cond3A_3 {
      %mul3A_862 = arith.mulf %get3A_1, %get3A_1 : vector<8192x64xf32>
      %reduce_sum3A_863 = arith.constant dense<0.000000e+00> : vector<8192xf32>
      %reduce_sum3A_864 = vector.multi_reduction <add>, %mul3A_862, %reduce_sum3A_863 [1] : vector<8192x64xf32> to vector<8192xf32>
      %broadcast_in_dim3A_865 = vector.shape_cast %reduce_sum3A_864 : vector<8192xf32> to vector<1x8192xf32>
      %swap3A_866 = arith.constant 0 : index
      %swap3A_867 = arith.constant 0 : index
      %swap3A_868 = vector.load %arg4[%swap3A_866, %swap3A_867] : memref<1x8192xf32, #tpu.memory_space<vmem>>, vector<1x8192xf32>
      tpu.vector_store %arg4[%swap3A_866, %swap3A_867], %broadcast_in_dim3A_865 {strides = array<i32>} : memref<1x8192xf32, #tpu.memory_space<vmem>>, vector<1x8192xf32>,
    } else {
    }
    %get3A_4 = arith.constant 0 : index
    %get3A_5 = arith.constant 0 : index
    %get3A_6 = vector.load %arg1[%get3A_4, %get3A_5] : memref<256x64xf32, #tpu.memory_space<vmem>>, vector<256x64xf32>
    %mul3A = arith.mulf %get3A_6, %get3A_6 : vector<256x64xf32>
    %reduce_sum3A = arith.constant dense<0.000000e+00> : vector<256xf32>
    %reduce_sum3A_7 = vector.multi_reduction <add>, %mul3A, %reduce_sum3A [1] : vector<256x64xf32> to vector<256xf32>
    %broadcast_in_dim3A = vector.shape_cast %reduce_sum3A_7 : vector<256xf32> to vector<256x1xf32>
    %convert_element_type3A_8 = arith.truncf %get3A_6 : vector<256x64xf32> to vector<256x64xbf16>
    %convert_element_type3A_9 = arith.truncf %get3A_1 : vector<8192x64xf32> to vector<8192x64xbf16>
    %dot_general3A = arith.constant dense<0.000000e+00> : vector<256x8192xf32>
    %dot_general3A_10 = tpu.matmul %convert_element_type3A_8, %convert_element_type3A_9, %dot_general3A {dimension_numbers = #tpu.dot_dimension_numbers<[1], [1], [0], [0], [0, 0, 1, 0], [], []>, transpose_lhs_hint = false} : vector<256x64xbf16>, vector<8192x64xbf16>, vector<256x8192xf32> -> vector<256x8192xf32>
    %get3A_11 = arith.constant 0 : index
    %get3A_12 = arith.constant 0 : index
    %get3A_13 = vector.load %arg4[%get3A_11, %get3A_12] : memref<1x8192xf32, #tpu.memory_space<vmem>>, vector<1x8192xf32>
    %add3A = vector.broadcast %broadcast_in_dim3A : vector<256x1xf32> to vector<256x8192xf32>
    %add3A_14 = vector.broadcast %get3A_13 : vector<1x8192xf32> to vector<256x8192xf32>
    %add3A_15 = arith.addf %add3A, %add3A_14 : vector<256x8192xf32>
    %mul3A_16 = arith.constant 2.000000e+00 : f32
    %mul3A_17 = vector.broadcast %mul3A_16 : f32 to vector<256x8192xf32>
    %mul3A_18 = arith.mulf %mul3A_17, %dot_general3A_10 : vector<256x8192xf32>
    %sub3A = arith.subf %add3A_15, %mul3A_18 : vector<256x8192xf32>
    %mul3A_19 = arith.constant 256 : i32
    %mul3A_20 = arith.muli %arg0, %mul3A_19 : i32
    %add3A_21 = arith.constant 0 : i32
    %add3A_22 = arith.addi %add3A_21, %mul3A_20 : i32
    %iota3A = tpu.iota {dimensions = array<i32: 0>} : vector<256x1xi32>
    %add3A_23 = vector.broadcast %add3A_22 : i32 to vector<256x1xi32>
    %add3A_24 = arith.addi %add3A_23, %iota3A : vector<256x1xi32>
    %iota3A_25 = tpu.iota {dimensions = array<i32: 1>} : vector<256x1024xi32>
    %add3A_26 = arith.constant 0 : i32
    %add3A_27 = vector.broadcast %add3A_26 : i32 to vector<256x1024xi32>
    %add3A_28 = arith.addi %iota3A_25, %add3A_27 : vector<256x1024xi32>
    %slice3A = vector.extract_strided_slice %sub3A {offsets = [0, 0], sizes = [256, 1024], strides = [1, 1]} : vector<256x8192xf32> to vector<256x1024xf32>
    %eq3A_29 = vector.broadcast %add3A_24 : vector<256x1xi32> to vector<256x1024xi32>
    %eq3A_30 = arith.cmpi eq, %add3A_28, %eq3A_29 : vector<256x1024xi32>
    %jit3A = arith.constant 1.000000e+09 : f32
    %jit3A_31 = arith.constant 0.000000e+00 : f32
    %broadcast_in_dim3A_32 = vector.broadcast %jit3A : f32 to vector<256x1024xf32>
    %broadcast_in_dim3A_33 = vector.broadcast %jit3A_31 : f32 to vector<256x1024xf32>
    %select_n3A = arith.select %eq3A_30, %broadcast_in_dim3A_32, %broadcast_in_dim3A_33 : vector<256x1024xi1>, vector<256x1024xf32>
    %add3A_34 = arith.addf %slice3A, %select_n3A : vector<256x1024xf32>
    %broadcast_in_dim3A_35 = arith.constant 0 : i32
    %broadcast_in_dim3A_36 = vector.broadcast %broadcast_in_dim3A_35 : i32 to vector<256x1024xi32>
    %add3A_37 = arith.constant 1024 : i32
    %add3A_38 = vector.broadcast %add3A_37 : i32 to vector<256x1024xi32>
    %add3A_39 = arith.addi %iota3A_25, %add3A_38 : vector<256x1024xi32>
    %slice3A_40 = vector.extract_strided_slice %sub3A {offsets = [0, 1024], sizes = [256, 1024], strides = [1, 1]} : vector<256x8192xf32> to vector<256x1024xf32>
    %eq3A_41 = vector.broadcast %add3A_24 : vector<256x1xi32> to vector<256x1024xi32>
    %eq3A_42 = arith.cmpi eq, %add3A_39, %eq3A_41 : vector<256x1024xi32>
    %jit3A_43 = arith.constant 1.000000e+09 : f32
    %jit3A_44 = arith.constant 0.000000e+00 : f32
    %broadcast_in_dim3A_45 = vector.broadcast %jit3A_43 : f32 to vector<256x1024xf32>
    %broadcast_in_dim3A_46 = vector.broadcast %jit3A_44 : f32 to vector<256x1024xf32>
    %select_n3A_47 = arith.select %eq3A_42, %broadcast_in_dim3A_45, %broadcast_in_dim3A_46 : vector<256x1024xi1>, vector<256x1024xf32>
    %add3A_48 = arith.addf %slice3A_40, %select_n3A_47 : vector<256x1024xf32>
    %broadcast_in_dim3A_49 = arith.constant 1 : i32
    %broadcast_in_dim3A_50 = vector.broadcast %broadcast_in_dim3A_49 : i32 to vector<256x1024xi32>
    %add3A_51 = arith.constant 2048 : i32
    %add3A_52 = vector.broadcast %add3A_51 : i32 to vector<256x1024xi32>
    %add3A_53 = arith.addi %iota3A_25, %add3A_52 : vector<256x1024xi32>
    %slice3A_54 = vector.extract_strided_slice %sub3A {offsets = [0, 2048], sizes = [256, 1024], strides = [1, 1]} : vector<256x8192xf32> to vector<256x1024xf32>
    %eq3A_55 = vector.broadcast %add3A_24 : vector<256x1xi32> to vector<256x1024xi32>
    %eq3A_56 = arith.cmpi eq, %add3A_53, %eq3A_55 : vector<256x1024xi32>
    %jit3A_57 = arith.constant 1.000000e+09 : f32
    %jit3A_58 = arith.constant 0.000000e+00 : f32
    %broadcast_in_dim3A_59 = vector.broadcast %jit3A_57 : f32 to vector<256x1024xf32>
    %broadcast_in_dim3A_60 = vector.broadcast %jit3A_58 : f32 to vector<256x1024xf32>
    %select_n3A_61 = arith.select %eq3A_56, %broadcast_in_dim3A_59, %broadcast_in_dim3A_60 : vector<256x1024xi1>, vector<256x1024xf32>
    %add3A_62 = arith.addf %slice3A_54, %select_n3A_61 : vector<256x1024xf32>
    %broadcast_in_dim3A_63 = arith.constant 2 : i32
    %broadcast_in_dim3A_64 = vector.broadcast %broadcast_in_dim3A_63 : i32 to vector<256x1024xi32>
    %add3A_65 = arith.constant 3072 : i32
    %add3A_66 = vector.broadcast %add3A_65 : i32 to vector<256x1024xi32>
    %add3A_67 = arith.addi %iota3A_25, %add3A_66 : vector<256x1024xi32>
    %slice3A_68 = vector.extract_strided_slice %sub3A {offsets = [0, 3072], sizes = [256, 1024], strides = [1, 1]} : vector<256x8192xf32> to vector<256x1024xf32>
    %eq3A_69 = vector.broadcast %add3A_24 : vector<256x1xi32> to vector<256x1024xi32>
    %eq3A_70 = arith.cmpi eq, %add3A_67, %eq3A_69 : vector<256x1024xi32>
    %jit3A_71 = arith.constant 1.000000e+09 : f32
    %jit3A_72 = arith.constant 0.000000e+00 : f32
    %broadcast_in_dim3A_73 = vector.broadcast %jit3A_71 : f32 to vector<256x1024xf32>
    %broadcast_in_dim3A_74 = vector.broadcast %jit3A_72 : f32 to vector<256x1024xf32>
    %select_n3A_75 = arith.select %eq3A_70, %broadcast_in_dim3A_73, %broadcast_in_dim3A_74 : vector<256x1024xi1>, vector<256x1024xf32>
    %add3A_76 = arith.addf %slice3A_68, %select_n3A_75 : vector<256x1024xf32>
    %broadcast_in_dim3A_77 = arith.constant 3 : i32
    %broadcast_in_dim3A_78 = vector.broadcast %broadcast_in_dim3A_77 : i32 to vector<256x1024xi32>
    %add3A_79 = arith.constant 4096 : i32
    %add3A_80 = vector.broadcast %add3A_79 : i32 to vector<256x1024xi32>
    %add3A_81 = arith.addi %iota3A_25, %add3A_80 : vector<256x1024xi32>
    %slice3A_82 = vector.extract_strided_slice %sub3A {offsets = [0, 4096], sizes = [256, 1024], strides = [1, 1]} : vector<256x8192xf32> to vector<256x1024xf32>
    %eq3A_83 = vector.broadcast %add3A_24 : vector<256x1xi32> to vector<256x1024xi32>
    %eq3A_84 = arith.cmpi eq, %add3A_81, %eq3A_83 : vector<256x1024xi32>
    %jit3A_85 = arith.constant 1.000000e+09 : f32
    %jit3A_86 = arith.constant 0.000000e+00 : f32
    %broadcast_in_dim3A_87 = vector.broadcast %jit3A_85 : f32 to vector<256x1024xf32>
    %broadcast_in_dim3A_88 = vector.broadcast %jit3A_86 : f32 to vector<256x1024xf32>
    %select_n3A_89 = arith.select %eq3A_84, %broadcast_in_dim3A_87, %broadcast_in_dim3A_88 : vector<256x1024xi1>, vector<256x1024xf32>
    %add3A_90 = arith.addf %slice3A_82, %select_n3A_89 : vector<256x1024xf32>
    %broadcast_in_dim3A_91 = arith.constant 4 : i32
    %broadcast_in_dim3A_92 = vector.broadcast %broadcast_in_dim3A_91 : i32 to vector<256x1024xi32>
    %add3A_93 = arith.constant 5120 : i32
    %add3A_94 = vector.broadcast %add3A_93 : i32 to vector<256x1024xi32>
    %add3A_95 = arith.addi %iota3A_25, %add3A_94 : vector<256x1024xi32>
    %slice3A_96 = vector.extract_strided_slice %sub3A {offsets = [0, 5120], sizes = [256, 1024], strides = [1, 1]} : vector<256x8192xf32> to vector<256x1024xf32>
    %eq3A_97 = vector.broadcast %add3A_24 : vector<256x1xi32> to vector<256x1024xi32>
    %eq3A_98 = arith.cmpi eq, %add3A_95, %eq3A_97 : vector<256x1024xi32>
    %jit3A_99 = arith.constant 1.000000e+09 : f32
    %jit3A_100 = arith.constant 0.000000e+00 : f32
    %broadcast_in_dim3A_101 = vector.broadcast %jit3A_99 : f32 to vector<256x1024xf32>
    %broadcast_in_dim3A_102 = vector.broadcast %jit3A_100 : f32 to vector<256x1024xf32>
    %select_n3A_103 = arith.select %eq3A_98, %broadcast_in_dim3A_101, %broadcast_in_dim3A_102 : vector<256x1024xi1>, vector<256x1024xf32>
    %add3A_104 = arith.addf %slice3A_96, %select_n3A_103 : vector<256x1024xf32>
    %broadcast_in_dim3A_105 = arith.constant 5 : i32
    %broadcast_in_dim3A_106 = vector.broadcast %broadcast_in_dim3A_105 : i32 to vector<256x1024xi32>
    %add3A_107 = arith.constant 6144 : i32
    %add3A_108 = vector.broadcast %add3A_107 : i32 to vector<256x1024xi32>
    %add3A_109 = arith.addi %iota3A_25, %add3A_108 : vector<256x1024xi32>
    %slice3A_110 = vector.extract_strided_slice %sub3A {offsets = [0, 6144], sizes = [256, 1024], strides = [1, 1]} : vector<256x8192xf32> to vector<256x1024xf32>
    %eq3A_111 = vector.broadcast %add3A_24 : vector<256x1xi32> to vector<256x1024xi32>
    %eq3A_112 = arith.cmpi eq, %add3A_109, %eq3A_111 : vector<256x1024xi32>
    %jit3A_113 = arith.constant 1.000000e+09 : f32
    %jit3A_114 = arith.constant 0.000000e+00 : f32
    %broadcast_in_dim3A_115 = vector.broadcast %jit3A_113 : f32 to vector<256x1024xf32>
    %broadcast_in_dim3A_116 = vector.broadcast %jit3A_114 : f32 to vector<256x1024xf32>
    %select_n3A_117 = arith.select %eq3A_112, %broadcast_in_dim3A_115, %broadcast_in_dim3A_116 : vector<256x1024xi1>, vector<256x1024xf32>
    %add3A_118 = arith.addf %slice3A_110, %select_n3A_117 : vector<256x1024xf32>
    %broadcast_in_dim3A_119 = arith.constant 6 : i32
    %broadcast_in_dim3A_120 = vector.broadcast %broadcast_in_dim3A_119 : i32 to vector<256x1024xi32>
    %add3A_121 = arith.constant 7168 : i32
    %add3A_122 = vector.broadcast %add3A_121 : i32 to vector<256x1024xi32>
    %add3A_123 = arith.addi %iota3A_25, %add3A_122 : vector<256x1024xi32>
    %slice3A_124 = vector.extract_strided_slice %sub3A {offsets = [0, 7168], sizes = [256, 1024], strides = [1, 1]} : vector<256x8192xf32> to vector<256x1024xf32>
    %eq3A_125 = vector.broadcast %add3A_24 : vector<256x1xi32> to vector<256x1024xi32>
    %eq3A_126 = arith.cmpi eq, %add3A_123, %eq3A_125 : vector<256x1024xi32>
    %jit3A_127 = arith.constant 1.000000e+09 : f32
    %jit3A_128 = arith.constant 0.000000e+00 : f32
    %broadcast_in_dim3A_129 = vector.broadcast %jit3A_127 : f32 to vector<256x1024xf32>
    %broadcast_in_dim3A_130 = vector.broadcast %jit3A_128 : f32 to vector<256x1024xf32>
    %select_n3A_131 = arith.select %eq3A_126, %broadcast_in_dim3A_129, %broadcast_in_dim3A_130 : vector<256x1024xi1>, vector<256x1024xf32>
    %add3A_132 = arith.addf %slice3A_124, %select_n3A_131 : vector<256x1024xf32>
    %broadcast_in_dim3A_133 = arith.constant 7 : i32
    %broadcast_in_dim3A_134 = vector.broadcast %broadcast_in_dim3A_133 : i32 to vector<256x1024xi32>
    %lt3A = arith.cmpf olt, %add3A_48, %add3A_34 : vector<256x1024xf32>
    %min3A = arith.minimumf %add3A_34, %add3A_48 : vector<256x1024xf32>
    %select_n3A_135 = arith.select %lt3A, %broadcast_in_dim3A_50, %broadcast_in_dim3A_36 : vector<256x1024xi1>, vector<256x1024xi32>
    %max3A = arith.maximumf %add3A_34, %add3A_48 : vector<256x1024xf32>
    %select_n3A_136 = arith.select %lt3A, %broadcast_in_dim3A_36, %broadcast_in_dim3A_50 : vector<256x1024xi1>, vector<256x1024xi32>
    %lt3A_137 = arith.cmpf olt, %add3A_76, %add3A_62 : vector<256x1024xf32>
    %min3A_138 = arith.minimumf %add3A_62, %add3A_76 : vector<256x1024xf32>
    %select_n3A_139 = arith.select %lt3A_137, %broadcast_in_dim3A_78, %broadcast_in_dim3A_64 : vector<256x1024xi1>, vector<256x1024xi32>
    %max3A_140 = arith.maximumf %add3A_62, %add3A_76 : vector<256x1024xf32>
    %select_n3A_141 = arith.select %lt3A_137, %broadcast_in_dim3A_64, %broadcast_in_dim3A_78 : vector<256x1024xi1>, vector<256x1024xi32>
    %lt3A_142 = arith.cmpf olt, %add3A_104, %add3A_90 : vector<256x1024xf32>
    %min3A_143 = arith.minimumf %add3A_90, %add3A_104 : vector<256x1024xf32>
    %select_n3A_144 = arith.select %lt3A_142, %broadcast_in_dim3A_106, %broadcast_in_dim3A_92 : vector<256x1024xi1>, vector<256x1024xi32>
    %max3A_145 = arith.maximumf %add3A_90, %add3A_104 : vector<256x1024xf32>
    %select_n3A_146 = arith.select %lt3A_142, %broadcast_in_dim3A_92, %broadcast_in_dim3A_106 : vector<256x1024xi1>, vector<256x1024xi32>
    %lt3A_147 = arith.cmpf olt, %add3A_132, %add3A_118 : vector<256x1024xf32>
    %min3A_148 = arith.minimumf %add3A_118, %add3A_132 : vector<256x1024xf32>
    %select_n3A_149 = arith.select %lt3A_147, %broadcast_in_dim3A_134, %broadcast_in_dim3A_120 : vector<256x1024xi1>, vector<256x1024xi32>
    %max3A_150 = arith.maximumf %add3A_118, %add3A_132 : vector<256x1024xf32>
    %select_n3A_151 = arith.select %lt3A_147, %broadcast_in_dim3A_120, %broadcast_in_dim3A_134 : vector<256x1024xi1>, vector<256x1024xi32>
    %lt3A_152 = arith.cmpf olt, %min3A_138, %max3A : vector<256x1024xf32>
    %min3A_153 = arith.minimumf %max3A, %min3A_138 : vector<256x1024xf32>
    %select_n3A_154 = arith.select %lt3A_152, %select_n3A_139, %select_n3A_136 : vector<256x1024xi1>, vector<256x1024xi32>
    %max3A_155 = arith.maximumf %max3A, %min3A_138 : vector<256x1024xf32>
    %select_n3A_156 = arith.select %lt3A_152, %select_n3A_136, %select_n3A_139 : vector<256x1024xi1>, vector<256x1024xi32>
    %lt3A_157 = arith.cmpf olt, %min3A_143, %max3A_140 : vector<256x1024xf32>
    %min3A_158 = arith.minimumf %max3A_140, %min3A_143 : vector<256x1024xf32>
    %select_n3A_159 = arith.select %lt3A_157, %select_n3A_144, %select_n3A_141 : vector<256x1024xi1>, vector<256x1024xi32>
    %max3A_160 = arith.maximumf %max3A_140, %min3A_143 : vector<256x1024xf32>
    %select_n3A_161 = arith.select %lt3A_157, %select_n3A_141, %select_n3A_144 : vector<256x1024xi1>, vector<256x1024xi32>
    %lt3A_162 = arith.cmpf olt, %min3A_148, %max3A_145 : vector<256x1024xf32>
    %min3A_163 = arith.minimumf %max3A_145, %min3A_148 : vector<256x1024xf32>
    %select_n3A_164 = arith.select %lt3A_162, %select_n3A_149, %select_n3A_146 : vector<256x1024xi1>, vector<256x1024xi32>
    %max3A_165 = arith.maximumf %max3A_145, %min3A_148 : vector<256x1024xf32>
    %select_n3A_166 = arith.select %lt3A_162, %select_n3A_146, %select_n3A_149 : vector<256x1024xi1>, vector<256x1024xi32>
    %lt3A_167 = arith.cmpf olt, %min3A_153, %min3A : vector<256x1024xf32>
    %min3A_168 = arith.minimumf %min3A, %min3A_153 : vector<256x1024xf32>
    %select_n3A_169 = arith.select %lt3A_167, %select_n3A_154, %select_n3A_135 : vector<256x1024xi1>, vector<256x1024xi32>
    %max3A_170 = arith.maximumf %min3A, %min3A_153 : vector<256x1024xf32>
    %select_n3A_171 = arith.select %lt3A_167, %select_n3A_135, %select_n3A_154 : vector<256x1024xi1>, vector<256x1024xi32>
    %lt3A_172 = arith.cmpf olt, %min3A_158, %max3A_155 : vector<256x1024xf32>
    %min3A_173 = arith.minimumf %max3A_155, %min3A_158 : vector<256x1024xf32>
    %select_n3A_174 = arith.select %lt3A_172, %select_n3A_159, %select_n3A_156 : vector<256x1024xi1>, vector<256x1024xi32>
    %max3A_175 = arith.maximumf %max3A_155, %min3A_158 : vector<256x1024xf32>
    %select_n3A_176 = arith.select %lt3A_172, %select_n3A_156, %select_n3A_159 : vector<256x1024xi1>, vector<256x1024xi32>
    %lt3A_177 = arith.cmpf olt, %min3A_163, %max3A_160 : vector<256x1024xf32>
    %min3A_178 = arith.minimumf %max3A_160, %min3A_163 : vector<256x1024xf32>
    %select_n3A_179 = arith.select %lt3A_177, %select_n3A_164, %select_n3A_161 : vector<256x1024xi1>, vector<256x1024xi32>
    %max3A_180 = arith.maximumf %max3A_160, %min3A_163 : vector<256x1024xf32>
    %select_n3A_181 = arith.select %lt3A_177, %select_n3A_161, %select_n3A_164 : vector<256x1024xi1>, vector<256x1024xi32>
    %lt3A_182 = arith.cmpf olt, %max3A_150, %max3A_165 : vector<256x1024xf32>
    %min3A_183 = arith.minimumf %max3A_165, %max3A_150 : vector<256x1024xf32>
    %select_n3A_184 = arith.select %lt3A_182, %select_n3A_151, %select_n3A_166 : vector<256x1024xi1>, vector<256x1024xi32>
    %max3A_185 = arith.maximumf %max3A_165, %max3A_150 : vector<256x1024xf32>
    %select_n3A_186 = arith.select %lt3A_182, %select_n3A_166, %select_n3A_151 : vector<256x1024xi1>, vector<256x1024xi32>
    %lt3A_187 = arith.cmpf olt, %min3A_173, %max3A_170 : vector<256x1024xf32>
    %min3A_188 = arith.minimumf %max3A_170, %min3A_173 : vector<256x1024xf32>
    %select_n3A_189 = arith.select %lt3A_187, %select_n3A_174, %select_n3A_171 : vector<256x1024xi1>, vector<256x1024xi32>
    %max3A_190 = arith.maximumf %max3A_170, %min3A_173 : vector<256x1024xf32>
    %select_n3A_191 = arith.select %lt3A_187, %select_n3A_171, %select_n3A_174 : vector<256x1024xi1>, vector<256x1024xi32>
    %lt3A_192 = arith.cmpf olt, %min3A_178, %max3A_175 : vector<256x1024xf32>
    %min3A_193 = arith.minimumf %max3A_175, %min3A_178 : vector<256x1024xf32>
    %select_n3A_194 = arith.select %lt3A_192, %select_n3A_179, %select_n3A_176 : vector<256x1024xi1>, vector<256x1024xi32>
    %max3A_195 = arith.maximumf %max3A_175, %min3A_178 : vector<256x1024xf32>
    %select_n3A_196 = arith.select %lt3A_192, %select_n3A_176, %select_n3A_179 : vector<256x1024xi1>, vector<256x1024xi32>
    %lt3A_197 = arith.cmpf olt, %min3A_183, %max3A_180 : vector<256x1024xf32>
    %min3A_198 = arith.minimumf %max3A_180, %min3A_183 : vector<256x1024xf32>
    %select_n3A_199 = arith.select %lt3A_197, %select_n3A_184, %select_n3A_181 : vector<256x1024xi1>, vector<256x1024xi32>
    %max3A_200 = arith.maximumf %max3A_180, %min3A_183 : vector<256x1024xf32>
    %select_n3A_201 = arith.select %lt3A_197, %select_n3A_181, %select_n3A_184 : vector<256x1024xi1>, vector<256x1024xi32>
    %lt3A_202 = arith.cmpf olt, %min3A_188, %min3A_168 : vector<256x1024xf32>
    %min3A_203 = arith.minimumf %min3A_168, %min3A_188 : vector<256x1024xf32>
    %select_n3A_204 = arith.select %lt3A_202, %select_n3A_189, %select_n3A_169 : vector<256x1024xi1>, vector<256x1024xi32>
    %max3A_205 = arith.maximumf %min3A_168, %min3A_188 : vector<256x1024xf32>
    %select_n3A_206 = arith.select %lt3A_202, %select_n3A_169, %select_n3A_189 : vector<256x1024xi1>, vector<256x1024xi32>
    %lt3A_207 = arith.cmpf olt, %min3A_193, %max3A_190 : vector<256x1024xf32>
    %min3A_208 = arith.minimumf %max3A_190, %min3A_193 : vector<256x1024xf32>
    %select_n3A_209 = arith.select %lt3A_207, %select_n3A_194, %select_n3A_191 : vector<256x1024xi1>, vector<256x1024xi32>
    %max3A_210 = arith.maximumf %max3A_190, %min3A_193 : vector<256x1024xf32>
    %select_n3A_211 = arith.select %lt3A_207, %select_n3A_191, %select_n3A_194 : vector<256x1024xi1>, vector<256x1024xi32>
    %lt3A_212 = arith.cmpf olt, %min3A_198, %max3A_195 : vector<256x1024xf32>
    %min3A_213 = arith.minimumf %max3A_195, %min3A_198 : vector<256x1024xf32>
    %select_n3A_214 = arith.select %lt3A_212, %select_n3A_199, %select_n3A_196 : vector<256x1024xi1>, vector<256x1024xi32>
    %max3A_215 = arith.maximumf %max3A_195, %min3A_198 : vector<256x1024xf32>
    %select_n3A_216 = arith.select %lt3A_212, %select_n3A_196, %select_n3A_199 : vector<256x1024xi1>, vector<256x1024xi32>
    %lt3A_217 = arith.cmpf olt, %max3A_185, %max3A_200 : vector<256x1024xf32>
    %min3A_218 = arith.minimumf %max3A_200, %max3A_185 : vector<256x1024xf32>
    %select_n3A_219 = arith.select %lt3A_217, %select_n3A_186, %select_n3A_201 : vector<256x1024xi1>, vector<256x1024xi32>
    %max3A_220 = arith.maximumf %max3A_200, %max3A_185 : vector<256x1024xf32>
    %select_n3A_221 = arith.select %lt3A_217, %select_n3A_201, %select_n3A_186 : vector<256x1024xi1>, vector<256x1024xi32>
    %lt3A_222 = arith.cmpf olt, %min3A_208, %max3A_205 : vector<256x1024xf32>
    %min3A_223 = arith.minimumf %max3A_205, %min3A_208 : vector<256x1024xf32>
    %select_n3A_224 = arith.select %lt3A_222, %select_n3A_209, %select_n3A_206 : vector<256x1024xi1>, vector<256x1024xi32>
    %max3A_225 = arith.maximumf %max3A_205, %min3A_208 : vector<256x1024xf32>
    %select_n3A_226 = arith.select %lt3A_222, %select_n3A_206, %select_n3A_209 : vector<256x1024xi1>, vector<256x1024xi32>
    %lt3A_227 = arith.cmpf olt, %min3A_213, %max3A_210 : vector<256x1024xf32>
    %min3A_228 = arith.minimumf %max3A_210, %min3A_213 : vector<256x1024xf32>
    %select_n3A_229 = arith.select %lt3A_227, %select_n3A_214, %select_n3A_211 : vector<256x1024xi1>, vector<256x1024xi32>
    %max3A_230 = arith.maximumf %max3A_210, %min3A_213 : vector<256x1024xf32>
    %select_n3A_231 = arith.select %lt3A_227, %select_n3A_211, %select_n3A_214 : vector<256x1024xi1>, vector<256x1024xi32>
    %lt3A_232 = arith.cmpf olt, %min3A_218, %max3A_215 : vector<256x1024xf32>
    %min3A_233 = arith.minimumf %max3A_215, %min3A_218 : vector<256x1024xf32>
    %select_n3A_234 = arith.select %lt3A_232, %select_n3A_219, %select_n3A_216 : vector<256x1024xi1>, vector<256x1024xi32>
    %max3A_235 = arith.maximumf %max3A_215, %min3A_218 : vector<256x1024xf32>
    %select_n3A_236 = arith.select %lt3A_232, %select_n3A_216, %select_n3A_219 : vector<256x1024xi1>, vector<256x1024xi32>
    %lt3A_237 = arith.cmpf olt, %min3A_223, %min3A_203 : vector<256x1024xf32>
    %min3A_238 = arith.minimumf %min3A_203, %min3A_223 : vector<256x1024xf32>
    %select_n3A_239 = arith.select %lt3A_237, %select_n3A_224, %select_n3A_204 : vector<256x1024xi1>, vector<256x1024xi32>
    %max3A_240 = arith.maximumf %min3A_203, %min3A_223 : vector<256x1024xf32>
    %select_n3A_241 = arith.select %lt3A_237, %select_n3A_204, %select_n3A_224 : vector<256x1024xi1>, vector<256x1024xi32>
    %lt3A_242 = arith.cmpf olt, %min3A_228, %max3A_225 : vector<256x1024xf32>
    %min3A_243 = arith.minimumf %max3A_225, %min3A_228 : vector<256x1024xf32>
    %select_n3A_244 = arith.select %lt3A_242, %select_n3A_229, %select_n3A_226 : vector<256x1024xi1>, vector<256x1024xi32>
    %max3A_245 = arith.maximumf %max3A_225, %min3A_228 : vector<256x1024xf32>
    %select_n3A_246 = arith.select %lt3A_242, %select_n3A_226, %select_n3A_229 : vector<256x1024xi1>, vector<256x1024xi32>
    %lt3A_247 = arith.cmpf olt, %min3A_233, %max3A_230 : vector<256x1024xf32>
    %min3A_248 = arith.minimumf %max3A_230, %min3A_233 : vector<256x1024xf32>
    %select_n3A_249 = arith.select %lt3A_247, %select_n3A_234, %select_n3A_231 : vector<256x1024xi1>, vector<256x1024xi32>
    %max3A_250 = arith.maximumf %max3A_230, %min3A_233 : vector<256x1024xf32>
    %select_n3A_251 = arith.select %lt3A_247, %select_n3A_231, %select_n3A_234 : vector<256x1024xi1>, vector<256x1024xi32>
    %lt3A_252 = arith.cmpf olt, %max3A_220, %max3A_235 : vector<256x1024xf32>
    %min3A_253 = arith.minimumf %max3A_235, %max3A_220 : vector<256x1024xf32>
    %select_n3A_254 = arith.select %lt3A_252, %select_n3A_221, %select_n3A_236 : vector<256x1024xi1>, vector<256x1024xi32>
    %max3A_255 = arith.maximumf %max3A_235, %max3A_220 : vector<256x1024xf32>
    %select_n3A_256 = arith.select %lt3A_252, %select_n3A_236, %select_n3A_221 : vector<256x1024xi1>, vector<256x1024xi32>
    %lt3A_257 = arith.cmpf olt, %min3A_243, %max3A_240 : vector<256x1024xf32>
    %min3A_258 = arith.minimumf %max3A_240, %min3A_243 : vector<256x1024xf32>
    %select_n3A_259 = arith.select %lt3A_257, %select_n3A_244, %select_n3A_241 : vector<256x1024xi1>, vector<256x1024xi32>
    %max3A_260 = arith.maximumf %max3A_240, %min3A_243 : vector<256x1024xf32>
    %select_n3A_261 = arith.select %lt3A_257, %select_n3A_241, %select_n3A_244 : vector<256x1024xi1>, vector<256x1024xi32>
    %lt3A_262 = arith.cmpf olt, %min3A_248, %max3A_245 : vector<256x1024xf32>
    %min3A_263 = arith.minimumf %max3A_245, %min3A_248 : vector<256x1024xf32>
    %select_n3A_264 = arith.select %lt3A_262, %select_n3A_249, %select_n3A_246 : vector<256x1024xi1>, vector<256x1024xi32>
    %max3A_265 = arith.maximumf %max3A_245, %min3A_248 : vector<256x1024xf32>
    %select_n3A_266 = arith.select %lt3A_262, %select_n3A_246, %select_n3A_249 : vector<256x1024xi1>, vector<256x1024xi32>
    %lt3A_267 = arith.cmpf olt, %min3A_253, %max3A_250 : vector<256x1024xf32>
    %min3A_268 = arith.minimumf %max3A_250, %min3A_253 : vector<256x1024xf32>
    %select_n3A_269 = arith.select %lt3A_267, %select_n3A_254, %select_n3A_251 : vector<256x1024xi1>, vector<256x1024xi32>
    %max3A_270 = arith.maximumf %max3A_250, %min3A_253 : vector<256x1024xf32>
    %select_n3A_271 = arith.select %lt3A_267, %select_n3A_251, %select_n3A_254 : vector<256x1024xi1>, vector<256x1024xi32>
    %shift_left3A = arith.constant 3 : i32
    %shift_left3A_272 = vector.broadcast %shift_left3A : i32 to vector<256x1024xi32>
    %shift_left3A_273 = arith.shli %select_n3A_259, %shift_left3A_272 : vector<256x1024xi32>
    %or3A = arith.ori %select_n3A_239, %shift_left3A_273 : vector<256x1024xi32>
    %shift_left3A_274 = arith.constant 6 : i32
    %shift_left3A_275 = vector.broadcast %shift_left3A_274 : i32 to vector<256x1024xi32>
    %shift_left3A_276 = arith.shli %select_n3A_261, %shift_left3A_275 : vector<256x1024xi32>
    %or3A_277 = arith.ori %or3A, %shift_left3A_276 : vector<256x1024xi32>
    %shift_left3A_278 = arith.constant 9 : i32
    %shift_left3A_279 = vector.broadcast %shift_left3A_278 : i32 to vector<256x1024xi32>
    %shift_left3A_280 = arith.shli %select_n3A_264, %shift_left3A_279 : vector<256x1024xi32>
    %or3A_281 = arith.ori %or3A_277, %shift_left3A_280 : vector<256x1024xi32>
    %shift_left3A_282 = arith.constant 12 : i32
    %shift_left3A_283 = vector.broadcast %shift_left3A_282 : i32 to vector<256x1024xi32>
    %shift_left3A_284 = arith.shli %select_n3A_266, %shift_left3A_283 : vector<256x1024xi32>
    %or3A_285 = arith.ori %or3A_281, %shift_left3A_284 : vector<256x1024xi32>
    %shift_left3A_286 = arith.constant 15 : i32
    %shift_left3A_287 = vector.broadcast %shift_left3A_286 : i32 to vector<256x1024xi32>
    %shift_left3A_288 = arith.shli %select_n3A_269, %shift_left3A_287 : vector<256x1024xi32>
    %or3A_289 = arith.ori %or3A_285, %shift_left3A_288 : vector<256x1024xi32>
    %shift_left3A_290 = arith.constant 18 : i32
    %shift_left3A_291 = vector.broadcast %shift_left3A_290 : i32 to vector<256x1024xi32>
    %shift_left3A_292 = arith.shli %select_n3A_271, %shift_left3A_291 : vector<256x1024xi32>
    %or3A_293 = arith.ori %or3A_289, %shift_left3A_292 : vector<256x1024xi32>
    %shift_left3A_294 = arith.constant 21 : i32
    %shift_left3A_295 = vector.broadcast %shift_left3A_294 : i32 to vector<256x1024xi32>
    %shift_left3A_296 = arith.shli %select_n3A_256, %shift_left3A_295 : vector<256x1024xi32>
    %or3A_297 = arith.ori %or3A_293, %shift_left3A_296 : vector<256x1024xi32>
    %iota3A_298 = tpu.iota {dimensions = array<i32: 1>} : vector<256x16xi32>
    %broadcast_in_dim3A_299 = arith.constant 0 : i32
    %broadcast_in_dim3A_300 = vector.broadcast %broadcast_in_dim3A_299 : i32 to vector<256x16xi32>
    %and3A = arith.constant 7 : i32
    %and3A_301 = vector.broadcast %and3A : i32 to vector<256x1024xi32>
    %and3A_302 = arith.andi %or3A_297, %and3A_301 : vector<256x1024xi32>
    %mul3A_303 = arith.constant 1024 : i32
    %mul3A_304 = vector.broadcast %mul3A_303 : i32 to vector<256x1024xi32>
    %mul3A_305 = arith.muli %and3A_302, %mul3A_304 : vector<256x1024xi32>
    %or3A_306 = arith.ori %mul3A_305, %iota3A_25 : vector<256x1024xi32>
    %reduce_min3A = arith.constant dense<0x7F800000> : vector<256xf32>
    %reduce_min3A_307 = vector.multi_reduction <minimumf>, %min3A_238, %reduce_min3A [1] : vector<256x1024xf32> to vector<256xf32>
    %broadcast_in_dim3A_308 = vector.shape_cast %reduce_min3A_307 : vector<256xf32> to vector<256x1xf32>
    %eq3A_309 = vector.broadcast %broadcast_in_dim3A_308 : vector<256x1xf32> to vector<256x1024xf32>
    %eq3A_310 = arith.cmpf oeq, %min3A_238, %eq3A_309 : vector<256x1024xf32>
    %jit3A_311 = arith.constant 8192 : i32
    %broadcast_in_dim3A_312 = vector.broadcast %jit3A_311 : i32 to vector<256x1024xi32>
    %select_n3A_313 = arith.select %eq3A_310, %or3A_306, %broadcast_in_dim3A_312 : vector<256x1024xi1>, vector<256x1024xi32>
    %reduce_min3A_314 = arith.constant dense<2147483647> : vector<256xi32>
    %reduce_min3A_315 = vector.multi_reduction <minsi>, %select_n3A_313, %reduce_min3A_314 [1] : vector<256x1024xi32> to vector<256xi32>
    %broadcast_in_dim3A_316 = vector.shape_cast %reduce_min3A_315 : vector<256xi32> to vector<256x1xi32>
    %eq3A_317 = arith.constant 0 : i32
    %eq3A_318 = vector.broadcast %eq3A_317 : i32 to vector<256x16xi32>
    %eq3A_319 = arith.cmpi eq, %iota3A_298, %eq3A_318 : vector<256x16xi32>
    %broadcast_in_dim3A_320 = vector.shape_cast %broadcast_in_dim3A_316 : vector<256x1xi32> to vector<256x1xi32>
    %broadcast_in_dim3A_321 = vector.broadcast %broadcast_in_dim3A_320 : vector<256x1xi32> to vector<256x16xi32>
    %select_n3A_322 = arith.select %eq3A_319, %broadcast_in_dim3A_321, %broadcast_in_dim3A_300 : vector<256x16xi1>, vector<256x16xi32>
    %eq3A_323 = vector.broadcast %broadcast_in_dim3A_316 : vector<256x1xi32> to vector<256x1024xi32>
    %eq3A_324 = arith.cmpi eq, %or3A_306, %eq3A_323 : vector<256x1024xi32>
    %and3A_325 = arith.andi %eq3A_310, %eq3A_324 : vector<256x1024xi1>
    %select_n3A_326 = arith.select %and3A_325, %min3A_258, %min3A_238 : vector<256x1024xi1>, vector<256x1024xf32>
    %select_n3A_327 = arith.select %and3A_325, %max3A_260, %min3A_258 : vector<256x1024xi1>, vector<256x1024xf32>
    %select_n3A_328 = arith.select %and3A_325, %min3A_263, %max3A_260 : vector<256x1024xi1>, vector<256x1024xf32>
    %select_n3A_329 = arith.select %and3A_325, %max3A_265, %min3A_263 : vector<256x1024xi1>, vector<256x1024xf32>
    %select_n3A_330 = arith.select %and3A_325, %min3A_268, %max3A_265 : vector<256x1024xi1>, vector<256x1024xf32>
    %select_n3A_331 = arith.select %and3A_325, %max3A_270, %min3A_268 : vector<256x1024xi1>, vector<256x1024xf32>
    %select_n3A_332 = arith.select %and3A_325, %max3A_255, %max3A_270 : vector<256x1024xi1>, vector<256x1024xf32>
    %jit3A_333 = arith.constant 0x7F800000 : f32
    %broadcast_in_dim3A_334 = vector.broadcast %jit3A_333 : f32 to vector<256x1024xf32>
    %select_n3A_335 = arith.select %and3A_325, %broadcast_in_dim3A_334, %max3A_255 : vector<256x1024xi1>, vector<256x1024xf32>
    %shift_right_logical3A = arith.constant 3 : i32
    %shift_right_logical3A_336 = vector.broadcast %shift_right_logical3A : i32 to vector<256x1024xi32>
    %shift_right_logical3A_337 = arith.shrui %or3A_297, %shift_right_logical3A_336 : vector<256x1024xi32>
    %select_n3A_338 = arith.select %and3A_325, %shift_right_logical3A_337, %or3A_297 : vector<256x1024xi1>, vector<256x1024xi32>
    %and3A_339 = arith.constant 7 : i32
    %and3A_340 = vector.broadcast %and3A_339 : i32 to vector<256x1024xi32>
    %and3A_341 = arith.andi %select_n3A_338, %and3A_340 : vector<256x1024xi32>
    %mul3A_342 = arith.constant 1024 : i32
    %mul3A_343 = vector.broadcast %mul3A_342 : i32 to vector<256x1024xi32>
    %mul3A_344 = arith.muli %and3A_341, %mul3A_343 : vector<256x1024xi32>
    %or3A_345 = arith.ori %mul3A_344, %iota3A_25 : vector<256x1024xi32>
    %reduce_min3A_346 = arith.constant dense<0x7F800000> : vector<256xf32>
    %reduce_min3A_347 = vector.multi_reduction <minimumf>, %select_n3A_326, %reduce_min3A_346 [1] : vector<256x1024xf32> to vector<256xf32>
    %broadcast_in_dim3A_348 = vector.shape_cast %reduce_min3A_347 : vector<256xf32> to vector<256x1xf32>
    %eq3A_349 = vector.broadcast %broadcast_in_dim3A_348 : vector<256x1xf32> to vector<256x1024xf32>
    %eq3A_350 = arith.cmpf oeq, %select_n3A_326, %eq3A_349 : vector<256x1024xf32>
    %jit3A_351 = arith.constant 8192 : i32
    %broadcast_in_dim3A_352 = vector.broadcast %jit3A_351 : i32 to vector<256x1024xi32>
    %select_n3A_353 = arith.select %eq3A_350, %or3A_345, %broadcast_in_dim3A_352 : vector<256x1024xi1>, vector<256x1024xi32>
    %reduce_min3A_354 = arith.constant dense<2147483647> : vector<256xi32>
    %reduce_min3A_355 = vector.multi_reduction <minsi>, %select_n3A_353, %reduce_min3A_354 [1] : vector<256x1024xi32> to vector<256xi32>
    %broadcast_in_dim3A_356 = vector.shape_cast %reduce_min3A_355 : vector<256xi32> to vector<256x1xi32>
    %eq3A_357 = arith.constant 1 : i32
    %eq3A_358 = vector.broadcast %eq3A_357 : i32 to vector<256x16xi32>
    %eq3A_359 = arith.cmpi eq, %iota3A_298, %eq3A_358 : vector<256x16xi32>
    %broadcast_in_dim3A_360 = vector.shape_cast %broadcast_in_dim3A_356 : vector<256x1xi32> to vector<256x1xi32>
    %broadcast_in_dim3A_361 = vector.broadcast %broadcast_in_dim3A_360 : vector<256x1xi32> to vector<256x16xi32>
    %select_n3A_362 = arith.select %eq3A_359, %broadcast_in_dim3A_361, %select_n3A_322 : vector<256x16xi1>, vector<256x16xi32>
    %eq3A_363 = vector.broadcast %broadcast_in_dim3A_356 : vector<256x1xi32> to vector<256x1024xi32>
    %eq3A_364 = arith.cmpi eq, %or3A_345, %eq3A_363 : vector<256x1024xi32>
    %and3A_365 = arith.andi %eq3A_350, %eq3A_364 : vector<256x1024xi1>
    %select_n3A_366 = arith.select %and3A_365, %select_n3A_327, %select_n3A_326 : vector<256x1024xi1>, vector<256x1024xf32>
    %select_n3A_367 = arith.select %and3A_365, %select_n3A_328, %select_n3A_327 : vector<256x1024xi1>, vector<256x1024xf32>
    %select_n3A_368 = arith.select %and3A_365, %select_n3A_329, %select_n3A_328 : vector<256x1024xi1>, vector<256x1024xf32>
    %select_n3A_369 = arith.select %and3A_365, %select_n3A_330, %select_n3A_329 : vector<256x1024xi1>, vector<256x1024xf32>
    %select_n3A_370 = arith.select %and3A_365, %select_n3A_331, %select_n3A_330 : vector<256x1024xi1>, vector<256x1024xf32>
    %select_n3A_371 = arith.select %and3A_365, %select_n3A_332, %select_n3A_331 : vector<256x1024xi1>, vector<256x1024xf32>
    %select_n3A_372 = arith.select %and3A_365, %select_n3A_335, %select_n3A_332 : vector<256x1024xi1>, vector<256x1024xf32>
    %jit3A_373 = arith.constant 0x7F800000 : f32
    %broadcast_in_dim3A_374 = vector.broadcast %jit3A_373 : f32 to vector<256x1024xf32>
    %select_n3A_375 = arith.select %and3A_365, %broadcast_in_dim3A_374, %select_n3A_335 : vector<256x1024xi1>, vector<256x1024xf32>
    %shift_right_logical3A_376 = arith.constant 3 : i32
    %shift_right_logical3A_377 = vector.broadcast %shift_right_logical3A_376 : i32 to vector<256x1024xi32>
    %shift_right_logical3A_378 = arith.shrui %select_n3A_338, %shift_right_logical3A_377 : vector<256x1024xi32>
    %select_n3A_379 = arith.select %and3A_365, %shift_right_logical3A_378, %select_n3A_338 : vector<256x1024xi1>, vector<256x1024xi32>
    %and3A_380 = arith.constant 7 : i32
    %and3A_381 = vector.broadcast %and3A_380 : i32 to vector<256x1024xi32>
    %and3A_382 = arith.andi %select_n3A_379, %and3A_381 : vector<256x1024xi32>
    %mul3A_383 = arith.constant 1024 : i32
    %mul3A_384 = vector.broadcast %mul3A_383 : i32 to vector<256x1024xi32>
    %mul3A_385 = arith.muli %and3A_382, %mul3A_384 : vector<256x1024xi32>
    %or3A_386 = arith.ori %mul3A_385, %iota3A_25 : vector<256x1024xi32>
    %reduce_min3A_387 = arith.constant dense<0x7F800000> : vector<256xf32>
    %reduce_min3A_388 = vector.multi_reduction <minimumf>, %select_n3A_366, %reduce_min3A_387 [1] : vector<256x1024xf32> to vector<256xf32>
    %broadcast_in_dim3A_389 = vector.shape_cast %reduce_min3A_388 : vector<256xf32> to vector<256x1xf32>
    %eq3A_390 = vector.broadcast %broadcast_in_dim3A_389 : vector<256x1xf32> to vector<256x1024xf32>
    %eq3A_391 = arith.cmpf oeq, %select_n3A_366, %eq3A_390 : vector<256x1024xf32>
    %jit3A_392 = arith.constant 8192 : i32
    %broadcast_in_dim3A_393 = vector.broadcast %jit3A_392 : i32 to vector<256x1024xi32>
    %select_n3A_394 = arith.select %eq3A_391, %or3A_386, %broadcast_in_dim3A_393 : vector<256x1024xi1>, vector<256x1024xi32>
    %reduce_min3A_395 = arith.constant dense<2147483647> : vector<256xi32>
    %reduce_min3A_396 = vector.multi_reduction <minsi>, %select_n3A_394, %reduce_min3A_395 [1] : vector<256x1024xi32> to vector<256xi32>
    %broadcast_in_dim3A_397 = vector.shape_cast %reduce_min3A_396 : vector<256xi32> to vector<256x1xi32>
    %eq3A_398 = arith.constant 2 : i32
    %eq3A_399 = vector.broadcast %eq3A_398 : i32 to vector<256x16xi32>
    %eq3A_400 = arith.cmpi eq, %iota3A_298, %eq3A_399 : vector<256x16xi32>
    %broadcast_in_dim3A_401 = vector.shape_cast %broadcast_in_dim3A_397 : vector<256x1xi32> to vector<256x1xi32>
    %broadcast_in_dim3A_402 = vector.broadcast %broadcast_in_dim3A_401 : vector<256x1xi32> to vector<256x16xi32>
    %select_n3A_403 = arith.select %eq3A_400, %broadcast_in_dim3A_402, %select_n3A_362 : vector<256x16xi1>, vector<256x16xi32>
    %eq3A_404 = vector.broadcast %broadcast_in_dim3A_397 : vector<256x1xi32> to vector<256x1024xi32>
    %eq3A_405 = arith.cmpi eq, %or3A_386, %eq3A_404 : vector<256x1024xi32>
    %and3A_406 = arith.andi %eq3A_391, %eq3A_405 : vector<256x1024xi1>
    %select_n3A_407 = arith.select %and3A_406, %select_n3A_367, %select_n3A_366 : vector<256x1024xi1>, vector<256x1024xf32>
    %select_n3A_408 = arith.select %and3A_406, %select_n3A_368, %select_n3A_367 : vector<256x1024xi1>, vector<256x1024xf32>
    %select_n3A_409 = arith.select %and3A_406, %select_n3A_369, %select_n3A_368 : vector<256x1024xi1>, vector<256x1024xf32>
    %select_n3A_410 = arith.select %and3A_406, %select_n3A_370, %select_n3A_369 : vector<256x1024xi1>, vector<256x1024xf32>
    %select_n3A_411 = arith.select %and3A_406, %select_n3A_371, %select_n3A_370 : vector<256x1024xi1>, vector<256x1024xf32>
    %select_n3A_412 = arith.select %and3A_406, %select_n3A_372, %select_n3A_371 : vector<256x1024xi1>, vector<256x1024xf32>
    %select_n3A_413 = arith.select %and3A_406, %select_n3A_375, %select_n3A_372 : vector<256x1024xi1>, vector<256x1024xf32>
    %jit3A_414 = arith.constant 0x7F800000 : f32
    %broadcast_in_dim3A_415 = vector.broadcast %jit3A_414 : f32 to vector<256x1024xf32>
    %select_n3A_416 = arith.select %and3A_406, %broadcast_in_dim3A_415, %select_n3A_375 : vector<256x1024xi1>, vector<256x1024xf32>
    %shift_right_logical3A_417 = arith.constant 3 : i32
    %shift_right_logical3A_418 = vector.broadcast %shift_right_logical3A_417 : i32 to vector<256x1024xi32>
    %shift_right_logical3A_419 = arith.shrui %select_n3A_379, %shift_right_logical3A_418 : vector<256x1024xi32>
    %select_n3A_420 = arith.select %and3A_406, %shift_right_logical3A_419, %select_n3A_379 : vector<256x1024xi1>, vector<256x1024xi32>
    %and3A_421 = arith.constant 7 : i32
    %and3A_422 = vector.broadcast %and3A_421 : i32 to vector<256x1024xi32>
    %and3A_423 = arith.andi %select_n3A_420, %and3A_422 : vector<256x1024xi32>
    %mul3A_424 = arith.constant 1024 : i32
    %mul3A_425 = vector.broadcast %mul3A_424 : i32 to vector<256x1024xi32>
    %mul3A_426 = arith.muli %and3A_423, %mul3A_425 : vector<256x1024xi32>
    %or3A_427 = arith.ori %mul3A_426, %iota3A_25 : vector<256x1024xi32>
    %reduce_min3A_428 = arith.constant dense<0x7F800000> : vector<256xf32>
    %reduce_min3A_429 = vector.multi_reduction <minimumf>, %select_n3A_407, %reduce_min3A_428 [1] : vector<256x1024xf32> to vector<256xf32>
    %broadcast_in_dim3A_430 = vector.shape_cast %reduce_min3A_429 : vector<256xf32> to vector<256x1xf32>
    %eq3A_431 = vector.broadcast %broadcast_in_dim3A_430 : vector<256x1xf32> to vector<256x1024xf32>
    %eq3A_432 = arith.cmpf oeq, %select_n3A_407, %eq3A_431 : vector<256x1024xf32>
    %jit3A_433 = arith.constant 8192 : i32
    %broadcast_in_dim3A_434 = vector.broadcast %jit3A_433 : i32 to vector<256x1024xi32>
    %select_n3A_435 = arith.select %eq3A_432, %or3A_427, %broadcast_in_dim3A_434 : vector<256x1024xi1>, vector<256x1024xi32>
    %reduce_min3A_436 = arith.constant dense<2147483647> : vector<256xi32>
    %reduce_min3A_437 = vector.multi_reduction <minsi>, %select_n3A_435, %reduce_min3A_436 [1] : vector<256x1024xi32> to vector<256xi32>
    %broadcast_in_dim3A_438 = vector.shape_cast %reduce_min3A_437 : vector<256xi32> to vector<256x1xi32>
    %eq3A_439 = arith.constant 3 : i32
    %eq3A_440 = vector.broadcast %eq3A_439 : i32 to vector<256x16xi32>
    %eq3A_441 = arith.cmpi eq, %iota3A_298, %eq3A_440 : vector<256x16xi32>
    %broadcast_in_dim3A_442 = vector.shape_cast %broadcast_in_dim3A_438 : vector<256x1xi32> to vector<256x1xi32>
    %broadcast_in_dim3A_443 = vector.broadcast %broadcast_in_dim3A_442 : vector<256x1xi32> to vector<256x16xi32>
    %select_n3A_444 = arith.select %eq3A_441, %broadcast_in_dim3A_443, %select_n3A_403 : vector<256x16xi1>, vector<256x16xi32>
    %eq3A_445 = vector.broadcast %broadcast_in_dim3A_438 : vector<256x1xi32> to vector<256x1024xi32>
    %eq3A_446 = arith.cmpi eq, %or3A_427, %eq3A_445 : vector<256x1024xi32>
    %and3A_447 = arith.andi %eq3A_432, %eq3A_446 : vector<256x1024xi1>
    %select_n3A_448 = arith.select %and3A_447, %select_n3A_408, %select_n3A_407 : vector<256x1024xi1>, vector<256x1024xf32>
    %select_n3A_449 = arith.select %and3A_447, %select_n3A_409, %select_n3A_408 : vector<256x1024xi1>, vector<256x1024xf32>
    %select_n3A_450 = arith.select %and3A_447, %select_n3A_410, %select_n3A_409 : vector<256x1024xi1>, vector<256x1024xf32>
    %select_n3A_451 = arith.select %and3A_447, %select_n3A_411, %select_n3A_410 : vector<256x1024xi1>, vector<256x1024xf32>
    %select_n3A_452 = arith.select %and3A_447, %select_n3A_412, %select_n3A_411 : vector<256x1024xi1>, vector<256x1024xf32>
    %select_n3A_453 = arith.select %and3A_447, %select_n3A_413, %select_n3A_412 : vector<256x1024xi1>, vector<256x1024xf32>
    %select_n3A_454 = arith.select %and3A_447, %select_n3A_416, %select_n3A_413 : vector<256x1024xi1>, vector<256x1024xf32>
    %jit3A_455 = arith.constant 0x7F800000 : f32
    %broadcast_in_dim3A_456 = vector.broadcast %jit3A_455 : f32 to vector<256x1024xf32>
    %select_n3A_457 = arith.select %and3A_447, %broadcast_in_dim3A_456, %select_n3A_416 : vector<256x1024xi1>, vector<256x1024xf32>
    %shift_right_logical3A_458 = arith.constant 3 : i32
    %shift_right_logical3A_459 = vector.broadcast %shift_right_logical3A_458 : i32 to vector<256x1024xi32>
    %shift_right_logical3A_460 = arith.shrui %select_n3A_420, %shift_right_logical3A_459 : vector<256x1024xi32>
    %select_n3A_461 = arith.select %and3A_447, %shift_right_logical3A_460, %select_n3A_420 : vector<256x1024xi1>, vector<256x1024xi32>
    %and3A_462 = arith.constant 7 : i32
    %and3A_463 = vector.broadcast %and3A_462 : i32 to vector<256x1024xi32>
    %and3A_464 = arith.andi %select_n3A_461, %and3A_463 : vector<256x1024xi32>
    %mul3A_465 = arith.constant 1024 : i32
    %mul3A_466 = vector.broadcast %mul3A_465 : i32 to vector<256x1024xi32>
    %mul3A_467 = arith.muli %and3A_464, %mul3A_466 : vector<256x1024xi32>
    %or3A_468 = arith.ori %mul3A_467, %iota3A_25 : vector<256x1024xi32>
    %reduce_min3A_469 = arith.constant dense<0x7F800000> : vector<256xf32>
    %reduce_min3A_470 = vector.multi_reduction <minimumf>, %select_n3A_448, %reduce_min3A_469 [1] : vector<256x1024xf32> to vector<256xf32>
    %broadcast_in_dim3A_471 = vector.shape_cast %reduce_min3A_470 : vector<256xf32> to vector<256x1xf32>
    %eq3A_472 = vector.broadcast %broadcast_in_dim3A_471 : vector<256x1xf32> to vector<256x1024xf32>
    %eq3A_473 = arith.cmpf oeq, %select_n3A_448, %eq3A_472 : vector<256x1024xf32>
    %jit3A_474 = arith.constant 8192 : i32
    %broadcast_in_dim3A_475 = vector.broadcast %jit3A_474 : i32 to vector<256x1024xi32>
    %select_n3A_476 = arith.select %eq3A_473, %or3A_468, %broadcast_in_dim3A_475 : vector<256x1024xi1>, vector<256x1024xi32>
    %reduce_min3A_477 = arith.constant dense<2147483647> : vector<256xi32>
    %reduce_min3A_478 = vector.multi_reduction <minsi>, %select_n3A_476, %reduce_min3A_477 [1] : vector<256x1024xi32> to vector<256xi32>
    %broadcast_in_dim3A_479 = vector.shape_cast %reduce_min3A_478 : vector<256xi32> to vector<256x1xi32>
    %eq3A_480 = arith.constant 4 : i32
    %eq3A_481 = vector.broadcast %eq3A_480 : i32 to vector<256x16xi32>
    %eq3A_482 = arith.cmpi eq, %iota3A_298, %eq3A_481 : vector<256x16xi32>
    %broadcast_in_dim3A_483 = vector.shape_cast %broadcast_in_dim3A_479 : vector<256x1xi32> to vector<256x1xi32>
    %broadcast_in_dim3A_484 = vector.broadcast %broadcast_in_dim3A_483 : vector<256x1xi32> to vector<256x16xi32>
    %select_n3A_485 = arith.select %eq3A_482, %broadcast_in_dim3A_484, %select_n3A_444 : vector<256x16xi1>, vector<256x16xi32>
    %eq3A_486 = vector.broadcast %broadcast_in_dim3A_479 : vector<256x1xi32> to vector<256x1024xi32>
    %eq3A_487 = arith.cmpi eq, %or3A_468, %eq3A_486 : vector<256x1024xi32>
    %and3A_488 = arith.andi %eq3A_473, %eq3A_487 : vector<256x1024xi1>
    %select_n3A_489 = arith.select %and3A_488, %select_n3A_449, %select_n3A_448 : vector<256x1024xi1>, vector<256x1024xf32>
    %select_n3A_490 = arith.select %and3A_488, %select_n3A_450, %select_n3A_449 : vector<256x1024xi1>, vector<256x1024xf32>
    %select_n3A_491 = arith.select %and3A_488, %select_n3A_451, %select_n3A_450 : vector<256x1024xi1>, vector<256x1024xf32>
    %select_n3A_492 = arith.select %and3A_488, %select_n3A_452, %select_n3A_451 : vector<256x1024xi1>, vector<256x1024xf32>
    %select_n3A_493 = arith.select %and3A_488, %select_n3A_453, %select_n3A_452 : vector<256x1024xi1>, vector<256x1024xf32>
    %select_n3A_494 = arith.select %and3A_488, %select_n3A_454, %select_n3A_453 : vector<256x1024xi1>, vector<256x1024xf32>
    %select_n3A_495 = arith.select %and3A_488, %select_n3A_457, %select_n3A_454 : vector<256x1024xi1>, vector<256x1024xf32>
    %jit3A_496 = arith.constant 0x7F800000 : f32
    %broadcast_in_dim3A_497 = vector.broadcast %jit3A_496 : f32 to vector<256x1024xf32>
    %select_n3A_498 = arith.select %and3A_488, %broadcast_in_dim3A_497, %select_n3A_457 : vector<256x1024xi1>, vector<256x1024xf32>
    %shift_right_logical3A_499 = arith.constant 3 : i32
    %shift_right_logical3A_500 = vector.broadcast %shift_right_logical3A_499 : i32 to vector<256x1024xi32>
    %shift_right_logical3A_501 = arith.shrui %select_n3A_461, %shift_right_logical3A_500 : vector<256x1024xi32>
    %select_n3A_502 = arith.select %and3A_488, %shift_right_logical3A_501, %select_n3A_461 : vector<256x1024xi1>, vector<256x1024xi32>
    %and3A_503 = arith.constant 7 : i32
    %and3A_504 = vector.broadcast %and3A_503 : i32 to vector<256x1024xi32>
    %and3A_505 = arith.andi %select_n3A_502, %and3A_504 : vector<256x1024xi32>
    %mul3A_506 = arith.constant 1024 : i32
    %mul3A_507 = vector.broadcast %mul3A_506 : i32 to vector<256x1024xi32>
    %mul3A_508 = arith.muli %and3A_505, %mul3A_507 : vector<256x1024xi32>
    %or3A_509 = arith.ori %mul3A_508, %iota3A_25 : vector<256x1024xi32>
    %reduce_min3A_510 = arith.constant dense<0x7F800000> : vector<256xf32>
    %reduce_min3A_511 = vector.multi_reduction <minimumf>, %select_n3A_489, %reduce_min3A_510 [1] : vector<256x1024xf32> to vector<256xf32>
    %broadcast_in_dim3A_512 = vector.shape_cast %reduce_min3A_511 : vector<256xf32> to vector<256x1xf32>
    %eq3A_513 = vector.broadcast %broadcast_in_dim3A_512 : vector<256x1xf32> to vector<256x1024xf32>
    %eq3A_514 = arith.cmpf oeq, %select_n3A_489, %eq3A_513 : vector<256x1024xf32>
    %jit3A_515 = arith.constant 8192 : i32
    %broadcast_in_dim3A_516 = vector.broadcast %jit3A_515 : i32 to vector<256x1024xi32>
    %select_n3A_517 = arith.select %eq3A_514, %or3A_509, %broadcast_in_dim3A_516 : vector<256x1024xi1>, vector<256x1024xi32>
    %reduce_min3A_518 = arith.constant dense<2147483647> : vector<256xi32>
    %reduce_min3A_519 = vector.multi_reduction <minsi>, %select_n3A_517, %reduce_min3A_518 [1] : vector<256x1024xi32> to vector<256xi32>
    %broadcast_in_dim3A_520 = vector.shape_cast %reduce_min3A_519 : vector<256xi32> to vector<256x1xi32>
    %eq3A_521 = arith.constant 5 : i32
    %eq3A_522 = vector.broadcast %eq3A_521 : i32 to vector<256x16xi32>
    %eq3A_523 = arith.cmpi eq, %iota3A_298, %eq3A_522 : vector<256x16xi32>
    %broadcast_in_dim3A_524 = vector.shape_cast %broadcast_in_dim3A_520 : vector<256x1xi32> to vector<256x1xi32>
    %broadcast_in_dim3A_525 = vector.broadcast %broadcast_in_dim3A_524 : vector<256x1xi32> to vector<256x16xi32>
    %select_n3A_526 = arith.select %eq3A_523, %broadcast_in_dim3A_525, %select_n3A_485 : vector<256x16xi1>, vector<256x16xi32>
    %eq3A_527 = vector.broadcast %broadcast_in_dim3A_520 : vector<256x1xi32> to vector<256x1024xi32>
    %eq3A_528 = arith.cmpi eq, %or3A_509, %eq3A_527 : vector<256x1024xi32>
    %and3A_529 = arith.andi %eq3A_514, %eq3A_528 : vector<256x1024xi1>
    %select_n3A_530 = arith.select %and3A_529, %select_n3A_490, %select_n3A_489 : vector<256x1024xi1>, vector<256x1024xf32>
    %select_n3A_531 = arith.select %and3A_529, %select_n3A_491, %select_n3A_490 : vector<256x1024xi1>, vector<256x1024xf32>
    %select_n3A_532 = arith.select %and3A_529, %select_n3A_492, %select_n3A_491 : vector<256x1024xi1>, vector<256x1024xf32>
    %select_n3A_533 = arith.select %and3A_529, %select_n3A_493, %select_n3A_492 : vector<256x1024xi1>, vector<256x1024xf32>
    %select_n3A_534 = arith.select %and3A_529, %select_n3A_494, %select_n3A_493 : vector<256x1024xi1>, vector<256x1024xf32>
    %select_n3A_535 = arith.select %and3A_529, %select_n3A_495, %select_n3A_494 : vector<256x1024xi1>, vector<256x1024xf32>
    %select_n3A_536 = arith.select %and3A_529, %select_n3A_498, %select_n3A_495 : vector<256x1024xi1>, vector<256x1024xf32>
    %jit3A_537 = arith.constant 0x7F800000 : f32
    %broadcast_in_dim3A_538 = vector.broadcast %jit3A_537 : f32 to vector<256x1024xf32>
    %select_n3A_539 = arith.select %and3A_529, %broadcast_in_dim3A_538, %select_n3A_498 : vector<256x1024xi1>, vector<256x1024xf32>
    %shift_right_logical3A_540 = arith.constant 3 : i32
    %shift_right_logical3A_541 = vector.broadcast %shift_right_logical3A_540 : i32 to vector<256x1024xi32>
    %shift_right_logical3A_542 = arith.shrui %select_n3A_502, %shift_right_logical3A_541 : vector<256x1024xi32>
    %select_n3A_543 = arith.select %and3A_529, %shift_right_logical3A_542, %select_n3A_502 : vector<256x1024xi1>, vector<256x1024xi32>
    %and3A_544 = arith.constant 7 : i32
    %and3A_545 = vector.broadcast %and3A_544 : i32 to vector<256x1024xi32>
    %and3A_546 = arith.andi %select_n3A_543, %and3A_545 : vector<256x1024xi32>
    %mul3A_547 = arith.constant 1024 : i32
    %mul3A_548 = vector.broadcast %mul3A_547 : i32 to vector<256x1024xi32>
    %mul3A_549 = arith.muli %and3A_546, %mul3A_548 : vector<256x1024xi32>
    %or3A_550 = arith.ori %mul3A_549, %iota3A_25 : vector<256x1024xi32>
    %reduce_min3A_551 = arith.constant dense<0x7F800000> : vector<256xf32>
    %reduce_min3A_552 = vector.multi_reduction <minimumf>, %select_n3A_530, %reduce_min3A_551 [1] : vector<256x1024xf32> to vector<256xf32>
    %broadcast_in_dim3A_553 = vector.shape_cast %reduce_min3A_552 : vector<256xf32> to vector<256x1xf32>
    %eq3A_554 = vector.broadcast %broadcast_in_dim3A_553 : vector<256x1xf32> to vector<256x1024xf32>
    %eq3A_555 = arith.cmpf oeq, %select_n3A_530, %eq3A_554 : vector<256x1024xf32>
    %jit3A_556 = arith.constant 8192 : i32
    %broadcast_in_dim3A_557 = vector.broadcast %jit3A_556 : i32 to vector<256x1024xi32>
    %select_n3A_558 = arith.select %eq3A_555, %or3A_550, %broadcast_in_dim3A_557 : vector<256x1024xi1>, vector<256x1024xi32>
    %reduce_min3A_559 = arith.constant dense<2147483647> : vector<256xi32>
    %reduce_min3A_560 = vector.multi_reduction <minsi>, %select_n3A_558, %reduce_min3A_559 [1] : vector<256x1024xi32> to vector<256xi32>
    %broadcast_in_dim3A_561 = vector.shape_cast %reduce_min3A_560 : vector<256xi32> to vector<256x1xi32>
    %eq3A_562 = arith.constant 6 : i32
    %eq3A_563 = vector.broadcast %eq3A_562 : i32 to vector<256x16xi32>
    %eq3A_564 = arith.cmpi eq, %iota3A_298, %eq3A_563 : vector<256x16xi32>
    %broadcast_in_dim3A_565 = vector.shape_cast %broadcast_in_dim3A_561 : vector<256x1xi32> to vector<256x1xi32>
    %broadcast_in_dim3A_566 = vector.broadcast %broadcast_in_dim3A_565 : vector<256x1xi32> to vector<256x16xi32>
    %select_n3A_567 = arith.select %eq3A_564, %broadcast_in_dim3A_566, %select_n3A_526 : vector<256x16xi1>, vector<256x16xi32>
    %eq3A_568 = vector.broadcast %broadcast_in_dim3A_561 : vector<256x1xi32> to vector<256x1024xi32>
    %eq3A_569 = arith.cmpi eq, %or3A_550, %eq3A_568 : vector<256x1024xi32>
    %and3A_570 = arith.andi %eq3A_555, %eq3A_569 : vector<256x1024xi1>
    %select_n3A_571 = arith.select %and3A_570, %select_n3A_531, %select_n3A_530 : vector<256x1024xi1>, vector<256x1024xf32>
    %select_n3A_572 = arith.select %and3A_570, %select_n3A_532, %select_n3A_531 : vector<256x1024xi1>, vector<256x1024xf32>
    %select_n3A_573 = arith.select %and3A_570, %select_n3A_533, %select_n3A_532 : vector<256x1024xi1>, vector<256x1024xf32>
    %select_n3A_574 = arith.select %and3A_570, %select_n3A_534, %select_n3A_533 : vector<256x1024xi1>, vector<256x1024xf32>
    %select_n3A_575 = arith.select %and3A_570, %select_n3A_535, %select_n3A_534 : vector<256x1024xi1>, vector<256x1024xf32>
    %select_n3A_576 = arith.select %and3A_570, %select_n3A_536, %select_n3A_535 : vector<256x1024xi1>, vector<256x1024xf32>
    %select_n3A_577 = arith.select %and3A_570, %select_n3A_539, %select_n3A_536 : vector<256x1024xi1>, vector<256x1024xf32>
    %jit3A_578 = arith.constant 0x7F800000 : f32
    %broadcast_in_dim3A_579 = vector.broadcast %jit3A_578 : f32 to vector<256x1024xf32>
    %select_n3A_580 = arith.select %and3A_570, %broadcast_in_dim3A_579, %select_n3A_539 : vector<256x1024xi1>, vector<256x1024xf32>
    %shift_right_logical3A_581 = arith.constant 3 : i32
    %shift_right_logical3A_582 = vector.broadcast %shift_right_logical3A_581 : i32 to vector<256x1024xi32>
    %shift_right_logical3A_583 = arith.shrui %select_n3A_543, %shift_right_logical3A_582 : vector<256x1024xi32>
    %select_n3A_584 = arith.select %and3A_570, %shift_right_logical3A_583, %select_n3A_543 : vector<256x1024xi1>, vector<256x1024xi32>
    %and3A_585 = arith.constant 7 : i32
    %and3A_586 = vector.broadcast %and3A_585 : i32 to vector<256x1024xi32>
    %and3A_587 = arith.andi %select_n3A_584, %and3A_586 : vector<256x1024xi32>
    %mul3A_588 = arith.constant 1024 : i32
    %mul3A_589 = vector.broadcast %mul3A_588 : i32 to vector<256x1024xi32>
    %mul3A_590 = arith.muli %and3A_587, %mul3A_589 : vector<256x1024xi32>
    %or3A_591 = arith.ori %mul3A_590, %iota3A_25 : vector<256x1024xi32>
    %reduce_min3A_592 = arith.constant dense<0x7F800000> : vector<256xf32>
    %reduce_min3A_593 = vector.multi_reduction <minimumf>, %select_n3A_571, %reduce_min3A_592 [1] : vector<256x1024xf32> to vector<256xf32>
    %broadcast_in_dim3A_594 = vector.shape_cast %reduce_min3A_593 : vector<256xf32> to vector<256x1xf32>
    %eq3A_595 = vector.broadcast %broadcast_in_dim3A_594 : vector<256x1xf32> to vector<256x1024xf32>
    %eq3A_596 = arith.cmpf oeq, %select_n3A_571, %eq3A_595 : vector<256x1024xf32>
    %jit3A_597 = arith.constant 8192 : i32
    %broadcast_in_dim3A_598 = vector.broadcast %jit3A_597 : i32 to vector<256x1024xi32>
    %select_n3A_599 = arith.select %eq3A_596, %or3A_591, %broadcast_in_dim3A_598 : vector<256x1024xi1>, vector<256x1024xi32>
    %reduce_min3A_600 = arith.constant dense<2147483647> : vector<256xi32>
    %reduce_min3A_601 = vector.multi_reduction <minsi>, %select_n3A_599, %reduce_min3A_600 [1] : vector<256x1024xi32> to vector<256xi32>
    %broadcast_in_dim3A_602 = vector.shape_cast %reduce_min3A_601 : vector<256xi32> to vector<256x1xi32>
    %eq3A_603 = arith.constant 7 : i32
    %eq3A_604 = vector.broadcast %eq3A_603 : i32 to vector<256x16xi32>
    %eq3A_605 = arith.cmpi eq, %iota3A_298, %eq3A_604 : vector<256x16xi32>
    %broadcast_in_dim3A_606 = vector.shape_cast %broadcast_in_dim3A_602 : vector<256x1xi32> to vector<256x1xi32>
    %broadcast_in_dim3A_607 = vector.broadcast %broadcast_in_dim3A_606 : vector<256x1xi32> to vector<256x16xi32>
    %select_n3A_608 = arith.select %eq3A_605, %broadcast_in_dim3A_607, %select_n3A_567 : vector<256x16xi1>, vector<256x16xi32>
    %eq3A_609 = vector.broadcast %broadcast_in_dim3A_602 : vector<256x1xi32> to vector<256x1024xi32>
    %eq3A_610 = arith.cmpi eq, %or3A_591, %eq3A_609 : vector<256x1024xi32>
    %and3A_611 = arith.andi %eq3A_596, %eq3A_610 : vector<256x1024xi1>
    %select_n3A_612 = arith.select %and3A_611, %select_n3A_572, %select_n3A_571 : vector<256x1024xi1>, vector<256x1024xf32>
    %select_n3A_613 = arith.select %and3A_611, %select_n3A_573, %select_n3A_572 : vector<256x1024xi1>, vector<256x1024xf32>
    %select_n3A_614 = arith.select %and3A_611, %select_n3A_574, %select_n3A_573 : vector<256x1024xi1>, vector<256x1024xf32>
    %select_n3A_615 = arith.select %and3A_611, %select_n3A_575, %select_n3A_574 : vector<256x1024xi1>, vector<256x1024xf32>
    %select_n3A_616 = arith.select %and3A_611, %select_n3A_576, %select_n3A_575 : vector<256x1024xi1>, vector<256x1024xf32>
    %select_n3A_617 = arith.select %and3A_611, %select_n3A_577, %select_n3A_576 : vector<256x1024xi1>, vector<256x1024xf32>
    %select_n3A_618 = arith.select %and3A_611, %select_n3A_580, %select_n3A_577 : vector<256x1024xi1>, vector<256x1024xf32>
    %shift_right_logical3A_619 = arith.constant 3 : i32
    %shift_right_logical3A_620 = vector.broadcast %shift_right_logical3A_619 : i32 to vector<256x1024xi32>
    %shift_right_logical3A_621 = arith.shrui %select_n3A_584, %shift_right_logical3A_620 : vector<256x1024xi32>
    %select_n3A_622 = arith.select %and3A_611, %shift_right_logical3A_621, %select_n3A_584 : vector<256x1024xi1>, vector<256x1024xi32>
    %and3A_623 = arith.constant 7 : i32
    %and3A_624 = vector.broadcast %and3A_623 : i32 to vector<256x1024xi32>
    %and3A_625 = arith.andi %select_n3A_622, %and3A_624 : vector<256x1024xi32>
    %mul3A_626 = arith.constant 1024 : i32
    %mul3A_627 = vector.broadcast %mul3A_626 : i32 to vector<256x1024xi32>
    %mul3A_628 = arith.muli %and3A_625, %mul3A_627 : vector<256x1024xi32>
    %or3A_629 = arith.ori %mul3A_628, %iota3A_25 : vector<256x1024xi32>
    %reduce_min3A_630 = arith.constant dense<0x7F800000> : vector<256xf32>
    %reduce_min3A_631 = vector.multi_reduction <minimumf>, %select_n3A_612, %reduce_min3A_630 [1] : vector<256x1024xf32> to vector<256xf32>
    %broadcast_in_dim3A_632 = vector.shape_cast %reduce_min3A_631 : vector<256xf32> to vector<256x1xf32>
    %eq3A_633 = vector.broadcast %broadcast_in_dim3A_632 : vector<256x1xf32> to vector<256x1024xf32>
    %eq3A_634 = arith.cmpf oeq, %select_n3A_612, %eq3A_633 : vector<256x1024xf32>
    %jit3A_635 = arith.constant 8192 : i32
    %broadcast_in_dim3A_636 = vector.broadcast %jit3A_635 : i32 to vector<256x1024xi32>
    %select_n3A_637 = arith.select %eq3A_634, %or3A_629, %broadcast_in_dim3A_636 : vector<256x1024xi1>, vector<256x1024xi32>
    %reduce_min3A_638 = arith.constant dense<2147483647> : vector<256xi32>
    %reduce_min3A_639 = vector.multi_reduction <minsi>, %select_n3A_637, %reduce_min3A_638 [1] : vector<256x1024xi32> to vector<256xi32>
    %broadcast_in_dim3A_640 = vector.shape_cast %reduce_min3A_639 : vector<256xi32> to vector<256x1xi32>
    %eq3A_641 = arith.constant 8 : i32
    %eq3A_642 = vector.broadcast %eq3A_641 : i32 to vector<256x16xi32>
    %eq3A_643 = arith.cmpi eq, %iota3A_298, %eq3A_642 : vector<256x16xi32>
    %broadcast_in_dim3A_644 = vector.shape_cast %broadcast_in_dim3A_640 : vector<256x1xi32> to vector<256x1xi32>
    %broadcast_in_dim3A_645 = vector.broadcast %broadcast_in_dim3A_644 : vector<256x1xi32> to vector<256x16xi32>
    %select_n3A_646 = arith.select %eq3A_643, %broadcast_in_dim3A_645, %select_n3A_608 : vector<256x16xi1>, vector<256x16xi32>
    %eq3A_647 = vector.broadcast %broadcast_in_dim3A_640 : vector<256x1xi32> to vector<256x1024xi32>
    %eq3A_648 = arith.cmpi eq, %or3A_629, %eq3A_647 : vector<256x1024xi32>
    %and3A_649 = arith.andi %eq3A_634, %eq3A_648 : vector<256x1024xi1>
    %select_n3A_650 = arith.select %and3A_649, %select_n3A_613, %select_n3A_612 : vector<256x1024xi1>, vector<256x1024xf32>
    %select_n3A_651 = arith.select %and3A_649, %select_n3A_614, %select_n3A_613 : vector<256x1024xi1>, vector<256x1024xf32>
    %select_n3A_652 = arith.select %and3A_649, %select_n3A_615, %select_n3A_614 : vector<256x1024xi1>, vector<256x1024xf32>
    %select_n3A_653 = arith.select %and3A_649, %select_n3A_616, %select_n3A_615 : vector<256x1024xi1>, vector<256x1024xf32>
    %select_n3A_654 = arith.select %and3A_649, %select_n3A_617, %select_n3A_616 : vector<256x1024xi1>, vector<256x1024xf32>
    %select_n3A_655 = arith.select %and3A_649, %select_n3A_618, %select_n3A_617 : vector<256x1024xi1>, vector<256x1024xf32>
    %shift_right_logical3A_656 = arith.constant 3 : i32
    %shift_right_logical3A_657 = vector.broadcast %shift_right_logical3A_656 : i32 to vector<256x1024xi32>
    %shift_right_logical3A_658 = arith.shrui %select_n3A_622, %shift_right_logical3A_657 : vector<256x1024xi32>
    %select_n3A_659 = arith.select %and3A_649, %shift_right_logical3A_658, %select_n3A_622 : vector<256x1024xi1>, vector<256x1024xi32>
    %and3A_660 = arith.constant 7 : i32
    %and3A_661 = vector.broadcast %and3A_660 : i32 to vector<256x1024xi32>
    %and3A_662 = arith.andi %select_n3A_659, %and3A_661 : vector<256x1024xi32>
    %mul3A_663 = arith.constant 1024 : i32
    %mul3A_664 = vector.broadcast %mul3A_663 : i32 to vector<256x1024xi32>
    %mul3A_665 = arith.muli %and3A_662, %mul3A_664 : vector<256x1024xi32>
    %or3A_666 = arith.ori %mul3A_665, %iota3A_25 : vector<256x1024xi32>
    %reduce_min3A_667 = arith.constant dense<0x7F800000> : vector<256xf32>
    %reduce_min3A_668 = vector.multi_reduction <minimumf>, %select_n3A_650, %reduce_min3A_667 [1] : vector<256x1024xf32> to vector<256xf32>
    %broadcast_in_dim3A_669 = vector.shape_cast %reduce_min3A_668 : vector<256xf32> to vector<256x1xf32>
    %eq3A_670 = vector.broadcast %broadcast_in_dim3A_669 : vector<256x1xf32> to vector<256x1024xf32>
    %eq3A_671 = arith.cmpf oeq, %select_n3A_650, %eq3A_670 : vector<256x1024xf32>
    %jit3A_672 = arith.constant 8192 : i32
    %broadcast_in_dim3A_673 = vector.broadcast %jit3A_672 : i32 to vector<256x1024xi32>
    %select_n3A_674 = arith.select %eq3A_671, %or3A_666, %broadcast_in_dim3A_673 : vector<256x1024xi1>, vector<256x1024xi32>
    %reduce_min3A_675 = arith.constant dense<2147483647> : vector<256xi32>
    %reduce_min3A_676 = vector.multi_reduction <minsi>, %select_n3A_674, %reduce_min3A_675 [1] : vector<256x1024xi32> to vector<256xi32>
    %broadcast_in_dim3A_677 = vector.shape_cast %reduce_min3A_676 : vector<256xi32> to vector<256x1xi32>
    %eq3A_678 = arith.constant 9 : i32
    %eq3A_679 = vector.broadcast %eq3A_678 : i32 to vector<256x16xi32>
    %eq3A_680 = arith.cmpi eq, %iota3A_298, %eq3A_679 : vector<256x16xi32>
    %broadcast_in_dim3A_681 = vector.shape_cast %broadcast_in_dim3A_677 : vector<256x1xi32> to vector<256x1xi32>
    %broadcast_in_dim3A_682 = vector.broadcast %broadcast_in_dim3A_681 : vector<256x1xi32> to vector<256x16xi32>
    %select_n3A_683 = arith.select %eq3A_680, %broadcast_in_dim3A_682, %select_n3A_646 : vector<256x16xi1>, vector<256x16xi32>
    %eq3A_684 = vector.broadcast %broadcast_in_dim3A_677 : vector<256x1xi32> to vector<256x1024xi32>
    %eq3A_685 = arith.cmpi eq, %or3A_666, %eq3A_684 : vector<256x1024xi32>
    %and3A_686 = arith.andi %eq3A_671, %eq3A_685 : vector<256x1024xi1>
    %select_n3A_687 = arith.select %and3A_686, %select_n3A_651, %select_n3A_650 : vector<256x1024xi1>, vector<256x1024xf32>
    %select_n3A_688 = arith.select %and3A_686, %select_n3A_652, %select_n3A_651 : vector<256x1024xi1>, vector<256x1024xf32>
    %select_n3A_689 = arith.select %and3A_686, %select_n3A_653, %select_n3A_652 : vector<256x1024xi1>, vector<256x1024xf32>
    %select_n3A_690 = arith.select %and3A_686, %select_n3A_654, %select_n3A_653 : vector<256x1024xi1>, vector<256x1024xf32>
    %select_n3A_691 = arith.select %and3A_686, %select_n3A_655, %select_n3A_654 : vector<256x1024xi1>, vector<256x1024xf32>
    %shift_right_logical3A_692 = arith.constant 3 : i32
    %shift_right_logical3A_693 = vector.broadcast %shift_right_logical3A_692 : i32 to vector<256x1024xi32>
    %shift_right_logical3A_694 = arith.shrui %select_n3A_659, %shift_right_logical3A_693 : vector<256x1024xi32>
    %select_n3A_695 = arith.select %and3A_686, %shift_right_logical3A_694, %select_n3A_659 : vector<256x1024xi1>, vector<256x1024xi32>
    %and3A_696 = arith.constant 7 : i32
    %and3A_697 = vector.broadcast %and3A_696 : i32 to vector<256x1024xi32>
    %and3A_698 = arith.andi %select_n3A_695, %and3A_697 : vector<256x1024xi32>
    %mul3A_699 = arith.constant 1024 : i32
    %mul3A_700 = vector.broadcast %mul3A_699 : i32 to vector<256x1024xi32>
    %mul3A_701 = arith.muli %and3A_698, %mul3A_700 : vector<256x1024xi32>
    %or3A_702 = arith.ori %mul3A_701, %iota3A_25 : vector<256x1024xi32>
    %reduce_min3A_703 = arith.constant dense<0x7F800000> : vector<256xf32>
    %reduce_min3A_704 = vector.multi_reduction <minimumf>, %select_n3A_687, %reduce_min3A_703 [1] : vector<256x1024xf32> to vector<256xf32>
    %broadcast_in_dim3A_705 = vector.shape_cast %reduce_min3A_704 : vector<256xf32> to vector<256x1xf32>
    %eq3A_706 = vector.broadcast %broadcast_in_dim3A_705 : vector<256x1xf32> to vector<256x1024xf32>
    %eq3A_707 = arith.cmpf oeq, %select_n3A_687, %eq3A_706 : vector<256x1024xf32>
    %jit3A_708 = arith.constant 8192 : i32
    %broadcast_in_dim3A_709 = vector.broadcast %jit3A_708 : i32 to vector<256x1024xi32>
    %select_n3A_710 = arith.select %eq3A_707, %or3A_702, %broadcast_in_dim3A_709 : vector<256x1024xi1>, vector<256x1024xi32>
    %reduce_min3A_711 = arith.constant dense<2147483647> : vector<256xi32>
    %reduce_min3A_712 = vector.multi_reduction <minsi>, %select_n3A_710, %reduce_min3A_711 [1] : vector<256x1024xi32> to vector<256xi32>
    %broadcast_in_dim3A_713 = vector.shape_cast %reduce_min3A_712 : vector<256xi32> to vector<256x1xi32>
    %eq3A_714 = arith.constant 10 : i32
    %eq3A_715 = vector.broadcast %eq3A_714 : i32 to vector<256x16xi32>
    %eq3A_716 = arith.cmpi eq, %iota3A_298, %eq3A_715 : vector<256x16xi32>
    %broadcast_in_dim3A_717 = vector.shape_cast %broadcast_in_dim3A_713 : vector<256x1xi32> to vector<256x1xi32>
    %broadcast_in_dim3A_718 = vector.broadcast %broadcast_in_dim3A_717 : vector<256x1xi32> to vector<256x16xi32>
    %select_n3A_719 = arith.select %eq3A_716, %broadcast_in_dim3A_718, %select_n3A_683 : vector<256x16xi1>, vector<256x16xi32>
    %eq3A_720 = vector.broadcast %broadcast_in_dim3A_713 : vector<256x1xi32> to vector<256x1024xi32>
    %eq3A_721 = arith.cmpi eq, %or3A_702, %eq3A_720 : vector<256x1024xi32>
    %and3A_722 = arith.andi %eq3A_707, %eq3A_721 : vector<256x1024xi1>
    %select_n3A_723 = arith.select %and3A_722, %select_n3A_688, %select_n3A_687 : vector<256x1024xi1>, vector<256x1024xf32>
    %select_n3A_724 = arith.select %and3A_722, %select_n3A_689, %select_n3A_688 : vector<256x1024xi1>, vector<256x1024xf32>
    %select_n3A_725 = arith.select %and3A_722, %select_n3A_690, %select_n3A_689 : vector<256x1024xi1>, vector<256x1024xf32>
    %select_n3A_726 = arith.select %and3A_722, %select_n3A_691, %select_n3A_690 : vector<256x1024xi1>, vector<256x1024xf32>
    %shift_right_logical3A_727 = arith.constant 3 : i32
    %shift_right_logical3A_728 = vector.broadcast %shift_right_logical3A_727 : i32 to vector<256x1024xi32>
    %shift_right_logical3A_729 = arith.shrui %select_n3A_695, %shift_right_logical3A_728 : vector<256x1024xi32>
    %select_n3A_730 = arith.select %and3A_722, %shift_right_logical3A_729, %select_n3A_695 : vector<256x1024xi1>, vector<256x1024xi32>
    %and3A_731 = arith.constant 7 : i32
    %and3A_732 = vector.broadcast %and3A_731 : i32 to vector<256x1024xi32>
    %and3A_733 = arith.andi %select_n3A_730, %and3A_732 : vector<256x1024xi32>
    %mul3A_734 = arith.constant 1024 : i32
    %mul3A_735 = vector.broadcast %mul3A_734 : i32 to vector<256x1024xi32>
    %mul3A_736 = arith.muli %and3A_733, %mul3A_735 : vector<256x1024xi32>
    %or3A_737 = arith.ori %mul3A_736, %iota3A_25 : vector<256x1024xi32>
    %reduce_min3A_738 = arith.constant dense<0x7F800000> : vector<256xf32>
    %reduce_min3A_739 = vector.multi_reduction <minimumf>, %select_n3A_723, %reduce_min3A_738 [1] : vector<256x1024xf32> to vector<256xf32>
    %broadcast_in_dim3A_740 = vector.shape_cast %reduce_min3A_739 : vector<256xf32> to vector<256x1xf32>
    %eq3A_741 = vector.broadcast %broadcast_in_dim3A_740 : vector<256x1xf32> to vector<256x1024xf32>
    %eq3A_742 = arith.cmpf oeq, %select_n3A_723, %eq3A_741 : vector<256x1024xf32>
    %jit3A_743 = arith.constant 8192 : i32
    %broadcast_in_dim3A_744 = vector.broadcast %jit3A_743 : i32 to vector<256x1024xi32>
    %select_n3A_745 = arith.select %eq3A_742, %or3A_737, %broadcast_in_dim3A_744 : vector<256x1024xi1>, vector<256x1024xi32>
    %reduce_min3A_746 = arith.constant dense<2147483647> : vector<256xi32>
    %reduce_min3A_747 = vector.multi_reduction <minsi>, %select_n3A_745, %reduce_min3A_746 [1] : vector<256x1024xi32> to vector<256xi32>
    %broadcast_in_dim3A_748 = vector.shape_cast %reduce_min3A_747 : vector<256xi32> to vector<256x1xi32>
    %eq3A_749 = arith.constant 11 : i32
    %eq3A_750 = vector.broadcast %eq3A_749 : i32 to vector<256x16xi32>
    %eq3A_751 = arith.cmpi eq, %iota3A_298, %eq3A_750 : vector<256x16xi32>
    %broadcast_in_dim3A_752 = vector.shape_cast %broadcast_in_dim3A_748 : vector<256x1xi32> to vector<256x1xi32>
    %broadcast_in_dim3A_753 = vector.broadcast %broadcast_in_dim3A_752 : vector<256x1xi32> to vector<256x16xi32>
    %select_n3A_754 = arith.select %eq3A_751, %broadcast_in_dim3A_753, %select_n3A_719 : vector<256x16xi1>, vector<256x16xi32>
    %eq3A_755 = vector.broadcast %broadcast_in_dim3A_748 : vector<256x1xi32> to vector<256x1024xi32>
    %eq3A_756 = arith.cmpi eq, %or3A_737, %eq3A_755 : vector<256x1024xi32>
    %and3A_757 = arith.andi %eq3A_742, %eq3A_756 : vector<256x1024xi1>
    %select_n3A_758 = arith.select %and3A_757, %select_n3A_724, %select_n3A_723 : vector<256x1024xi1>, vector<256x1024xf32>
    %select_n3A_759 = arith.select %and3A_757, %select_n3A_725, %select_n3A_724 : vector<256x1024xi1>, vector<256x1024xf32>
    %select_n3A_760 = arith.select %and3A_757, %select_n3A_726, %select_n3A_725 : vector<256x1024xi1>, vector<256x1024xf32>
    %shift_right_logical3A_761 = arith.constant 3 : i32
    %shift_right_logical3A_762 = vector.broadcast %shift_right_logical3A_761 : i32 to vector<256x1024xi32>
    %shift_right_logical3A_763 = arith.shrui %select_n3A_730, %shift_right_logical3A_762 : vector<256x1024xi32>
    %select_n3A_764 = arith.select %and3A_757, %shift_right_logical3A_763, %select_n3A_730 : vector<256x1024xi1>, vector<256x1024xi32>
    %and3A_765 = arith.constant 7 : i32
    %and3A_766 = vector.broadcast %and3A_765 : i32 to vector<256x1024xi32>
    %and3A_767 = arith.andi %select_n3A_764, %and3A_766 : vector<256x1024xi32>
    %mul3A_768 = arith.constant 1024 : i32
    %mul3A_769 = vector.broadcast %mul3A_768 : i32 to vector<256x1024xi32>
    %mul3A_770 = arith.muli %and3A_767, %mul3A_769 : vector<256x1024xi32>
    %or3A_771 = arith.ori %mul3A_770, %iota3A_25 : vector<256x1024xi32>
    %reduce_min3A_772 = arith.constant dense<0x7F800000> : vector<256xf32>
    %reduce_min3A_773 = vector.multi_reduction <minimumf>, %select_n3A_758, %reduce_min3A_772 [1] : vector<256x1024xf32> to vector<256xf32>
    %broadcast_in_dim3A_774 = vector.shape_cast %reduce_min3A_773 : vector<256xf32> to vector<256x1xf32>
    %eq3A_775 = vector.broadcast %broadcast_in_dim3A_774 : vector<256x1xf32> to vector<256x1024xf32>
    %eq3A_776 = arith.cmpf oeq, %select_n3A_758, %eq3A_775 : vector<256x1024xf32>
    %jit3A_777 = arith.constant 8192 : i32
    %broadcast_in_dim3A_778 = vector.broadcast %jit3A_777 : i32 to vector<256x1024xi32>
    %select_n3A_779 = arith.select %eq3A_776, %or3A_771, %broadcast_in_dim3A_778 : vector<256x1024xi1>, vector<256x1024xi32>
    %reduce_min3A_780 = arith.constant dense<2147483647> : vector<256xi32>
    %reduce_min3A_781 = vector.multi_reduction <minsi>, %select_n3A_779, %reduce_min3A_780 [1] : vector<256x1024xi32> to vector<256xi32>
    %broadcast_in_dim3A_782 = vector.shape_cast %reduce_min3A_781 : vector<256xi32> to vector<256x1xi32>
    %eq3A_783 = arith.constant 12 : i32
    %eq3A_784 = vector.broadcast %eq3A_783 : i32 to vector<256x16xi32>
    %eq3A_785 = arith.cmpi eq, %iota3A_298, %eq3A_784 : vector<256x16xi32>
    %broadcast_in_dim3A_786 = vector.shape_cast %broadcast_in_dim3A_782 : vector<256x1xi32> to vector<256x1xi32>
    %broadcast_in_dim3A_787 = vector.broadcast %broadcast_in_dim3A_786 : vector<256x1xi32> to vector<256x16xi32>
    %select_n3A_788 = arith.select %eq3A_785, %broadcast_in_dim3A_787, %select_n3A_754 : vector<256x16xi1>, vector<256x16xi32>
    %eq3A_789 = vector.broadcast %broadcast_in_dim3A_782 : vector<256x1xi32> to vector<256x1024xi32>
    %eq3A_790 = arith.cmpi eq, %or3A_771, %eq3A_789 : vector<256x1024xi32>
    %and3A_791 = arith.andi %eq3A_776, %eq3A_790 : vector<256x1024xi1>
    %select_n3A_792 = arith.select %and3A_791, %select_n3A_759, %select_n3A_758 : vector<256x1024xi1>, vector<256x1024xf32>
    %select_n3A_793 = arith.select %and3A_791, %select_n3A_760, %select_n3A_759 : vector<256x1024xi1>, vector<256x1024xf32>
    %shift_right_logical3A_794 = arith.constant 3 : i32
    %shift_right_logical3A_795 = vector.broadcast %shift_right_logical3A_794 : i32 to vector<256x1024xi32>
    %shift_right_logical3A_796 = arith.shrui %select_n3A_764, %shift_right_logical3A_795 : vector<256x1024xi32>
    %select_n3A_797 = arith.select %and3A_791, %shift_right_logical3A_796, %select_n3A_764 : vector<256x1024xi1>, vector<256x1024xi32>
    %and3A_798 = arith.constant 7 : i32
    %and3A_799 = vector.broadcast %and3A_798 : i32 to vector<256x1024xi32>
    %and3A_800 = arith.andi %select_n3A_797, %and3A_799 : vector<256x1024xi32>
    %mul3A_801 = arith.constant 1024 : i32
    %mul3A_802 = vector.broadcast %mul3A_801 : i32 to vector<256x1024xi32>
    %mul3A_803 = arith.muli %and3A_800, %mul3A_802 : vector<256x1024xi32>
    %or3A_804 = arith.ori %mul3A_803, %iota3A_25 : vector<256x1024xi32>
    %reduce_min3A_805 = arith.constant dense<0x7F800000> : vector<256xf32>
    %reduce_min3A_806 = vector.multi_reduction <minimumf>, %select_n3A_792, %reduce_min3A_805 [1] : vector<256x1024xf32> to vector<256xf32>
    %broadcast_in_dim3A_807 = vector.shape_cast %reduce_min3A_806 : vector<256xf32> to vector<256x1xf32>
    %eq3A_808 = vector.broadcast %broadcast_in_dim3A_807 : vector<256x1xf32> to vector<256x1024xf32>
    %eq3A_809 = arith.cmpf oeq, %select_n3A_792, %eq3A_808 : vector<256x1024xf32>
    %jit3A_810 = arith.constant 8192 : i32
    %broadcast_in_dim3A_811 = vector.broadcast %jit3A_810 : i32 to vector<256x1024xi32>
    %select_n3A_812 = arith.select %eq3A_809, %or3A_804, %broadcast_in_dim3A_811 : vector<256x1024xi1>, vector<256x1024xi32>
    %reduce_min3A_813 = arith.constant dense<2147483647> : vector<256xi32>
    %reduce_min3A_814 = vector.multi_reduction <minsi>, %select_n3A_812, %reduce_min3A_813 [1] : vector<256x1024xi32> to vector<256xi32>
    %broadcast_in_dim3A_815 = vector.shape_cast %reduce_min3A_814 : vector<256xi32> to vector<256x1xi32>
    %eq3A_816 = arith.constant 13 : i32
    %eq3A_817 = vector.broadcast %eq3A_816 : i32 to vector<256x16xi32>
    %eq3A_818 = arith.cmpi eq, %iota3A_298, %eq3A_817 : vector<256x16xi32>
    %broadcast_in_dim3A_819 = vector.shape_cast %broadcast_in_dim3A_815 : vector<256x1xi32> to vector<256x1xi32>
    %broadcast_in_dim3A_820 = vector.broadcast %broadcast_in_dim3A_819 : vector<256x1xi32> to vector<256x16xi32>
    %select_n3A_821 = arith.select %eq3A_818, %broadcast_in_dim3A_820, %select_n3A_788 : vector<256x16xi1>, vector<256x16xi32>
    %eq3A_822 = vector.broadcast %broadcast_in_dim3A_815 : vector<256x1xi32> to vector<256x1024xi32>
    %eq3A_823 = arith.cmpi eq, %or3A_804, %eq3A_822 : vector<256x1024xi32>
    %and3A_824 = arith.andi %eq3A_809, %eq3A_823 : vector<256x1024xi1>
    %select_n3A_825 = arith.select %and3A_824, %select_n3A_793, %select_n3A_792 : vector<256x1024xi1>, vector<256x1024xf32>
    %shift_right_logical3A_826 = arith.constant 3 : i32
    %shift_right_logical3A_827 = vector.broadcast %shift_right_logical3A_826 : i32 to vector<256x1024xi32>
    %shift_right_logical3A_828 = arith.shrui %select_n3A_797, %shift_right_logical3A_827 : vector<256x1024xi32>
    %select_n3A_829 = arith.select %and3A_824, %shift_right_logical3A_828, %select_n3A_797 : vector<256x1024xi1>, vector<256x1024xi32>
    %and3A_830 = arith.constant 7 : i32
    %and3A_831 = vector.broadcast %and3A_830 : i32 to vector<256x1024xi32>
    %and3A_832 = arith.andi %select_n3A_829, %and3A_831 : vector<256x1024xi32>
    %mul3A_833 = arith.constant 1024 : i32
    %mul3A_834 = vector.broadcast %mul3A_833 : i32 to vector<256x1024xi32>
    %mul3A_835 = arith.muli %and3A_832, %mul3A_834 : vector<256x1024xi32>
    %or3A_836 = arith.ori %mul3A_835, %iota3A_25 : vector<256x1024xi32>
    %reduce_min3A_837 = arith.constant dense<0x7F800000> : vector<256xf32>
    %reduce_min3A_838 = vector.multi_reduction <minimumf>, %select_n3A_825, %reduce_min3A_837 [1] : vector<256x1024xf32> to vector<256xf32>
    %broadcast_in_dim3A_839 = vector.shape_cast %reduce_min3A_838 : vector<256xf32> to vector<256x1xf32>
    %eq3A_840 = vector.broadcast %broadcast_in_dim3A_839 : vector<256x1xf32> to vector<256x1024xf32>
    %eq3A_841 = arith.cmpf oeq, %select_n3A_825, %eq3A_840 : vector<256x1024xf32>
    %jit3A_842 = arith.constant 8192 : i32
    %broadcast_in_dim3A_843 = vector.broadcast %jit3A_842 : i32 to vector<256x1024xi32>
    %select_n3A_844 = arith.select %eq3A_841, %or3A_836, %broadcast_in_dim3A_843 : vector<256x1024xi1>, vector<256x1024xi32>
    %reduce_min3A_845 = arith.constant dense<2147483647> : vector<256xi32>
    %reduce_min3A_846 = vector.multi_reduction <minsi>, %select_n3A_844, %reduce_min3A_845 [1] : vector<256x1024xi32> to vector<256xi32>
    %broadcast_in_dim3A_847 = vector.shape_cast %reduce_min3A_846 : vector<256xi32> to vector<256x1xi32>
    %eq3A_848 = arith.constant 14 : i32
    %eq3A_849 = vector.broadcast %eq3A_848 : i32 to vector<256x16xi32>
    %eq3A_850 = arith.cmpi eq, %iota3A_298, %eq3A_849 : vector<256x16xi32>
    %broadcast_in_dim3A_851 = vector.shape_cast %broadcast_in_dim3A_847 : vector<256x1xi32> to vector<256x1xi32>
    %broadcast_in_dim3A_852 = vector.broadcast %broadcast_in_dim3A_851 : vector<256x1xi32> to vector<256x16xi32>
    %select_n3A_853 = arith.select %eq3A_850, %broadcast_in_dim3A_852, %select_n3A_821 : vector<256x16xi1>, vector<256x16xi32>
    %eq3A_854 = arith.constant 15 : i32
    %eq3A_855 = vector.broadcast %eq3A_854 : i32 to vector<256x16xi32>
    %eq3A_856 = arith.cmpi eq, %iota3A_298, %eq3A_855 : vector<256x16xi32>
    %broadcast_in_dim3A_857 = vector.shape_cast %add3A_24 : vector<256x1xi32> to vector<256x1xi32>
    %broadcast_in_dim3A_858 = vector.broadcast %broadcast_in_dim3A_857 : vector<256x1xi32> to vector<256x16xi32>
    %select_n3A_859 = arith.select %eq3A_856, %broadcast_in_dim3A_858, %select_n3A_853 : vector<256x16xi1>, vector<256x16xi32>
    %swap3A = arith.constant 0 : index
    %swap3A_860 = arith.constant 0 : index
    %swap3A_861 = vector.load %arg3[%swap3A, %swap3A_860] : memref<256x16xi32, #tpu.memory_space<vmem>>, vector<256x16xi32>
    tpu.vector_store %arg3[%swap3A, %swap3A_860], %select_n3A_859 {strides = array<i32>} : memref<256x16xi32, #tpu.memory_space<vmem>>, vector<256x16xi32>,
    return
  }
  func.func @transform_0(%arg0: i32) -> (i32, i32) {
    %add3A = arith.constant 0 : i32
    %add3A_0 = arith.addi %add3A, %arg0 : i32
    %c0_i32 = arith.constant 0 : i32
    %c0_i32_1 = arith.constant 0 : i32
    return %add3A_0, %c0_i32 : i32, i32
  }
  func.func @transform_1(%arg0: i32) -> (i32, i32) {
    %c0_i32 = arith.constant 0 : i32
    %c0_i32_0 = arith.constant 0 : i32
    %c0_i32_1 = arith.constant 0 : i32
    return %c0_i32, %c0_i32_0 : i32, i32
  }
  func.func @transform_2(%arg0: i32) -> (i32, i32) {
    %c0_i32 = arith.constant 0 : i32
    %c0_i32_0 = arith.constant 0 : i32
    return %arg0, %c0_i32 : i32, i32
  }
}

module attributes {stable_mosaic.version = 14 : i64} {
  func.func @_table_body(%arg0: memref<8192x64xf32, #tpu.memory_space<vmem>>, %arg1: memref<8192x1xf32, #tpu.memory_space<vmem>>, %arg2: memref<8192x128xf32, #tpu.memory_space<vmem>>) attributes {dimension_semantics = [], scalar_prefetch = 0 : i64, scratch_operands = 0 : i64, tpu.core_type = #tpu.core_type<tc>} {
    %get3A = arith.constant 0 : index
    %get3A_0 = arith.constant 0 : index
    %get3A_1 = vector.load %arg0[%get3A, %get3A_0] : memref<8192x64xf32, #tpu.memory_space<vmem>>, vector<8192x64xf32>
    %get3A_2 = arith.constant 0 : index
    %get3A_3 = arith.constant 0 : index
    %get3A_4 = vector.load %arg1[%get3A_2, %get3A_3] : memref<8192x1xf32, #tpu.memory_space<vmem>>, vector<8192x1xf32>
    %broadcast_in_dim3A = arith.constant 0.000000e+00 : f32
    %broadcast_in_dim3A_5 = vector.broadcast %broadcast_in_dim3A : f32 to vector<8192x63xf32>
    %concatenate3A = tpu.concatenate %get3A_1, %get3A_4, %broadcast_in_dim3A_5 in 1 : vector<8192x64xf32>, vector<8192x1xf32>, vector<8192x63xf32> -> vector<8192x128xf32>
    %swap3A = arith.constant 0 : index
    %swap3A_6 = arith.constant 0 : index
    %swap3A_7 = vector.load %arg2[%swap3A, %swap3A_6] : memref<8192x128xf32, #tpu.memory_space<vmem>>, vector<8192x128xf32>
    tpu.vector_store %arg2[%swap3A, %swap3A_6], %concatenate3A {strides = array<i32>} : memref<8192x128xf32, #tpu.memory_space<vmem>>, vector<8192x128xf32>,
    return
  }
}

module attributes {stable_mosaic.version = 14 : i64} {
  func.func @_topk_body(%arg0: i32, %arg1: memref<256x64xf32, #tpu.memory_space<vmem>>, %arg2: memref<8192x64xf32, #tpu.memory_space<vmem>>, %arg3: memref<256x16xi32, #tpu.memory_space<vmem>>, %arg4: memref<1x8192xf32, #tpu.memory_space<vmem>>) attributes {dimension_semantics = [#tpu.dimension_semantics<arbitrary>], iteration_bounds = array<i64: 16>, scalar_prefetch = 0 : i64, scratch_operands = 1 : i64, tpu.core_type = #tpu.core_type<tc>, window_params = [{transform_indices = @transform_0, window_bounds = array<i64: 256, 64>}, {pipeline_mode = #tpu.pipeline_mode<synchronous>, transform_indices = @transform_1, window_bounds = array<i64: 8192, 64>}, {transform_indices = @transform_2, window_bounds = array<i64: 256, 16>}]} {
    %get3A = arith.constant 0 : index
    %get3A_0 = arith.constant 0 : index
    %get3A_1 = vector.load %arg2[%get3A, %get3A_0] : memref<8192x64xf32, #tpu.memory_space<vmem>>, vector<8192x64xf32>
    %eq3A = arith.constant 0 : i32
    %eq3A_2 = arith.cmpi eq, %arg0, %eq3A : i32
    %convert_element_type3A = arith.extui %eq3A_2 : i1 to i32
    %cond3A = arith.constant 0 : i32
    %cond3A_3 = arith.cmpi ne, %convert_element_type3A, %cond3A : i32
    scf.if %cond3A_3 {
      %mul3A_862 = arith.mulf %get3A_1, %get3A_1 : vector<8192x64xf32>
      %reduce_sum3A_863 = arith.constant dense<0.000000e+00> : vector<8192xf32>
      %reduce_sum3A_864 = vector.multi_reduction <add>, %mul3A_862, %reduce_sum3A_863 [1] : vector<8192x64xf32> to vector<8192xf32>
      %broadcast_in_dim3A_865 = vector.shape_cast %reduce_sum3A_864 : vector<8192xf32> to vector<1x8192xf32>
      %swap3A_866 = arith.constant 0 : index
      %swap3A_867 = arith.constant 0 : index
      %swap3A_868 = vector.load %arg4[%swap3A_866, %swap3A_867] : memref<1x8192xf32, #tpu.memory_space<vmem>>, vector<1x8192xf32>
      tpu.vector_store %arg4[%swap3A_866, %swap3A_867], %broadcast_in_dim3A_865 {strides = array<i32>} : memref<1x8192xf32, #tpu.memory_space<vmem>>, vector<1x8192xf32>,
    } else {
    }
    %get3A_4 = arith.constant 0 : index
    %get3A_5 = arith.constant 0 : index
    %get3A_6 = vector.load %arg1[%get3A_4, %get3A_5] : memref<256x64xf32, #tpu.memory_space<vmem>>, vector<256x64xf32>
    %mul3A = arith.mulf %get3A_6, %get3A_6 : vector<256x64xf32>
    %reduce_sum3A = arith.constant dense<0.000000e+00> : vector<256xf32>
    %reduce_sum3A_7 = vector.multi_reduction <add>, %mul3A, %reduce_sum3A [1] : vector<256x64xf32> to vector<256xf32>
    %broadcast_in_dim3A = vector.shape_cast %reduce_sum3A_7 : vector<256xf32> to vector<256x1xf32>
    %convert_element_type3A_8 = arith.truncf %get3A_6 : vector<256x64xf32> to vector<256x64xbf16>
    %convert_element_type3A_9 = arith.truncf %get3A_1 : vector<8192x64xf32> to vector<8192x64xbf16>
    %dot_general3A = arith.constant dense<0.000000e+00> : vector<256x8192xf32>
    %dot_general3A_10 = tpu.matmul %convert_element_type3A_8, %convert_element_type3A_9, %dot_general3A {dimension_numbers = #tpu.dot_dimension_numbers<[1], [1], [0], [0], [0, 0, 1, 0], [], []>, transpose_lhs_hint = false} : vector<256x64xbf16>, vector<8192x64xbf16>, vector<256x8192xf32> -> vector<256x8192xf32>
    %get3A_11 = arith.constant 0 : index
    %get3A_12 = arith.constant 0 : index
    %get3A_13 = vector.load %arg4[%get3A_11, %get3A_12] : memref<1x8192xf32, #tpu.memory_space<vmem>>, vector<1x8192xf32>
    %add3A = vector.broadcast %broadcast_in_dim3A : vector<256x1xf32> to vector<256x8192xf32>
    %add3A_14 = vector.broadcast %get3A_13 : vector<1x8192xf32> to vector<256x8192xf32>
    %add3A_15 = arith.addf %add3A, %add3A_14 : vector<256x8192xf32>
    %mul3A_16 = arith.constant 2.000000e+00 : f32
    %mul3A_17 = vector.broadcast %mul3A_16 : f32 to vector<256x8192xf32>
    %mul3A_18 = arith.mulf %mul3A_17, %dot_general3A_10 : vector<256x8192xf32>
    %sub3A = arith.subf %add3A_15, %mul3A_18 : vector<256x8192xf32>
    %mul3A_19 = arith.constant 256 : i32
    %mul3A_20 = arith.muli %arg0, %mul3A_19 : i32
    %add3A_21 = arith.constant 4096 : i32
    %add3A_22 = arith.addi %add3A_21, %mul3A_20 : i32
    %iota3A = tpu.iota {dimensions = array<i32: 0>} : vector<256x1xi32>
    %add3A_23 = vector.broadcast %add3A_22 : i32 to vector<256x1xi32>
    %add3A_24 = arith.addi %add3A_23, %iota3A : vector<256x1xi32>
    %iota3A_25 = tpu.iota {dimensions = array<i32: 1>} : vector<256x1024xi32>
    %add3A_26 = arith.constant 0 : i32
    %add3A_27 = vector.broadcast %add3A_26 : i32 to vector<256x1024xi32>
    %add3A_28 = arith.addi %iota3A_25, %add3A_27 : vector<256x1024xi32>
    %slice3A = vector.extract_strided_slice %sub3A {offsets = [0, 0], sizes = [256, 1024], strides = [1, 1]} : vector<256x8192xf32> to vector<256x1024xf32>
    %eq3A_29 = vector.broadcast %add3A_24 : vector<256x1xi32> to vector<256x1024xi32>
    %eq3A_30 = arith.cmpi eq, %add3A_28, %eq3A_29 : vector<256x1024xi32>
    %jit3A = arith.constant 1.000000e+09 : f32
    %jit3A_31 = arith.constant 0.000000e+00 : f32
    %broadcast_in_dim3A_32 = vector.broadcast %jit3A : f32 to vector<256x1024xf32>
    %broadcast_in_dim3A_33 = vector.broadcast %jit3A_31 : f32 to vector<256x1024xf32>
    %select_n3A = arith.select %eq3A_30, %broadcast_in_dim3A_32, %broadcast_in_dim3A_33 : vector<256x1024xi1>, vector<256x1024xf32>
    %add3A_34 = arith.addf %slice3A, %select_n3A : vector<256x1024xf32>
    %broadcast_in_dim3A_35 = arith.constant 0 : i32
    %broadcast_in_dim3A_36 = vector.broadcast %broadcast_in_dim3A_35 : i32 to vector<256x1024xi32>
    %add3A_37 = arith.constant 1024 : i32
    %add3A_38 = vector.broadcast %add3A_37 : i32 to vector<256x1024xi32>
    %add3A_39 = arith.addi %iota3A_25, %add3A_38 : vector<256x1024xi32>
    %slice3A_40 = vector.extract_strided_slice %sub3A {offsets = [0, 1024], sizes = [256, 1024], strides = [1, 1]} : vector<256x8192xf32> to vector<256x1024xf32>
    %eq3A_41 = vector.broadcast %add3A_24 : vector<256x1xi32> to vector<256x1024xi32>
    %eq3A_42 = arith.cmpi eq, %add3A_39, %eq3A_41 : vector<256x1024xi32>
    %jit3A_43 = arith.constant 1.000000e+09 : f32
    %jit3A_44 = arith.constant 0.000000e+00 : f32
    %broadcast_in_dim3A_45 = vector.broadcast %jit3A_43 : f32 to vector<256x1024xf32>
    %broadcast_in_dim3A_46 = vector.broadcast %jit3A_44 : f32 to vector<256x1024xf32>
    %select_n3A_47 = arith.select %eq3A_42, %broadcast_in_dim3A_45, %broadcast_in_dim3A_46 : vector<256x1024xi1>, vector<256x1024xf32>
    %add3A_48 = arith.addf %slice3A_40, %select_n3A_47 : vector<256x1024xf32>
    %broadcast_in_dim3A_49 = arith.constant 1 : i32
    %broadcast_in_dim3A_50 = vector.broadcast %broadcast_in_dim3A_49 : i32 to vector<256x1024xi32>
    %add3A_51 = arith.constant 2048 : i32
    %add3A_52 = vector.broadcast %add3A_51 : i32 to vector<256x1024xi32>
    %add3A_53 = arith.addi %iota3A_25, %add3A_52 : vector<256x1024xi32>
    %slice3A_54 = vector.extract_strided_slice %sub3A {offsets = [0, 2048], sizes = [256, 1024], strides = [1, 1]} : vector<256x8192xf32> to vector<256x1024xf32>
    %eq3A_55 = vector.broadcast %add3A_24 : vector<256x1xi32> to vector<256x1024xi32>
    %eq3A_56 = arith.cmpi eq, %add3A_53, %eq3A_55 : vector<256x1024xi32>
    %jit3A_57 = arith.constant 1.000000e+09 : f32
    %jit3A_58 = arith.constant 0.000000e+00 : f32
    %broadcast_in_dim3A_59 = vector.broadcast %jit3A_57 : f32 to vector<256x1024xf32>
    %broadcast_in_dim3A_60 = vector.broadcast %jit3A_58 : f32 to vector<256x1024xf32>
    %select_n3A_61 = arith.select %eq3A_56, %broadcast_in_dim3A_59, %broadcast_in_dim3A_60 : vector<256x1024xi1>, vector<256x1024xf32>
    %add3A_62 = arith.addf %slice3A_54, %select_n3A_61 : vector<256x1024xf32>
    %broadcast_in_dim3A_63 = arith.constant 2 : i32
    %broadcast_in_dim3A_64 = vector.broadcast %broadcast_in_dim3A_63 : i32 to vector<256x1024xi32>
    %add3A_65 = arith.constant 3072 : i32
    %add3A_66 = vector.broadcast %add3A_65 : i32 to vector<256x1024xi32>
    %add3A_67 = arith.addi %iota3A_25, %add3A_66 : vector<256x1024xi32>
    %slice3A_68 = vector.extract_strided_slice %sub3A {offsets = [0, 3072], sizes = [256, 1024], strides = [1, 1]} : vector<256x8192xf32> to vector<256x1024xf32>
    %eq3A_69 = vector.broadcast %add3A_24 : vector<256x1xi32> to vector<256x1024xi32>
    %eq3A_70 = arith.cmpi eq, %add3A_67, %eq3A_69 : vector<256x1024xi32>
    %jit3A_71 = arith.constant 1.000000e+09 : f32
    %jit3A_72 = arith.constant 0.000000e+00 : f32
    %broadcast_in_dim3A_73 = vector.broadcast %jit3A_71 : f32 to vector<256x1024xf32>
    %broadcast_in_dim3A_74 = vector.broadcast %jit3A_72 : f32 to vector<256x1024xf32>
    %select_n3A_75 = arith.select %eq3A_70, %broadcast_in_dim3A_73, %broadcast_in_dim3A_74 : vector<256x1024xi1>, vector<256x1024xf32>
    %add3A_76 = arith.addf %slice3A_68, %select_n3A_75 : vector<256x1024xf32>
    %broadcast_in_dim3A_77 = arith.constant 3 : i32
    %broadcast_in_dim3A_78 = vector.broadcast %broadcast_in_dim3A_77 : i32 to vector<256x1024xi32>
    %add3A_79 = arith.constant 4096 : i32
    %add3A_80 = vector.broadcast %add3A_79 : i32 to vector<256x1024xi32>
    %add3A_81 = arith.addi %iota3A_25, %add3A_80 : vector<256x1024xi32>
    %slice3A_82 = vector.extract_strided_slice %sub3A {offsets = [0, 4096], sizes = [256, 1024], strides = [1, 1]} : vector<256x8192xf32> to vector<256x1024xf32>
    %eq3A_83 = vector.broadcast %add3A_24 : vector<256x1xi32> to vector<256x1024xi32>
    %eq3A_84 = arith.cmpi eq, %add3A_81, %eq3A_83 : vector<256x1024xi32>
    %jit3A_85 = arith.constant 1.000000e+09 : f32
    %jit3A_86 = arith.constant 0.000000e+00 : f32
    %broadcast_in_dim3A_87 = vector.broadcast %jit3A_85 : f32 to vector<256x1024xf32>
    %broadcast_in_dim3A_88 = vector.broadcast %jit3A_86 : f32 to vector<256x1024xf32>
    %select_n3A_89 = arith.select %eq3A_84, %broadcast_in_dim3A_87, %broadcast_in_dim3A_88 : vector<256x1024xi1>, vector<256x1024xf32>
    %add3A_90 = arith.addf %slice3A_82, %select_n3A_89 : vector<256x1024xf32>
    %broadcast_in_dim3A_91 = arith.constant 4 : i32
    %broadcast_in_dim3A_92 = vector.broadcast %broadcast_in_dim3A_91 : i32 to vector<256x1024xi32>
    %add3A_93 = arith.constant 5120 : i32
    %add3A_94 = vector.broadcast %add3A_93 : i32 to vector<256x1024xi32>
    %add3A_95 = arith.addi %iota3A_25, %add3A_94 : vector<256x1024xi32>
    %slice3A_96 = vector.extract_strided_slice %sub3A {offsets = [0, 5120], sizes = [256, 1024], strides = [1, 1]} : vector<256x8192xf32> to vector<256x1024xf32>
    %eq3A_97 = vector.broadcast %add3A_24 : vector<256x1xi32> to vector<256x1024xi32>
    %eq3A_98 = arith.cmpi eq, %add3A_95, %eq3A_97 : vector<256x1024xi32>
    %jit3A_99 = arith.constant 1.000000e+09 : f32
    %jit3A_100 = arith.constant 0.000000e+00 : f32
    %broadcast_in_dim3A_101 = vector.broadcast %jit3A_99 : f32 to vector<256x1024xf32>
    %broadcast_in_dim3A_102 = vector.broadcast %jit3A_100 : f32 to vector<256x1024xf32>
    %select_n3A_103 = arith.select %eq3A_98, %broadcast_in_dim3A_101, %broadcast_in_dim3A_102 : vector<256x1024xi1>, vector<256x1024xf32>
    %add3A_104 = arith.addf %slice3A_96, %select_n3A_103 : vector<256x1024xf32>
    %broadcast_in_dim3A_105 = arith.constant 5 : i32
    %broadcast_in_dim3A_106 = vector.broadcast %broadcast_in_dim3A_105 : i32 to vector<256x1024xi32>
    %add3A_107 = arith.constant 6144 : i32
    %add3A_108 = vector.broadcast %add3A_107 : i32 to vector<256x1024xi32>
    %add3A_109 = arith.addi %iota3A_25, %add3A_108 : vector<256x1024xi32>
    %slice3A_110 = vector.extract_strided_slice %sub3A {offsets = [0, 6144], sizes = [256, 1024], strides = [1, 1]} : vector<256x8192xf32> to vector<256x1024xf32>
    %eq3A_111 = vector.broadcast %add3A_24 : vector<256x1xi32> to vector<256x1024xi32>
    %eq3A_112 = arith.cmpi eq, %add3A_109, %eq3A_111 : vector<256x1024xi32>
    %jit3A_113 = arith.constant 1.000000e+09 : f32
    %jit3A_114 = arith.constant 0.000000e+00 : f32
    %broadcast_in_dim3A_115 = vector.broadcast %jit3A_113 : f32 to vector<256x1024xf32>
    %broadcast_in_dim3A_116 = vector.broadcast %jit3A_114 : f32 to vector<256x1024xf32>
    %select_n3A_117 = arith.select %eq3A_112, %broadcast_in_dim3A_115, %broadcast_in_dim3A_116 : vector<256x1024xi1>, vector<256x1024xf32>
    %add3A_118 = arith.addf %slice3A_110, %select_n3A_117 : vector<256x1024xf32>
    %broadcast_in_dim3A_119 = arith.constant 6 : i32
    %broadcast_in_dim3A_120 = vector.broadcast %broadcast_in_dim3A_119 : i32 to vector<256x1024xi32>
    %add3A_121 = arith.constant 7168 : i32
    %add3A_122 = vector.broadcast %add3A_121 : i32 to vector<256x1024xi32>
    %add3A_123 = arith.addi %iota3A_25, %add3A_122 : vector<256x1024xi32>
    %slice3A_124 = vector.extract_strided_slice %sub3A {offsets = [0, 7168], sizes = [256, 1024], strides = [1, 1]} : vector<256x8192xf32> to vector<256x1024xf32>
    %eq3A_125 = vector.broadcast %add3A_24 : vector<256x1xi32> to vector<256x1024xi32>
    %eq3A_126 = arith.cmpi eq, %add3A_123, %eq3A_125 : vector<256x1024xi32>
    %jit3A_127 = arith.constant 1.000000e+09 : f32
    %jit3A_128 = arith.constant 0.000000e+00 : f32
    %broadcast_in_dim3A_129 = vector.broadcast %jit3A_127 : f32 to vector<256x1024xf32>
    %broadcast_in_dim3A_130 = vector.broadcast %jit3A_128 : f32 to vector<256x1024xf32>
    %select_n3A_131 = arith.select %eq3A_126, %broadcast_in_dim3A_129, %broadcast_in_dim3A_130 : vector<256x1024xi1>, vector<256x1024xf32>
    %add3A_132 = arith.addf %slice3A_124, %select_n3A_131 : vector<256x1024xf32>
    %broadcast_in_dim3A_133 = arith.constant 7 : i32
    %broadcast_in_dim3A_134 = vector.broadcast %broadcast_in_dim3A_133 : i32 to vector<256x1024xi32>
    %lt3A = arith.cmpf olt, %add3A_48, %add3A_34 : vector<256x1024xf32>
    %min3A = arith.minimumf %add3A_34, %add3A_48 : vector<256x1024xf32>
    %select_n3A_135 = arith.select %lt3A, %broadcast_in_dim3A_50, %broadcast_in_dim3A_36 : vector<256x1024xi1>, vector<256x1024xi32>
    %max3A = arith.maximumf %add3A_34, %add3A_48 : vector<256x1024xf32>
    %select_n3A_136 = arith.select %lt3A, %broadcast_in_dim3A_36, %broadcast_in_dim3A_50 : vector<256x1024xi1>, vector<256x1024xi32>
    %lt3A_137 = arith.cmpf olt, %add3A_76, %add3A_62 : vector<256x1024xf32>
    %min3A_138 = arith.minimumf %add3A_62, %add3A_76 : vector<256x1024xf32>
    %select_n3A_139 = arith.select %lt3A_137, %broadcast_in_dim3A_78, %broadcast_in_dim3A_64 : vector<256x1024xi1>, vector<256x1024xi32>
    %max3A_140 = arith.maximumf %add3A_62, %add3A_76 : vector<256x1024xf32>
    %select_n3A_141 = arith.select %lt3A_137, %broadcast_in_dim3A_64, %broadcast_in_dim3A_78 : vector<256x1024xi1>, vector<256x1024xi32>
    %lt3A_142 = arith.cmpf olt, %add3A_104, %add3A_90 : vector<256x1024xf32>
    %min3A_143 = arith.minimumf %add3A_90, %add3A_104 : vector<256x1024xf32>
    %select_n3A_144 = arith.select %lt3A_142, %broadcast_in_dim3A_106, %broadcast_in_dim3A_92 : vector<256x1024xi1>, vector<256x1024xi32>
    %max3A_145 = arith.maximumf %add3A_90, %add3A_104 : vector<256x1024xf32>
    %select_n3A_146 = arith.select %lt3A_142, %broadcast_in_dim3A_92, %broadcast_in_dim3A_106 : vector<256x1024xi1>, vector<256x1024xi32>
    %lt3A_147 = arith.cmpf olt, %add3A_132, %add3A_118 : vector<256x1024xf32>
    %min3A_148 = arith.minimumf %add3A_118, %add3A_132 : vector<256x1024xf32>
    %select_n3A_149 = arith.select %lt3A_147, %broadcast_in_dim3A_134, %broadcast_in_dim3A_120 : vector<256x1024xi1>, vector<256x1024xi32>
    %max3A_150 = arith.maximumf %add3A_118, %add3A_132 : vector<256x1024xf32>
    %select_n3A_151 = arith.select %lt3A_147, %broadcast_in_dim3A_120, %broadcast_in_dim3A_134 : vector<256x1024xi1>, vector<256x1024xi32>
    %lt3A_152 = arith.cmpf olt, %min3A_138, %max3A : vector<256x1024xf32>
    %min3A_153 = arith.minimumf %max3A, %min3A_138 : vector<256x1024xf32>
    %select_n3A_154 = arith.select %lt3A_152, %select_n3A_139, %select_n3A_136 : vector<256x1024xi1>, vector<256x1024xi32>
    %max3A_155 = arith.maximumf %max3A, %min3A_138 : vector<256x1024xf32>
    %select_n3A_156 = arith.select %lt3A_152, %select_n3A_136, %select_n3A_139 : vector<256x1024xi1>, vector<256x1024xi32>
    %lt3A_157 = arith.cmpf olt, %min3A_143, %max3A_140 : vector<256x1024xf32>
    %min3A_158 = arith.minimumf %max3A_140, %min3A_143 : vector<256x1024xf32>
    %select_n3A_159 = arith.select %lt3A_157, %select_n3A_144, %select_n3A_141 : vector<256x1024xi1>, vector<256x1024xi32>
    %max3A_160 = arith.maximumf %max3A_140, %min3A_143 : vector<256x1024xf32>
    %select_n3A_161 = arith.select %lt3A_157, %select_n3A_141, %select_n3A_144 : vector<256x1024xi1>, vector<256x1024xi32>
    %lt3A_162 = arith.cmpf olt, %min3A_148, %max3A_145 : vector<256x1024xf32>
    %min3A_163 = arith.minimumf %max3A_145, %min3A_148 : vector<256x1024xf32>
    %select_n3A_164 = arith.select %lt3A_162, %select_n3A_149, %select_n3A_146 : vector<256x1024xi1>, vector<256x1024xi32>
    %max3A_165 = arith.maximumf %max3A_145, %min3A_148 : vector<256x1024xf32>
    %select_n3A_166 = arith.select %lt3A_162, %select_n3A_146, %select_n3A_149 : vector<256x1024xi1>, vector<256x1024xi32>
    %lt3A_167 = arith.cmpf olt, %min3A_153, %min3A : vector<256x1024xf32>
    %min3A_168 = arith.minimumf %min3A, %min3A_153 : vector<256x1024xf32>
    %select_n3A_169 = arith.select %lt3A_167, %select_n3A_154, %select_n3A_135 : vector<256x1024xi1>, vector<256x1024xi32>
    %max3A_170 = arith.maximumf %min3A, %min3A_153 : vector<256x1024xf32>
    %select_n3A_171 = arith.select %lt3A_167, %select_n3A_135, %select_n3A_154 : vector<256x1024xi1>, vector<256x1024xi32>
    %lt3A_172 = arith.cmpf olt, %min3A_158, %max3A_155 : vector<256x1024xf32>
    %min3A_173 = arith.minimumf %max3A_155, %min3A_158 : vector<256x1024xf32>
    %select_n3A_174 = arith.select %lt3A_172, %select_n3A_159, %select_n3A_156 : vector<256x1024xi1>, vector<256x1024xi32>
    %max3A_175 = arith.maximumf %max3A_155, %min3A_158 : vector<256x1024xf32>
    %select_n3A_176 = arith.select %lt3A_172, %select_n3A_156, %select_n3A_159 : vector<256x1024xi1>, vector<256x1024xi32>
    %lt3A_177 = arith.cmpf olt, %min3A_163, %max3A_160 : vector<256x1024xf32>
    %min3A_178 = arith.minimumf %max3A_160, %min3A_163 : vector<256x1024xf32>
    %select_n3A_179 = arith.select %lt3A_177, %select_n3A_164, %select_n3A_161 : vector<256x1024xi1>, vector<256x1024xi32>
    %max3A_180 = arith.maximumf %max3A_160, %min3A_163 : vector<256x1024xf32>
    %select_n3A_181 = arith.select %lt3A_177, %select_n3A_161, %select_n3A_164 : vector<256x1024xi1>, vector<256x1024xi32>
    %lt3A_182 = arith.cmpf olt, %max3A_150, %max3A_165 : vector<256x1024xf32>
    %min3A_183 = arith.minimumf %max3A_165, %max3A_150 : vector<256x1024xf32>
    %select_n3A_184 = arith.select %lt3A_182, %select_n3A_151, %select_n3A_166 : vector<256x1024xi1>, vector<256x1024xi32>
    %max3A_185 = arith.maximumf %max3A_165, %max3A_150 : vector<256x1024xf32>
    %select_n3A_186 = arith.select %lt3A_182, %select_n3A_166, %select_n3A_151 : vector<256x1024xi1>, vector<256x1024xi32>
    %lt3A_187 = arith.cmpf olt, %min3A_173, %max3A_170 : vector<256x1024xf32>
    %min3A_188 = arith.minimumf %max3A_170, %min3A_173 : vector<256x1024xf32>
    %select_n3A_189 = arith.select %lt3A_187, %select_n3A_174, %select_n3A_171 : vector<256x1024xi1>, vector<256x1024xi32>
    %max3A_190 = arith.maximumf %max3A_170, %min3A_173 : vector<256x1024xf32>
    %select_n3A_191 = arith.select %lt3A_187, %select_n3A_171, %select_n3A_174 : vector<256x1024xi1>, vector<256x1024xi32>
    %lt3A_192 = arith.cmpf olt, %min3A_178, %max3A_175 : vector<256x1024xf32>
    %min3A_193 = arith.minimumf %max3A_175, %min3A_178 : vector<256x1024xf32>
    %select_n3A_194 = arith.select %lt3A_192, %select_n3A_179, %select_n3A_176 : vector<256x1024xi1>, vector<256x1024xi32>
    %max3A_195 = arith.maximumf %max3A_175, %min3A_178 : vector<256x1024xf32>
    %select_n3A_196 = arith.select %lt3A_192, %select_n3A_176, %select_n3A_179 : vector<256x1024xi1>, vector<256x1024xi32>
    %lt3A_197 = arith.cmpf olt, %min3A_183, %max3A_180 : vector<256x1024xf32>
    %min3A_198 = arith.minimumf %max3A_180, %min3A_183 : vector<256x1024xf32>
    %select_n3A_199 = arith.select %lt3A_197, %select_n3A_184, %select_n3A_181 : vector<256x1024xi1>, vector<256x1024xi32>
    %max3A_200 = arith.maximumf %max3A_180, %min3A_183 : vector<256x1024xf32>
    %select_n3A_201 = arith.select %lt3A_197, %select_n3A_181, %select_n3A_184 : vector<256x1024xi1>, vector<256x1024xi32>
    %lt3A_202 = arith.cmpf olt, %min3A_188, %min3A_168 : vector<256x1024xf32>
    %min3A_203 = arith.minimumf %min3A_168, %min3A_188 : vector<256x1024xf32>
    %select_n3A_204 = arith.select %lt3A_202, %select_n3A_189, %select_n3A_169 : vector<256x1024xi1>, vector<256x1024xi32>
    %max3A_205 = arith.maximumf %min3A_168, %min3A_188 : vector<256x1024xf32>
    %select_n3A_206 = arith.select %lt3A_202, %select_n3A_169, %select_n3A_189 : vector<256x1024xi1>, vector<256x1024xi32>
    %lt3A_207 = arith.cmpf olt, %min3A_193, %max3A_190 : vector<256x1024xf32>
    %min3A_208 = arith.minimumf %max3A_190, %min3A_193 : vector<256x1024xf32>
    %select_n3A_209 = arith.select %lt3A_207, %select_n3A_194, %select_n3A_191 : vector<256x1024xi1>, vector<256x1024xi32>
    %max3A_210 = arith.maximumf %max3A_190, %min3A_193 : vector<256x1024xf32>
    %select_n3A_211 = arith.select %lt3A_207, %select_n3A_191, %select_n3A_194 : vector<256x1024xi1>, vector<256x1024xi32>
    %lt3A_212 = arith.cmpf olt, %min3A_198, %max3A_195 : vector<256x1024xf32>
    %min3A_213 = arith.minimumf %max3A_195, %min3A_198 : vector<256x1024xf32>
    %select_n3A_214 = arith.select %lt3A_212, %select_n3A_199, %select_n3A_196 : vector<256x1024xi1>, vector<256x1024xi32>
    %max3A_215 = arith.maximumf %max3A_195, %min3A_198 : vector<256x1024xf32>
    %select_n3A_216 = arith.select %lt3A_212, %select_n3A_196, %select_n3A_199 : vector<256x1024xi1>, vector<256x1024xi32>
    %lt3A_217 = arith.cmpf olt, %max3A_185, %max3A_200 : vector<256x1024xf32>
    %min3A_218 = arith.minimumf %max3A_200, %max3A_185 : vector<256x1024xf32>
    %select_n3A_219 = arith.select %lt3A_217, %select_n3A_186, %select_n3A_201 : vector<256x1024xi1>, vector<256x1024xi32>
    %max3A_220 = arith.maximumf %max3A_200, %max3A_185 : vector<256x1024xf32>
    %select_n3A_221 = arith.select %lt3A_217, %select_n3A_201, %select_n3A_186 : vector<256x1024xi1>, vector<256x1024xi32>
    %lt3A_222 = arith.cmpf olt, %min3A_208, %max3A_205 : vector<256x1024xf32>
    %min3A_223 = arith.minimumf %max3A_205, %min3A_208 : vector<256x1024xf32>
    %select_n3A_224 = arith.select %lt3A_222, %select_n3A_209, %select_n3A_206 : vector<256x1024xi1>, vector<256x1024xi32>
    %max3A_225 = arith.maximumf %max3A_205, %min3A_208 : vector<256x1024xf32>
    %select_n3A_226 = arith.select %lt3A_222, %select_n3A_206, %select_n3A_209 : vector<256x1024xi1>, vector<256x1024xi32>
    %lt3A_227 = arith.cmpf olt, %min3A_213, %max3A_210 : vector<256x1024xf32>
    %min3A_228 = arith.minimumf %max3A_210, %min3A_213 : vector<256x1024xf32>
    %select_n3A_229 = arith.select %lt3A_227, %select_n3A_214, %select_n3A_211 : vector<256x1024xi1>, vector<256x1024xi32>
    %max3A_230 = arith.maximumf %max3A_210, %min3A_213 : vector<256x1024xf32>
    %select_n3A_231 = arith.select %lt3A_227, %select_n3A_211, %select_n3A_214 : vector<256x1024xi1>, vector<256x1024xi32>
    %lt3A_232 = arith.cmpf olt, %min3A_218, %max3A_215 : vector<256x1024xf32>
    %min3A_233 = arith.minimumf %max3A_215, %min3A_218 : vector<256x1024xf32>
    %select_n3A_234 = arith.select %lt3A_232, %select_n3A_219, %select_n3A_216 : vector<256x1024xi1>, vector<256x1024xi32>
    %max3A_235 = arith.maximumf %max3A_215, %min3A_218 : vector<256x1024xf32>
    %select_n3A_236 = arith.select %lt3A_232, %select_n3A_216, %select_n3A_219 : vector<256x1024xi1>, vector<256x1024xi32>
    %lt3A_237 = arith.cmpf olt, %min3A_223, %min3A_203 : vector<256x1024xf32>
    %min3A_238 = arith.minimumf %min3A_203, %min3A_223 : vector<256x1024xf32>
    %select_n3A_239 = arith.select %lt3A_237, %select_n3A_224, %select_n3A_204 : vector<256x1024xi1>, vector<256x1024xi32>
    %max3A_240 = arith.maximumf %min3A_203, %min3A_223 : vector<256x1024xf32>
    %select_n3A_241 = arith.select %lt3A_237, %select_n3A_204, %select_n3A_224 : vector<256x1024xi1>, vector<256x1024xi32>
    %lt3A_242 = arith.cmpf olt, %min3A_228, %max3A_225 : vector<256x1024xf32>
    %min3A_243 = arith.minimumf %max3A_225, %min3A_228 : vector<256x1024xf32>
    %select_n3A_244 = arith.select %lt3A_242, %select_n3A_229, %select_n3A_226 : vector<256x1024xi1>, vector<256x1024xi32>
    %max3A_245 = arith.maximumf %max3A_225, %min3A_228 : vector<256x1024xf32>
    %select_n3A_246 = arith.select %lt3A_242, %select_n3A_226, %select_n3A_229 : vector<256x1024xi1>, vector<256x1024xi32>
    %lt3A_247 = arith.cmpf olt, %min3A_233, %max3A_230 : vector<256x1024xf32>
    %min3A_248 = arith.minimumf %max3A_230, %min3A_233 : vector<256x1024xf32>
    %select_n3A_249 = arith.select %lt3A_247, %select_n3A_234, %select_n3A_231 : vector<256x1024xi1>, vector<256x1024xi32>
    %max3A_250 = arith.maximumf %max3A_230, %min3A_233 : vector<256x1024xf32>
    %select_n3A_251 = arith.select %lt3A_247, %select_n3A_231, %select_n3A_234 : vector<256x1024xi1>, vector<256x1024xi32>
    %lt3A_252 = arith.cmpf olt, %max3A_220, %max3A_235 : vector<256x1024xf32>
    %min3A_253 = arith.minimumf %max3A_235, %max3A_220 : vector<256x1024xf32>
    %select_n3A_254 = arith.select %lt3A_252, %select_n3A_221, %select_n3A_236 : vector<256x1024xi1>, vector<256x1024xi32>
    %max3A_255 = arith.maximumf %max3A_235, %max3A_220 : vector<256x1024xf32>
    %select_n3A_256 = arith.select %lt3A_252, %select_n3A_236, %select_n3A_221 : vector<256x1024xi1>, vector<256x1024xi32>
    %lt3A_257 = arith.cmpf olt, %min3A_243, %max3A_240 : vector<256x1024xf32>
    %min3A_258 = arith.minimumf %max3A_240, %min3A_243 : vector<256x1024xf32>
    %select_n3A_259 = arith.select %lt3A_257, %select_n3A_244, %select_n3A_241 : vector<256x1024xi1>, vector<256x1024xi32>
    %max3A_260 = arith.maximumf %max3A_240, %min3A_243 : vector<256x1024xf32>
    %select_n3A_261 = arith.select %lt3A_257, %select_n3A_241, %select_n3A_244 : vector<256x1024xi1>, vector<256x1024xi32>
    %lt3A_262 = arith.cmpf olt, %min3A_248, %max3A_245 : vector<256x1024xf32>
    %min3A_263 = arith.minimumf %max3A_245, %min3A_248 : vector<256x1024xf32>
    %select_n3A_264 = arith.select %lt3A_262, %select_n3A_249, %select_n3A_246 : vector<256x1024xi1>, vector<256x1024xi32>
    %max3A_265 = arith.maximumf %max3A_245, %min3A_248 : vector<256x1024xf32>
    %select_n3A_266 = arith.select %lt3A_262, %select_n3A_246, %select_n3A_249 : vector<256x1024xi1>, vector<256x1024xi32>
    %lt3A_267 = arith.cmpf olt, %min3A_253, %max3A_250 : vector<256x1024xf32>
    %min3A_268 = arith.minimumf %max3A_250, %min3A_253 : vector<256x1024xf32>
    %select_n3A_269 = arith.select %lt3A_267, %select_n3A_254, %select_n3A_251 : vector<256x1024xi1>, vector<256x1024xi32>
    %max3A_270 = arith.maximumf %max3A_250, %min3A_253 : vector<256x1024xf32>
    %select_n3A_271 = arith.select %lt3A_267, %select_n3A_251, %select_n3A_254 : vector<256x1024xi1>, vector<256x1024xi32>
    %shift_left3A = arith.constant 3 : i32
    %shift_left3A_272 = vector.broadcast %shift_left3A : i32 to vector<256x1024xi32>
    %shift_left3A_273 = arith.shli %select_n3A_259, %shift_left3A_272 : vector<256x1024xi32>
    %or3A = arith.ori %select_n3A_239, %shift_left3A_273 : vector<256x1024xi32>
    %shift_left3A_274 = arith.constant 6 : i32
    %shift_left3A_275 = vector.broadcast %shift_left3A_274 : i32 to vector<256x1024xi32>
    %shift_left3A_276 = arith.shli %select_n3A_261, %shift_left3A_275 : vector<256x1024xi32>
    %or3A_277 = arith.ori %or3A, %shift_left3A_276 : vector<256x1024xi32>
    %shift_left3A_278 = arith.constant 9 : i32
    %shift_left3A_279 = vector.broadcast %shift_left3A_278 : i32 to vector<256x1024xi32>
    %shift_left3A_280 = arith.shli %select_n3A_264, %shift_left3A_279 : vector<256x1024xi32>
    %or3A_281 = arith.ori %or3A_277, %shift_left3A_280 : vector<256x1024xi32>
    %shift_left3A_282 = arith.constant 12 : i32
    %shift_left3A_283 = vector.broadcast %shift_left3A_282 : i32 to vector<256x1024xi32>
    %shift_left3A_284 = arith.shli %select_n3A_266, %shift_left3A_283 : vector<256x1024xi32>
    %or3A_285 = arith.ori %or3A_281, %shift_left3A_284 : vector<256x1024xi32>
    %shift_left3A_286 = arith.constant 15 : i32
    %shift_left3A_287 = vector.broadcast %shift_left3A_286 : i32 to vector<256x1024xi32>
    %shift_left3A_288 = arith.shli %select_n3A_269, %shift_left3A_287 : vector<256x1024xi32>
    %or3A_289 = arith.ori %or3A_285, %shift_left3A_288 : vector<256x1024xi32>
    %shift_left3A_290 = arith.constant 18 : i32
    %shift_left3A_291 = vector.broadcast %shift_left3A_290 : i32 to vector<256x1024xi32>
    %shift_left3A_292 = arith.shli %select_n3A_271, %shift_left3A_291 : vector<256x1024xi32>
    %or3A_293 = arith.ori %or3A_289, %shift_left3A_292 : vector<256x1024xi32>
    %shift_left3A_294 = arith.constant 21 : i32
    %shift_left3A_295 = vector.broadcast %shift_left3A_294 : i32 to vector<256x1024xi32>
    %shift_left3A_296 = arith.shli %select_n3A_256, %shift_left3A_295 : vector<256x1024xi32>
    %or3A_297 = arith.ori %or3A_293, %shift_left3A_296 : vector<256x1024xi32>
    %iota3A_298 = tpu.iota {dimensions = array<i32: 1>} : vector<256x16xi32>
    %broadcast_in_dim3A_299 = arith.constant 0 : i32
    %broadcast_in_dim3A_300 = vector.broadcast %broadcast_in_dim3A_299 : i32 to vector<256x16xi32>
    %and3A = arith.constant 7 : i32
    %and3A_301 = vector.broadcast %and3A : i32 to vector<256x1024xi32>
    %and3A_302 = arith.andi %or3A_297, %and3A_301 : vector<256x1024xi32>
    %mul3A_303 = arith.constant 1024 : i32
    %mul3A_304 = vector.broadcast %mul3A_303 : i32 to vector<256x1024xi32>
    %mul3A_305 = arith.muli %and3A_302, %mul3A_304 : vector<256x1024xi32>
    %or3A_306 = arith.ori %mul3A_305, %iota3A_25 : vector<256x1024xi32>
    %reduce_min3A = arith.constant dense<0x7F800000> : vector<256xf32>
    %reduce_min3A_307 = vector.multi_reduction <minimumf>, %min3A_238, %reduce_min3A [1] : vector<256x1024xf32> to vector<256xf32>
    %broadcast_in_dim3A_308 = vector.shape_cast %reduce_min3A_307 : vector<256xf32> to vector<256x1xf32>
    %eq3A_309 = vector.broadcast %broadcast_in_dim3A_308 : vector<256x1xf32> to vector<256x1024xf32>
    %eq3A_310 = arith.cmpf oeq, %min3A_238, %eq3A_309 : vector<256x1024xf32>
    %jit3A_311 = arith.constant 8192 : i32
    %broadcast_in_dim3A_312 = vector.broadcast %jit3A_311 : i32 to vector<256x1024xi32>
    %select_n3A_313 = arith.select %eq3A_310, %or3A_306, %broadcast_in_dim3A_312 : vector<256x1024xi1>, vector<256x1024xi32>
    %reduce_min3A_314 = arith.constant dense<2147483647> : vector<256xi32>
    %reduce_min3A_315 = vector.multi_reduction <minsi>, %select_n3A_313, %reduce_min3A_314 [1] : vector<256x1024xi32> to vector<256xi32>
    %broadcast_in_dim3A_316 = vector.shape_cast %reduce_min3A_315 : vector<256xi32> to vector<256x1xi32>
    %eq3A_317 = arith.constant 0 : i32
    %eq3A_318 = vector.broadcast %eq3A_317 : i32 to vector<256x16xi32>
    %eq3A_319 = arith.cmpi eq, %iota3A_298, %eq3A_318 : vector<256x16xi32>
    %broadcast_in_dim3A_320 = vector.shape_cast %broadcast_in_dim3A_316 : vector<256x1xi32> to vector<256x1xi32>
    %broadcast_in_dim3A_321 = vector.broadcast %broadcast_in_dim3A_320 : vector<256x1xi32> to vector<256x16xi32>
    %select_n3A_322 = arith.select %eq3A_319, %broadcast_in_dim3A_321, %broadcast_in_dim3A_300 : vector<256x16xi1>, vector<256x16xi32>
    %eq3A_323 = vector.broadcast %broadcast_in_dim3A_316 : vector<256x1xi32> to vector<256x1024xi32>
    %eq3A_324 = arith.cmpi eq, %or3A_306, %eq3A_323 : vector<256x1024xi32>
    %and3A_325 = arith.andi %eq3A_310, %eq3A_324 : vector<256x1024xi1>
    %select_n3A_326 = arith.select %and3A_325, %min3A_258, %min3A_238 : vector<256x1024xi1>, vector<256x1024xf32>
    %select_n3A_327 = arith.select %and3A_325, %max3A_260, %min3A_258 : vector<256x1024xi1>, vector<256x1024xf32>
    %select_n3A_328 = arith.select %and3A_325, %min3A_263, %max3A_260 : vector<256x1024xi1>, vector<256x1024xf32>
    %select_n3A_329 = arith.select %and3A_325, %max3A_265, %min3A_263 : vector<256x1024xi1>, vector<256x1024xf32>
    %select_n3A_330 = arith.select %and3A_325, %min3A_268, %max3A_265 : vector<256x1024xi1>, vector<256x1024xf32>
    %select_n3A_331 = arith.select %and3A_325, %max3A_270, %min3A_268 : vector<256x1024xi1>, vector<256x1024xf32>
    %select_n3A_332 = arith.select %and3A_325, %max3A_255, %max3A_270 : vector<256x1024xi1>, vector<256x1024xf32>
    %jit3A_333 = arith.constant 0x7F800000 : f32
    %broadcast_in_dim3A_334 = vector.broadcast %jit3A_333 : f32 to vector<256x1024xf32>
    %select_n3A_335 = arith.select %and3A_325, %broadcast_in_dim3A_334, %max3A_255 : vector<256x1024xi1>, vector<256x1024xf32>
    %shift_right_logical3A = arith.constant 3 : i32
    %shift_right_logical3A_336 = vector.broadcast %shift_right_logical3A : i32 to vector<256x1024xi32>
    %shift_right_logical3A_337 = arith.shrui %or3A_297, %shift_right_logical3A_336 : vector<256x1024xi32>
    %select_n3A_338 = arith.select %and3A_325, %shift_right_logical3A_337, %or3A_297 : vector<256x1024xi1>, vector<256x1024xi32>
    %and3A_339 = arith.constant 7 : i32
    %and3A_340 = vector.broadcast %and3A_339 : i32 to vector<256x1024xi32>
    %and3A_341 = arith.andi %select_n3A_338, %and3A_340 : vector<256x1024xi32>
    %mul3A_342 = arith.constant 1024 : i32
    %mul3A_343 = vector.broadcast %mul3A_342 : i32 to vector<256x1024xi32>
    %mul3A_344 = arith.muli %and3A_341, %mul3A_343 : vector<256x1024xi32>
    %or3A_345 = arith.ori %mul3A_344, %iota3A_25 : vector<256x1024xi32>
    %reduce_min3A_346 = arith.constant dense<0x7F800000> : vector<256xf32>
    %reduce_min3A_347 = vector.multi_reduction <minimumf>, %select_n3A_326, %reduce_min3A_346 [1] : vector<256x1024xf32> to vector<256xf32>
    %broadcast_in_dim3A_348 = vector.shape_cast %reduce_min3A_347 : vector<256xf32> to vector<256x1xf32>
    %eq3A_349 = vector.broadcast %broadcast_in_dim3A_348 : vector<256x1xf32> to vector<256x1024xf32>
    %eq3A_350 = arith.cmpf oeq, %select_n3A_326, %eq3A_349 : vector<256x1024xf32>
    %jit3A_351 = arith.constant 8192 : i32
    %broadcast_in_dim3A_352 = vector.broadcast %jit3A_351 : i32 to vector<256x1024xi32>
    %select_n3A_353 = arith.select %eq3A_350, %or3A_345, %broadcast_in_dim3A_352 : vector<256x1024xi1>, vector<256x1024xi32>
    %reduce_min3A_354 = arith.constant dense<2147483647> : vector<256xi32>
    %reduce_min3A_355 = vector.multi_reduction <minsi>, %select_n3A_353, %reduce_min3A_354 [1] : vector<256x1024xi32> to vector<256xi32>
    %broadcast_in_dim3A_356 = vector.shape_cast %reduce_min3A_355 : vector<256xi32> to vector<256x1xi32>
    %eq3A_357 = arith.constant 1 : i32
    %eq3A_358 = vector.broadcast %eq3A_357 : i32 to vector<256x16xi32>
    %eq3A_359 = arith.cmpi eq, %iota3A_298, %eq3A_358 : vector<256x16xi32>
    %broadcast_in_dim3A_360 = vector.shape_cast %broadcast_in_dim3A_356 : vector<256x1xi32> to vector<256x1xi32>
    %broadcast_in_dim3A_361 = vector.broadcast %broadcast_in_dim3A_360 : vector<256x1xi32> to vector<256x16xi32>
    %select_n3A_362 = arith.select %eq3A_359, %broadcast_in_dim3A_361, %select_n3A_322 : vector<256x16xi1>, vector<256x16xi32>
    %eq3A_363 = vector.broadcast %broadcast_in_dim3A_356 : vector<256x1xi32> to vector<256x1024xi32>
    %eq3A_364 = arith.cmpi eq, %or3A_345, %eq3A_363 : vector<256x1024xi32>
    %and3A_365 = arith.andi %eq3A_350, %eq3A_364 : vector<256x1024xi1>
    %select_n3A_366 = arith.select %and3A_365, %select_n3A_327, %select_n3A_326 : vector<256x1024xi1>, vector<256x1024xf32>
    %select_n3A_367 = arith.select %and3A_365, %select_n3A_328, %select_n3A_327 : vector<256x1024xi1>, vector<256x1024xf32>
    %select_n3A_368 = arith.select %and3A_365, %select_n3A_329, %select_n3A_328 : vector<256x1024xi1>, vector<256x1024xf32>
    %select_n3A_369 = arith.select %and3A_365, %select_n3A_330, %select_n3A_329 : vector<256x1024xi1>, vector<256x1024xf32>
    %select_n3A_370 = arith.select %and3A_365, %select_n3A_331, %select_n3A_330 : vector<256x1024xi1>, vector<256x1024xf32>
    %select_n3A_371 = arith.select %and3A_365, %select_n3A_332, %select_n3A_331 : vector<256x1024xi1>, vector<256x1024xf32>
    %select_n3A_372 = arith.select %and3A_365, %select_n3A_335, %select_n3A_332 : vector<256x1024xi1>, vector<256x1024xf32>
    %jit3A_373 = arith.constant 0x7F800000 : f32
    %broadcast_in_dim3A_374 = vector.broadcast %jit3A_373 : f32 to vector<256x1024xf32>
    %select_n3A_375 = arith.select %and3A_365, %broadcast_in_dim3A_374, %select_n3A_335 : vector<256x1024xi1>, vector<256x1024xf32>
    %shift_right_logical3A_376 = arith.constant 3 : i32
    %shift_right_logical3A_377 = vector.broadcast %shift_right_logical3A_376 : i32 to vector<256x1024xi32>
    %shift_right_logical3A_378 = arith.shrui %select_n3A_338, %shift_right_logical3A_377 : vector<256x1024xi32>
    %select_n3A_379 = arith.select %and3A_365, %shift_right_logical3A_378, %select_n3A_338 : vector<256x1024xi1>, vector<256x1024xi32>
    %and3A_380 = arith.constant 7 : i32
    %and3A_381 = vector.broadcast %and3A_380 : i32 to vector<256x1024xi32>
    %and3A_382 = arith.andi %select_n3A_379, %and3A_381 : vector<256x1024xi32>
    %mul3A_383 = arith.constant 1024 : i32
    %mul3A_384 = vector.broadcast %mul3A_383 : i32 to vector<256x1024xi32>
    %mul3A_385 = arith.muli %and3A_382, %mul3A_384 : vector<256x1024xi32>
    %or3A_386 = arith.ori %mul3A_385, %iota3A_25 : vector<256x1024xi32>
    %reduce_min3A_387 = arith.constant dense<0x7F800000> : vector<256xf32>
    %reduce_min3A_388 = vector.multi_reduction <minimumf>, %select_n3A_366, %reduce_min3A_387 [1] : vector<256x1024xf32> to vector<256xf32>
    %broadcast_in_dim3A_389 = vector.shape_cast %reduce_min3A_388 : vector<256xf32> to vector<256x1xf32>
    %eq3A_390 = vector.broadcast %broadcast_in_dim3A_389 : vector<256x1xf32> to vector<256x1024xf32>
    %eq3A_391 = arith.cmpf oeq, %select_n3A_366, %eq3A_390 : vector<256x1024xf32>
    %jit3A_392 = arith.constant 8192 : i32
    %broadcast_in_dim3A_393 = vector.broadcast %jit3A_392 : i32 to vector<256x1024xi32>
    %select_n3A_394 = arith.select %eq3A_391, %or3A_386, %broadcast_in_dim3A_393 : vector<256x1024xi1>, vector<256x1024xi32>
    %reduce_min3A_395 = arith.constant dense<2147483647> : vector<256xi32>
    %reduce_min3A_396 = vector.multi_reduction <minsi>, %select_n3A_394, %reduce_min3A_395 [1] : vector<256x1024xi32> to vector<256xi32>
    %broadcast_in_dim3A_397 = vector.shape_cast %reduce_min3A_396 : vector<256xi32> to vector<256x1xi32>
    %eq3A_398 = arith.constant 2 : i32
    %eq3A_399 = vector.broadcast %eq3A_398 : i32 to vector<256x16xi32>
    %eq3A_400 = arith.cmpi eq, %iota3A_298, %eq3A_399 : vector<256x16xi32>
    %broadcast_in_dim3A_401 = vector.shape_cast %broadcast_in_dim3A_397 : vector<256x1xi32> to vector<256x1xi32>
    %broadcast_in_dim3A_402 = vector.broadcast %broadcast_in_dim3A_401 : vector<256x1xi32> to vector<256x16xi32>
    %select_n3A_403 = arith.select %eq3A_400, %broadcast_in_dim3A_402, %select_n3A_362 : vector<256x16xi1>, vector<256x16xi32>
    %eq3A_404 = vector.broadcast %broadcast_in_dim3A_397 : vector<256x1xi32> to vector<256x1024xi32>
    %eq3A_405 = arith.cmpi eq, %or3A_386, %eq3A_404 : vector<256x1024xi32>
    %and3A_406 = arith.andi %eq3A_391, %eq3A_405 : vector<256x1024xi1>
    %select_n3A_407 = arith.select %and3A_406, %select_n3A_367, %select_n3A_366 : vector<256x1024xi1>, vector<256x1024xf32>
    %select_n3A_408 = arith.select %and3A_406, %select_n3A_368, %select_n3A_367 : vector<256x1024xi1>, vector<256x1024xf32>
    %select_n3A_409 = arith.select %and3A_406, %select_n3A_369, %select_n3A_368 : vector<256x1024xi1>, vector<256x1024xf32>
    %select_n3A_410 = arith.select %and3A_406, %select_n3A_370, %select_n3A_369 : vector<256x1024xi1>, vector<256x1024xf32>
    %select_n3A_411 = arith.select %and3A_406, %select_n3A_371, %select_n3A_370 : vector<256x1024xi1>, vector<256x1024xf32>
    %select_n3A_412 = arith.select %and3A_406, %select_n3A_372, %select_n3A_371 : vector<256x1024xi1>, vector<256x1024xf32>
    %select_n3A_413 = arith.select %and3A_406, %select_n3A_375, %select_n3A_372 : vector<256x1024xi1>, vector<256x1024xf32>
    %jit3A_414 = arith.constant 0x7F800000 : f32
    %broadcast_in_dim3A_415 = vector.broadcast %jit3A_414 : f32 to vector<256x1024xf32>
    %select_n3A_416 = arith.select %and3A_406, %broadcast_in_dim3A_415, %select_n3A_375 : vector<256x1024xi1>, vector<256x1024xf32>
    %shift_right_logical3A_417 = arith.constant 3 : i32
    %shift_right_logical3A_418 = vector.broadcast %shift_right_logical3A_417 : i32 to vector<256x1024xi32>
    %shift_right_logical3A_419 = arith.shrui %select_n3A_379, %shift_right_logical3A_418 : vector<256x1024xi32>
    %select_n3A_420 = arith.select %and3A_406, %shift_right_logical3A_419, %select_n3A_379 : vector<256x1024xi1>, vector<256x1024xi32>
    %and3A_421 = arith.constant 7 : i32
    %and3A_422 = vector.broadcast %and3A_421 : i32 to vector<256x1024xi32>
    %and3A_423 = arith.andi %select_n3A_420, %and3A_422 : vector<256x1024xi32>
    %mul3A_424 = arith.constant 1024 : i32
    %mul3A_425 = vector.broadcast %mul3A_424 : i32 to vector<256x1024xi32>
    %mul3A_426 = arith.muli %and3A_423, %mul3A_425 : vector<256x1024xi32>
    %or3A_427 = arith.ori %mul3A_426, %iota3A_25 : vector<256x1024xi32>
    %reduce_min3A_428 = arith.constant dense<0x7F800000> : vector<256xf32>
    %reduce_min3A_429 = vector.multi_reduction <minimumf>, %select_n3A_407, %reduce_min3A_428 [1] : vector<256x1024xf32> to vector<256xf32>
    %broadcast_in_dim3A_430 = vector.shape_cast %reduce_min3A_429 : vector<256xf32> to vector<256x1xf32>
    %eq3A_431 = vector.broadcast %broadcast_in_dim3A_430 : vector<256x1xf32> to vector<256x1024xf32>
    %eq3A_432 = arith.cmpf oeq, %select_n3A_407, %eq3A_431 : vector<256x1024xf32>
    %jit3A_433 = arith.constant 8192 : i32
    %broadcast_in_dim3A_434 = vector.broadcast %jit3A_433 : i32 to vector<256x1024xi32>
    %select_n3A_435 = arith.select %eq3A_432, %or3A_427, %broadcast_in_dim3A_434 : vector<256x1024xi1>, vector<256x1024xi32>
    %reduce_min3A_436 = arith.constant dense<2147483647> : vector<256xi32>
    %reduce_min3A_437 = vector.multi_reduction <minsi>, %select_n3A_435, %reduce_min3A_436 [1] : vector<256x1024xi32> to vector<256xi32>
    %broadcast_in_dim3A_438 = vector.shape_cast %reduce_min3A_437 : vector<256xi32> to vector<256x1xi32>
    %eq3A_439 = arith.constant 3 : i32
    %eq3A_440 = vector.broadcast %eq3A_439 : i32 to vector<256x16xi32>
    %eq3A_441 = arith.cmpi eq, %iota3A_298, %eq3A_440 : vector<256x16xi32>
    %broadcast_in_dim3A_442 = vector.shape_cast %broadcast_in_dim3A_438 : vector<256x1xi32> to vector<256x1xi32>
    %broadcast_in_dim3A_443 = vector.broadcast %broadcast_in_dim3A_442 : vector<256x1xi32> to vector<256x16xi32>
    %select_n3A_444 = arith.select %eq3A_441, %broadcast_in_dim3A_443, %select_n3A_403 : vector<256x16xi1>, vector<256x16xi32>
    %eq3A_445 = vector.broadcast %broadcast_in_dim3A_438 : vector<256x1xi32> to vector<256x1024xi32>
    %eq3A_446 = arith.cmpi eq, %or3A_427, %eq3A_445 : vector<256x1024xi32>
    %and3A_447 = arith.andi %eq3A_432, %eq3A_446 : vector<256x1024xi1>
    %select_n3A_448 = arith.select %and3A_447, %select_n3A_408, %select_n3A_407 : vector<256x1024xi1>, vector<256x1024xf32>
    %select_n3A_449 = arith.select %and3A_447, %select_n3A_409, %select_n3A_408 : vector<256x1024xi1>, vector<256x1024xf32>
    %select_n3A_450 = arith.select %and3A_447, %select_n3A_410, %select_n3A_409 : vector<256x1024xi1>, vector<256x1024xf32>
    %select_n3A_451 = arith.select %and3A_447, %select_n3A_411, %select_n3A_410 : vector<256x1024xi1>, vector<256x1024xf32>
    %select_n3A_452 = arith.select %and3A_447, %select_n3A_412, %select_n3A_411 : vector<256x1024xi1>, vector<256x1024xf32>
    %select_n3A_453 = arith.select %and3A_447, %select_n3A_413, %select_n3A_412 : vector<256x1024xi1>, vector<256x1024xf32>
    %select_n3A_454 = arith.select %and3A_447, %select_n3A_416, %select_n3A_413 : vector<256x1024xi1>, vector<256x1024xf32>
    %jit3A_455 = arith.constant 0x7F800000 : f32
    %broadcast_in_dim3A_456 = vector.broadcast %jit3A_455 : f32 to vector<256x1024xf32>
    %select_n3A_457 = arith.select %and3A_447, %broadcast_in_dim3A_456, %select_n3A_416 : vector<256x1024xi1>, vector<256x1024xf32>
    %shift_right_logical3A_458 = arith.constant 3 : i32
    %shift_right_logical3A_459 = vector.broadcast %shift_right_logical3A_458 : i32 to vector<256x1024xi32>
    %shift_right_logical3A_460 = arith.shrui %select_n3A_420, %shift_right_logical3A_459 : vector<256x1024xi32>
    %select_n3A_461 = arith.select %and3A_447, %shift_right_logical3A_460, %select_n3A_420 : vector<256x1024xi1>, vector<256x1024xi32>
    %and3A_462 = arith.constant 7 : i32
    %and3A_463 = vector.broadcast %and3A_462 : i32 to vector<256x1024xi32>
    %and3A_464 = arith.andi %select_n3A_461, %and3A_463 : vector<256x1024xi32>
    %mul3A_465 = arith.constant 1024 : i32
    %mul3A_466 = vector.broadcast %mul3A_465 : i32 to vector<256x1024xi32>
    %mul3A_467 = arith.muli %and3A_464, %mul3A_466 : vector<256x1024xi32>
    %or3A_468 = arith.ori %mul3A_467, %iota3A_25 : vector<256x1024xi32>
    %reduce_min3A_469 = arith.constant dense<0x7F800000> : vector<256xf32>
    %reduce_min3A_470 = vector.multi_reduction <minimumf>, %select_n3A_448, %reduce_min3A_469 [1] : vector<256x1024xf32> to vector<256xf32>
    %broadcast_in_dim3A_471 = vector.shape_cast %reduce_min3A_470 : vector<256xf32> to vector<256x1xf32>
    %eq3A_472 = vector.broadcast %broadcast_in_dim3A_471 : vector<256x1xf32> to vector<256x1024xf32>
    %eq3A_473 = arith.cmpf oeq, %select_n3A_448, %eq3A_472 : vector<256x1024xf32>
    %jit3A_474 = arith.constant 8192 : i32
    %broadcast_in_dim3A_475 = vector.broadcast %jit3A_474 : i32 to vector<256x1024xi32>
    %select_n3A_476 = arith.select %eq3A_473, %or3A_468, %broadcast_in_dim3A_475 : vector<256x1024xi1>, vector<256x1024xi32>
    %reduce_min3A_477 = arith.constant dense<2147483647> : vector<256xi32>
    %reduce_min3A_478 = vector.multi_reduction <minsi>, %select_n3A_476, %reduce_min3A_477 [1] : vector<256x1024xi32> to vector<256xi32>
    %broadcast_in_dim3A_479 = vector.shape_cast %reduce_min3A_478 : vector<256xi32> to vector<256x1xi32>
    %eq3A_480 = arith.constant 4 : i32
    %eq3A_481 = vector.broadcast %eq3A_480 : i32 to vector<256x16xi32>
    %eq3A_482 = arith.cmpi eq, %iota3A_298, %eq3A_481 : vector<256x16xi32>
    %broadcast_in_dim3A_483 = vector.shape_cast %broadcast_in_dim3A_479 : vector<256x1xi32> to vector<256x1xi32>
    %broadcast_in_dim3A_484 = vector.broadcast %broadcast_in_dim3A_483 : vector<256x1xi32> to vector<256x16xi32>
    %select_n3A_485 = arith.select %eq3A_482, %broadcast_in_dim3A_484, %select_n3A_444 : vector<256x16xi1>, vector<256x16xi32>
    %eq3A_486 = vector.broadcast %broadcast_in_dim3A_479 : vector<256x1xi32> to vector<256x1024xi32>
    %eq3A_487 = arith.cmpi eq, %or3A_468, %eq3A_486 : vector<256x1024xi32>
    %and3A_488 = arith.andi %eq3A_473, %eq3A_487 : vector<256x1024xi1>
    %select_n3A_489 = arith.select %and3A_488, %select_n3A_449, %select_n3A_448 : vector<256x1024xi1>, vector<256x1024xf32>
    %select_n3A_490 = arith.select %and3A_488, %select_n3A_450, %select_n3A_449 : vector<256x1024xi1>, vector<256x1024xf32>
    %select_n3A_491 = arith.select %and3A_488, %select_n3A_451, %select_n3A_450 : vector<256x1024xi1>, vector<256x1024xf32>
    %select_n3A_492 = arith.select %and3A_488, %select_n3A_452, %select_n3A_451 : vector<256x1024xi1>, vector<256x1024xf32>
    %select_n3A_493 = arith.select %and3A_488, %select_n3A_453, %select_n3A_452 : vector<256x1024xi1>, vector<256x1024xf32>
    %select_n3A_494 = arith.select %and3A_488, %select_n3A_454, %select_n3A_453 : vector<256x1024xi1>, vector<256x1024xf32>
    %select_n3A_495 = arith.select %and3A_488, %select_n3A_457, %select_n3A_454 : vector<256x1024xi1>, vector<256x1024xf32>
    %jit3A_496 = arith.constant 0x7F800000 : f32
    %broadcast_in_dim3A_497 = vector.broadcast %jit3A_496 : f32 to vector<256x1024xf32>
    %select_n3A_498 = arith.select %and3A_488, %broadcast_in_dim3A_497, %select_n3A_457 : vector<256x1024xi1>, vector<256x1024xf32>
    %shift_right_logical3A_499 = arith.constant 3 : i32
    %shift_right_logical3A_500 = vector.broadcast %shift_right_logical3A_499 : i32 to vector<256x1024xi32>
    %shift_right_logical3A_501 = arith.shrui %select_n3A_461, %shift_right_logical3A_500 : vector<256x1024xi32>
    %select_n3A_502 = arith.select %and3A_488, %shift_right_logical3A_501, %select_n3A_461 : vector<256x1024xi1>, vector<256x1024xi32>
    %and3A_503 = arith.constant 7 : i32
    %and3A_504 = vector.broadcast %and3A_503 : i32 to vector<256x1024xi32>
    %and3A_505 = arith.andi %select_n3A_502, %and3A_504 : vector<256x1024xi32>
    %mul3A_506 = arith.constant 1024 : i32
    %mul3A_507 = vector.broadcast %mul3A_506 : i32 to vector<256x1024xi32>
    %mul3A_508 = arith.muli %and3A_505, %mul3A_507 : vector<256x1024xi32>
    %or3A_509 = arith.ori %mul3A_508, %iota3A_25 : vector<256x1024xi32>
    %reduce_min3A_510 = arith.constant dense<0x7F800000> : vector<256xf32>
    %reduce_min3A_511 = vector.multi_reduction <minimumf>, %select_n3A_489, %reduce_min3A_510 [1] : vector<256x1024xf32> to vector<256xf32>
    %broadcast_in_dim3A_512 = vector.shape_cast %reduce_min3A_511 : vector<256xf32> to vector<256x1xf32>
    %eq3A_513 = vector.broadcast %broadcast_in_dim3A_512 : vector<256x1xf32> to vector<256x1024xf32>
    %eq3A_514 = arith.cmpf oeq, %select_n3A_489, %eq3A_513 : vector<256x1024xf32>
    %jit3A_515 = arith.constant 8192 : i32
    %broadcast_in_dim3A_516 = vector.broadcast %jit3A_515 : i32 to vector<256x1024xi32>
    %select_n3A_517 = arith.select %eq3A_514, %or3A_509, %broadcast_in_dim3A_516 : vector<256x1024xi1>, vector<256x1024xi32>
    %reduce_min3A_518 = arith.constant dense<2147483647> : vector<256xi32>
    %reduce_min3A_519 = vector.multi_reduction <minsi>, %select_n3A_517, %reduce_min3A_518 [1] : vector<256x1024xi32> to vector<256xi32>
    %broadcast_in_dim3A_520 = vector.shape_cast %reduce_min3A_519 : vector<256xi32> to vector<256x1xi32>
    %eq3A_521 = arith.constant 5 : i32
    %eq3A_522 = vector.broadcast %eq3A_521 : i32 to vector<256x16xi32>
    %eq3A_523 = arith.cmpi eq, %iota3A_298, %eq3A_522 : vector<256x16xi32>
    %broadcast_in_dim3A_524 = vector.shape_cast %broadcast_in_dim3A_520 : vector<256x1xi32> to vector<256x1xi32>
    %broadcast_in_dim3A_525 = vector.broadcast %broadcast_in_dim3A_524 : vector<256x1xi32> to vector<256x16xi32>
    %select_n3A_526 = arith.select %eq3A_523, %broadcast_in_dim3A_525, %select_n3A_485 : vector<256x16xi1>, vector<256x16xi32>
    %eq3A_527 = vector.broadcast %broadcast_in_dim3A_520 : vector<256x1xi32> to vector<256x1024xi32>
    %eq3A_528 = arith.cmpi eq, %or3A_509, %eq3A_527 : vector<256x1024xi32>
    %and3A_529 = arith.andi %eq3A_514, %eq3A_528 : vector<256x1024xi1>
    %select_n3A_530 = arith.select %and3A_529, %select_n3A_490, %select_n3A_489 : vector<256x1024xi1>, vector<256x1024xf32>
    %select_n3A_531 = arith.select %and3A_529, %select_n3A_491, %select_n3A_490 : vector<256x1024xi1>, vector<256x1024xf32>
    %select_n3A_532 = arith.select %and3A_529, %select_n3A_492, %select_n3A_491 : vector<256x1024xi1>, vector<256x1024xf32>
    %select_n3A_533 = arith.select %and3A_529, %select_n3A_493, %select_n3A_492 : vector<256x1024xi1>, vector<256x1024xf32>
    %select_n3A_534 = arith.select %and3A_529, %select_n3A_494, %select_n3A_493 : vector<256x1024xi1>, vector<256x1024xf32>
    %select_n3A_535 = arith.select %and3A_529, %select_n3A_495, %select_n3A_494 : vector<256x1024xi1>, vector<256x1024xf32>
    %select_n3A_536 = arith.select %and3A_529, %select_n3A_498, %select_n3A_495 : vector<256x1024xi1>, vector<256x1024xf32>
    %jit3A_537 = arith.constant 0x7F800000 : f32
    %broadcast_in_dim3A_538 = vector.broadcast %jit3A_537 : f32 to vector<256x1024xf32>
    %select_n3A_539 = arith.select %and3A_529, %broadcast_in_dim3A_538, %select_n3A_498 : vector<256x1024xi1>, vector<256x1024xf32>
    %shift_right_logical3A_540 = arith.constant 3 : i32
    %shift_right_logical3A_541 = vector.broadcast %shift_right_logical3A_540 : i32 to vector<256x1024xi32>
    %shift_right_logical3A_542 = arith.shrui %select_n3A_502, %shift_right_logical3A_541 : vector<256x1024xi32>
    %select_n3A_543 = arith.select %and3A_529, %shift_right_logical3A_542, %select_n3A_502 : vector<256x1024xi1>, vector<256x1024xi32>
    %and3A_544 = arith.constant 7 : i32
    %and3A_545 = vector.broadcast %and3A_544 : i32 to vector<256x1024xi32>
    %and3A_546 = arith.andi %select_n3A_543, %and3A_545 : vector<256x1024xi32>
    %mul3A_547 = arith.constant 1024 : i32
    %mul3A_548 = vector.broadcast %mul3A_547 : i32 to vector<256x1024xi32>
    %mul3A_549 = arith.muli %and3A_546, %mul3A_548 : vector<256x1024xi32>
    %or3A_550 = arith.ori %mul3A_549, %iota3A_25 : vector<256x1024xi32>
    %reduce_min3A_551 = arith.constant dense<0x7F800000> : vector<256xf32>
    %reduce_min3A_552 = vector.multi_reduction <minimumf>, %select_n3A_530, %reduce_min3A_551 [1] : vector<256x1024xf32> to vector<256xf32>
    %broadcast_in_dim3A_553 = vector.shape_cast %reduce_min3A_552 : vector<256xf32> to vector<256x1xf32>
    %eq3A_554 = vector.broadcast %broadcast_in_dim3A_553 : vector<256x1xf32> to vector<256x1024xf32>
    %eq3A_555 = arith.cmpf oeq, %select_n3A_530, %eq3A_554 : vector<256x1024xf32>
    %jit3A_556 = arith.constant 8192 : i32
    %broadcast_in_dim3A_557 = vector.broadcast %jit3A_556 : i32 to vector<256x1024xi32>
    %select_n3A_558 = arith.select %eq3A_555, %or3A_550, %broadcast_in_dim3A_557 : vector<256x1024xi1>, vector<256x1024xi32>
    %reduce_min3A_559 = arith.constant dense<2147483647> : vector<256xi32>
    %reduce_min3A_560 = vector.multi_reduction <minsi>, %select_n3A_558, %reduce_min3A_559 [1] : vector<256x1024xi32> to vector<256xi32>
    %broadcast_in_dim3A_561 = vector.shape_cast %reduce_min3A_560 : vector<256xi32> to vector<256x1xi32>
    %eq3A_562 = arith.constant 6 : i32
    %eq3A_563 = vector.broadcast %eq3A_562 : i32 to vector<256x16xi32>
    %eq3A_564 = arith.cmpi eq, %iota3A_298, %eq3A_563 : vector<256x16xi32>
    %broadcast_in_dim3A_565 = vector.shape_cast %broadcast_in_dim3A_561 : vector<256x1xi32> to vector<256x1xi32>
    %broadcast_in_dim3A_566 = vector.broadcast %broadcast_in_dim3A_565 : vector<256x1xi32> to vector<256x16xi32>
    %select_n3A_567 = arith.select %eq3A_564, %broadcast_in_dim3A_566, %select_n3A_526 : vector<256x16xi1>, vector<256x16xi32>
    %eq3A_568 = vector.broadcast %broadcast_in_dim3A_561 : vector<256x1xi32> to vector<256x1024xi32>
    %eq3A_569 = arith.cmpi eq, %or3A_550, %eq3A_568 : vector<256x1024xi32>
    %and3A_570 = arith.andi %eq3A_555, %eq3A_569 : vector<256x1024xi1>
    %select_n3A_571 = arith.select %and3A_570, %select_n3A_531, %select_n3A_530 : vector<256x1024xi1>, vector<256x1024xf32>
    %select_n3A_572 = arith.select %and3A_570, %select_n3A_532, %select_n3A_531 : vector<256x1024xi1>, vector<256x1024xf32>
    %select_n3A_573 = arith.select %and3A_570, %select_n3A_533, %select_n3A_532 : vector<256x1024xi1>, vector<256x1024xf32>
    %select_n3A_574 = arith.select %and3A_570, %select_n3A_534, %select_n3A_533 : vector<256x1024xi1>, vector<256x1024xf32>
    %select_n3A_575 = arith.select %and3A_570, %select_n3A_535, %select_n3A_534 : vector<256x1024xi1>, vector<256x1024xf32>
    %select_n3A_576 = arith.select %and3A_570, %select_n3A_536, %select_n3A_535 : vector<256x1024xi1>, vector<256x1024xf32>
    %select_n3A_577 = arith.select %and3A_570, %select_n3A_539, %select_n3A_536 : vector<256x1024xi1>, vector<256x1024xf32>
    %jit3A_578 = arith.constant 0x7F800000 : f32
    %broadcast_in_dim3A_579 = vector.broadcast %jit3A_578 : f32 to vector<256x1024xf32>
    %select_n3A_580 = arith.select %and3A_570, %broadcast_in_dim3A_579, %select_n3A_539 : vector<256x1024xi1>, vector<256x1024xf32>
    %shift_right_logical3A_581 = arith.constant 3 : i32
    %shift_right_logical3A_582 = vector.broadcast %shift_right_logical3A_581 : i32 to vector<256x1024xi32>
    %shift_right_logical3A_583 = arith.shrui %select_n3A_543, %shift_right_logical3A_582 : vector<256x1024xi32>
    %select_n3A_584 = arith.select %and3A_570, %shift_right_logical3A_583, %select_n3A_543 : vector<256x1024xi1>, vector<256x1024xi32>
    %and3A_585 = arith.constant 7 : i32
    %and3A_586 = vector.broadcast %and3A_585 : i32 to vector<256x1024xi32>
    %and3A_587 = arith.andi %select_n3A_584, %and3A_586 : vector<256x1024xi32>
    %mul3A_588 = arith.constant 1024 : i32
    %mul3A_589 = vector.broadcast %mul3A_588 : i32 to vector<256x1024xi32>
    %mul3A_590 = arith.muli %and3A_587, %mul3A_589 : vector<256x1024xi32>
    %or3A_591 = arith.ori %mul3A_590, %iota3A_25 : vector<256x1024xi32>
    %reduce_min3A_592 = arith.constant dense<0x7F800000> : vector<256xf32>
    %reduce_min3A_593 = vector.multi_reduction <minimumf>, %select_n3A_571, %reduce_min3A_592 [1] : vector<256x1024xf32> to vector<256xf32>
    %broadcast_in_dim3A_594 = vector.shape_cast %reduce_min3A_593 : vector<256xf32> to vector<256x1xf32>
    %eq3A_595 = vector.broadcast %broadcast_in_dim3A_594 : vector<256x1xf32> to vector<256x1024xf32>
    %eq3A_596 = arith.cmpf oeq, %select_n3A_571, %eq3A_595 : vector<256x1024xf32>
    %jit3A_597 = arith.constant 8192 : i32
    %broadcast_in_dim3A_598 = vector.broadcast %jit3A_597 : i32 to vector<256x1024xi32>
    %select_n3A_599 = arith.select %eq3A_596, %or3A_591, %broadcast_in_dim3A_598 : vector<256x1024xi1>, vector<256x1024xi32>
    %reduce_min3A_600 = arith.constant dense<2147483647> : vector<256xi32>
    %reduce_min3A_601 = vector.multi_reduction <minsi>, %select_n3A_599, %reduce_min3A_600 [1] : vector<256x1024xi32> to vector<256xi32>
    %broadcast_in_dim3A_602 = vector.shape_cast %reduce_min3A_601 : vector<256xi32> to vector<256x1xi32>
    %eq3A_603 = arith.constant 7 : i32
    %eq3A_604 = vector.broadcast %eq3A_603 : i32 to vector<256x16xi32>
    %eq3A_605 = arith.cmpi eq, %iota3A_298, %eq3A_604 : vector<256x16xi32>
    %broadcast_in_dim3A_606 = vector.shape_cast %broadcast_in_dim3A_602 : vector<256x1xi32> to vector<256x1xi32>
    %broadcast_in_dim3A_607 = vector.broadcast %broadcast_in_dim3A_606 : vector<256x1xi32> to vector<256x16xi32>
    %select_n3A_608 = arith.select %eq3A_605, %broadcast_in_dim3A_607, %select_n3A_567 : vector<256x16xi1>, vector<256x16xi32>
    %eq3A_609 = vector.broadcast %broadcast_in_dim3A_602 : vector<256x1xi32> to vector<256x1024xi32>
    %eq3A_610 = arith.cmpi eq, %or3A_591, %eq3A_609 : vector<256x1024xi32>
    %and3A_611 = arith.andi %eq3A_596, %eq3A_610 : vector<256x1024xi1>
    %select_n3A_612 = arith.select %and3A_611, %select_n3A_572, %select_n3A_571 : vector<256x1024xi1>, vector<256x1024xf32>
    %select_n3A_613 = arith.select %and3A_611, %select_n3A_573, %select_n3A_572 : vector<256x1024xi1>, vector<256x1024xf32>
    %select_n3A_614 = arith.select %and3A_611, %select_n3A_574, %select_n3A_573 : vector<256x1024xi1>, vector<256x1024xf32>
    %select_n3A_615 = arith.select %and3A_611, %select_n3A_575, %select_n3A_574 : vector<256x1024xi1>, vector<256x1024xf32>
    %select_n3A_616 = arith.select %and3A_611, %select_n3A_576, %select_n3A_575 : vector<256x1024xi1>, vector<256x1024xf32>
    %select_n3A_617 = arith.select %and3A_611, %select_n3A_577, %select_n3A_576 : vector<256x1024xi1>, vector<256x1024xf32>
    %select_n3A_618 = arith.select %and3A_611, %select_n3A_580, %select_n3A_577 : vector<256x1024xi1>, vector<256x1024xf32>
    %shift_right_logical3A_619 = arith.constant 3 : i32
    %shift_right_logical3A_620 = vector.broadcast %shift_right_logical3A_619 : i32 to vector<256x1024xi32>
    %shift_right_logical3A_621 = arith.shrui %select_n3A_584, %shift_right_logical3A_620 : vector<256x1024xi32>
    %select_n3A_622 = arith.select %and3A_611, %shift_right_logical3A_621, %select_n3A_584 : vector<256x1024xi1>, vector<256x1024xi32>
    %and3A_623 = arith.constant 7 : i32
    %and3A_624 = vector.broadcast %and3A_623 : i32 to vector<256x1024xi32>
    %and3A_625 = arith.andi %select_n3A_622, %and3A_624 : vector<256x1024xi32>
    %mul3A_626 = arith.constant 1024 : i32
    %mul3A_627 = vector.broadcast %mul3A_626 : i32 to vector<256x1024xi32>
    %mul3A_628 = arith.muli %and3A_625, %mul3A_627 : vector<256x1024xi32>
    %or3A_629 = arith.ori %mul3A_628, %iota3A_25 : vector<256x1024xi32>
    %reduce_min3A_630 = arith.constant dense<0x7F800000> : vector<256xf32>
    %reduce_min3A_631 = vector.multi_reduction <minimumf>, %select_n3A_612, %reduce_min3A_630 [1] : vector<256x1024xf32> to vector<256xf32>
    %broadcast_in_dim3A_632 = vector.shape_cast %reduce_min3A_631 : vector<256xf32> to vector<256x1xf32>
    %eq3A_633 = vector.broadcast %broadcast_in_dim3A_632 : vector<256x1xf32> to vector<256x1024xf32>
    %eq3A_634 = arith.cmpf oeq, %select_n3A_612, %eq3A_633 : vector<256x1024xf32>
    %jit3A_635 = arith.constant 8192 : i32
    %broadcast_in_dim3A_636 = vector.broadcast %jit3A_635 : i32 to vector<256x1024xi32>
    %select_n3A_637 = arith.select %eq3A_634, %or3A_629, %broadcast_in_dim3A_636 : vector<256x1024xi1>, vector<256x1024xi32>
    %reduce_min3A_638 = arith.constant dense<2147483647> : vector<256xi32>
    %reduce_min3A_639 = vector.multi_reduction <minsi>, %select_n3A_637, %reduce_min3A_638 [1] : vector<256x1024xi32> to vector<256xi32>
    %broadcast_in_dim3A_640 = vector.shape_cast %reduce_min3A_639 : vector<256xi32> to vector<256x1xi32>
    %eq3A_641 = arith.constant 8 : i32
    %eq3A_642 = vector.broadcast %eq3A_641 : i32 to vector<256x16xi32>
    %eq3A_643 = arith.cmpi eq, %iota3A_298, %eq3A_642 : vector<256x16xi32>
    %broadcast_in_dim3A_644 = vector.shape_cast %broadcast_in_dim3A_640 : vector<256x1xi32> to vector<256x1xi32>
    %broadcast_in_dim3A_645 = vector.broadcast %broadcast_in_dim3A_644 : vector<256x1xi32> to vector<256x16xi32>
    %select_n3A_646 = arith.select %eq3A_643, %broadcast_in_dim3A_645, %select_n3A_608 : vector<256x16xi1>, vector<256x16xi32>
    %eq3A_647 = vector.broadcast %broadcast_in_dim3A_640 : vector<256x1xi32> to vector<256x1024xi32>
    %eq3A_648 = arith.cmpi eq, %or3A_629, %eq3A_647 : vector<256x1024xi32>
    %and3A_649 = arith.andi %eq3A_634, %eq3A_648 : vector<256x1024xi1>
    %select_n3A_650 = arith.select %and3A_649, %select_n3A_613, %select_n3A_612 : vector<256x1024xi1>, vector<256x1024xf32>
    %select_n3A_651 = arith.select %and3A_649, %select_n3A_614, %select_n3A_613 : vector<256x1024xi1>, vector<256x1024xf32>
    %select_n3A_652 = arith.select %and3A_649, %select_n3A_615, %select_n3A_614 : vector<256x1024xi1>, vector<256x1024xf32>
    %select_n3A_653 = arith.select %and3A_649, %select_n3A_616, %select_n3A_615 : vector<256x1024xi1>, vector<256x1024xf32>
    %select_n3A_654 = arith.select %and3A_649, %select_n3A_617, %select_n3A_616 : vector<256x1024xi1>, vector<256x1024xf32>
    %select_n3A_655 = arith.select %and3A_649, %select_n3A_618, %select_n3A_617 : vector<256x1024xi1>, vector<256x1024xf32>
    %shift_right_logical3A_656 = arith.constant 3 : i32
    %shift_right_logical3A_657 = vector.broadcast %shift_right_logical3A_656 : i32 to vector<256x1024xi32>
    %shift_right_logical3A_658 = arith.shrui %select_n3A_622, %shift_right_logical3A_657 : vector<256x1024xi32>
    %select_n3A_659 = arith.select %and3A_649, %shift_right_logical3A_658, %select_n3A_622 : vector<256x1024xi1>, vector<256x1024xi32>
    %and3A_660 = arith.constant 7 : i32
    %and3A_661 = vector.broadcast %and3A_660 : i32 to vector<256x1024xi32>
    %and3A_662 = arith.andi %select_n3A_659, %and3A_661 : vector<256x1024xi32>
    %mul3A_663 = arith.constant 1024 : i32
    %mul3A_664 = vector.broadcast %mul3A_663 : i32 to vector<256x1024xi32>
    %mul3A_665 = arith.muli %and3A_662, %mul3A_664 : vector<256x1024xi32>
    %or3A_666 = arith.ori %mul3A_665, %iota3A_25 : vector<256x1024xi32>
    %reduce_min3A_667 = arith.constant dense<0x7F800000> : vector<256xf32>
    %reduce_min3A_668 = vector.multi_reduction <minimumf>, %select_n3A_650, %reduce_min3A_667 [1] : vector<256x1024xf32> to vector<256xf32>
    %broadcast_in_dim3A_669 = vector.shape_cast %reduce_min3A_668 : vector<256xf32> to vector<256x1xf32>
    %eq3A_670 = vector.broadcast %broadcast_in_dim3A_669 : vector<256x1xf32> to vector<256x1024xf32>
    %eq3A_671 = arith.cmpf oeq, %select_n3A_650, %eq3A_670 : vector<256x1024xf32>
    %jit3A_672 = arith.constant 8192 : i32
    %broadcast_in_dim3A_673 = vector.broadcast %jit3A_672 : i32 to vector<256x1024xi32>
    %select_n3A_674 = arith.select %eq3A_671, %or3A_666, %broadcast_in_dim3A_673 : vector<256x1024xi1>, vector<256x1024xi32>
    %reduce_min3A_675 = arith.constant dense<2147483647> : vector<256xi32>
    %reduce_min3A_676 = vector.multi_reduction <minsi>, %select_n3A_674, %reduce_min3A_675 [1] : vector<256x1024xi32> to vector<256xi32>
    %broadcast_in_dim3A_677 = vector.shape_cast %reduce_min3A_676 : vector<256xi32> to vector<256x1xi32>
    %eq3A_678 = arith.constant 9 : i32
    %eq3A_679 = vector.broadcast %eq3A_678 : i32 to vector<256x16xi32>
    %eq3A_680 = arith.cmpi eq, %iota3A_298, %eq3A_679 : vector<256x16xi32>
    %broadcast_in_dim3A_681 = vector.shape_cast %broadcast_in_dim3A_677 : vector<256x1xi32> to vector<256x1xi32>
    %broadcast_in_dim3A_682 = vector.broadcast %broadcast_in_dim3A_681 : vector<256x1xi32> to vector<256x16xi32>
    %select_n3A_683 = arith.select %eq3A_680, %broadcast_in_dim3A_682, %select_n3A_646 : vector<256x16xi1>, vector<256x16xi32>
    %eq3A_684 = vector.broadcast %broadcast_in_dim3A_677 : vector<256x1xi32> to vector<256x1024xi32>
    %eq3A_685 = arith.cmpi eq, %or3A_666, %eq3A_684 : vector<256x1024xi32>
    %and3A_686 = arith.andi %eq3A_671, %eq3A_685 : vector<256x1024xi1>
    %select_n3A_687 = arith.select %and3A_686, %select_n3A_651, %select_n3A_650 : vector<256x1024xi1>, vector<256x1024xf32>
    %select_n3A_688 = arith.select %and3A_686, %select_n3A_652, %select_n3A_651 : vector<256x1024xi1>, vector<256x1024xf32>
    %select_n3A_689 = arith.select %and3A_686, %select_n3A_653, %select_n3A_652 : vector<256x1024xi1>, vector<256x1024xf32>
    %select_n3A_690 = arith.select %and3A_686, %select_n3A_654, %select_n3A_653 : vector<256x1024xi1>, vector<256x1024xf32>
    %select_n3A_691 = arith.select %and3A_686, %select_n3A_655, %select_n3A_654 : vector<256x1024xi1>, vector<256x1024xf32>
    %shift_right_logical3A_692 = arith.constant 3 : i32
    %shift_right_logical3A_693 = vector.broadcast %shift_right_logical3A_692 : i32 to vector<256x1024xi32>
    %shift_right_logical3A_694 = arith.shrui %select_n3A_659, %shift_right_logical3A_693 : vector<256x1024xi32>
    %select_n3A_695 = arith.select %and3A_686, %shift_right_logical3A_694, %select_n3A_659 : vector<256x1024xi1>, vector<256x1024xi32>
    %and3A_696 = arith.constant 7 : i32
    %and3A_697 = vector.broadcast %and3A_696 : i32 to vector<256x1024xi32>
    %and3A_698 = arith.andi %select_n3A_695, %and3A_697 : vector<256x1024xi32>
    %mul3A_699 = arith.constant 1024 : i32
    %mul3A_700 = vector.broadcast %mul3A_699 : i32 to vector<256x1024xi32>
    %mul3A_701 = arith.muli %and3A_698, %mul3A_700 : vector<256x1024xi32>
    %or3A_702 = arith.ori %mul3A_701, %iota3A_25 : vector<256x1024xi32>
    %reduce_min3A_703 = arith.constant dense<0x7F800000> : vector<256xf32>
    %reduce_min3A_704 = vector.multi_reduction <minimumf>, %select_n3A_687, %reduce_min3A_703 [1] : vector<256x1024xf32> to vector<256xf32>
    %broadcast_in_dim3A_705 = vector.shape_cast %reduce_min3A_704 : vector<256xf32> to vector<256x1xf32>
    %eq3A_706 = vector.broadcast %broadcast_in_dim3A_705 : vector<256x1xf32> to vector<256x1024xf32>
    %eq3A_707 = arith.cmpf oeq, %select_n3A_687, %eq3A_706 : vector<256x1024xf32>
    %jit3A_708 = arith.constant 8192 : i32
    %broadcast_in_dim3A_709 = vector.broadcast %jit3A_708 : i32 to vector<256x1024xi32>
    %select_n3A_710 = arith.select %eq3A_707, %or3A_702, %broadcast_in_dim3A_709 : vector<256x1024xi1>, vector<256x1024xi32>
    %reduce_min3A_711 = arith.constant dense<2147483647> : vector<256xi32>
    %reduce_min3A_712 = vector.multi_reduction <minsi>, %select_n3A_710, %reduce_min3A_711 [1] : vector<256x1024xi32> to vector<256xi32>
    %broadcast_in_dim3A_713 = vector.shape_cast %reduce_min3A_712 : vector<256xi32> to vector<256x1xi32>
    %eq3A_714 = arith.constant 10 : i32
    %eq3A_715 = vector.broadcast %eq3A_714 : i32 to vector<256x16xi32>
    %eq3A_716 = arith.cmpi eq, %iota3A_298, %eq3A_715 : vector<256x16xi32>
    %broadcast_in_dim3A_717 = vector.shape_cast %broadcast_in_dim3A_713 : vector<256x1xi32> to vector<256x1xi32>
    %broadcast_in_dim3A_718 = vector.broadcast %broadcast_in_dim3A_717 : vector<256x1xi32> to vector<256x16xi32>
    %select_n3A_719 = arith.select %eq3A_716, %broadcast_in_dim3A_718, %select_n3A_683 : vector<256x16xi1>, vector<256x16xi32>
    %eq3A_720 = vector.broadcast %broadcast_in_dim3A_713 : vector<256x1xi32> to vector<256x1024xi32>
    %eq3A_721 = arith.cmpi eq, %or3A_702, %eq3A_720 : vector<256x1024xi32>
    %and3A_722 = arith.andi %eq3A_707, %eq3A_721 : vector<256x1024xi1>
    %select_n3A_723 = arith.select %and3A_722, %select_n3A_688, %select_n3A_687 : vector<256x1024xi1>, vector<256x1024xf32>
    %select_n3A_724 = arith.select %and3A_722, %select_n3A_689, %select_n3A_688 : vector<256x1024xi1>, vector<256x1024xf32>
    %select_n3A_725 = arith.select %and3A_722, %select_n3A_690, %select_n3A_689 : vector<256x1024xi1>, vector<256x1024xf32>
    %select_n3A_726 = arith.select %and3A_722, %select_n3A_691, %select_n3A_690 : vector<256x1024xi1>, vector<256x1024xf32>
    %shift_right_logical3A_727 = arith.constant 3 : i32
    %shift_right_logical3A_728 = vector.broadcast %shift_right_logical3A_727 : i32 to vector<256x1024xi32>
    %shift_right_logical3A_729 = arith.shrui %select_n3A_695, %shift_right_logical3A_728 : vector<256x1024xi32>
    %select_n3A_730 = arith.select %and3A_722, %shift_right_logical3A_729, %select_n3A_695 : vector<256x1024xi1>, vector<256x1024xi32>
    %and3A_731 = arith.constant 7 : i32
    %and3A_732 = vector.broadcast %and3A_731 : i32 to vector<256x1024xi32>
    %and3A_733 = arith.andi %select_n3A_730, %and3A_732 : vector<256x1024xi32>
    %mul3A_734 = arith.constant 1024 : i32
    %mul3A_735 = vector.broadcast %mul3A_734 : i32 to vector<256x1024xi32>
    %mul3A_736 = arith.muli %and3A_733, %mul3A_735 : vector<256x1024xi32>
    %or3A_737 = arith.ori %mul3A_736, %iota3A_25 : vector<256x1024xi32>
    %reduce_min3A_738 = arith.constant dense<0x7F800000> : vector<256xf32>
    %reduce_min3A_739 = vector.multi_reduction <minimumf>, %select_n3A_723, %reduce_min3A_738 [1] : vector<256x1024xf32> to vector<256xf32>
    %broadcast_in_dim3A_740 = vector.shape_cast %reduce_min3A_739 : vector<256xf32> to vector<256x1xf32>
    %eq3A_741 = vector.broadcast %broadcast_in_dim3A_740 : vector<256x1xf32> to vector<256x1024xf32>
    %eq3A_742 = arith.cmpf oeq, %select_n3A_723, %eq3A_741 : vector<256x1024xf32>
    %jit3A_743 = arith.constant 8192 : i32
    %broadcast_in_dim3A_744 = vector.broadcast %jit3A_743 : i32 to vector<256x1024xi32>
    %select_n3A_745 = arith.select %eq3A_742, %or3A_737, %broadcast_in_dim3A_744 : vector<256x1024xi1>, vector<256x1024xi32>
    %reduce_min3A_746 = arith.constant dense<2147483647> : vector<256xi32>
    %reduce_min3A_747 = vector.multi_reduction <minsi>, %select_n3A_745, %reduce_min3A_746 [1] : vector<256x1024xi32> to vector<256xi32>
    %broadcast_in_dim3A_748 = vector.shape_cast %reduce_min3A_747 : vector<256xi32> to vector<256x1xi32>
    %eq3A_749 = arith.constant 11 : i32
    %eq3A_750 = vector.broadcast %eq3A_749 : i32 to vector<256x16xi32>
    %eq3A_751 = arith.cmpi eq, %iota3A_298, %eq3A_750 : vector<256x16xi32>
    %broadcast_in_dim3A_752 = vector.shape_cast %broadcast_in_dim3A_748 : vector<256x1xi32> to vector<256x1xi32>
    %broadcast_in_dim3A_753 = vector.broadcast %broadcast_in_dim3A_752 : vector<256x1xi32> to vector<256x16xi32>
    %select_n3A_754 = arith.select %eq3A_751, %broadcast_in_dim3A_753, %select_n3A_719 : vector<256x16xi1>, vector<256x16xi32>
    %eq3A_755 = vector.broadcast %broadcast_in_dim3A_748 : vector<256x1xi32> to vector<256x1024xi32>
    %eq3A_756 = arith.cmpi eq, %or3A_737, %eq3A_755 : vector<256x1024xi32>
    %and3A_757 = arith.andi %eq3A_742, %eq3A_756 : vector<256x1024xi1>
    %select_n3A_758 = arith.select %and3A_757, %select_n3A_724, %select_n3A_723 : vector<256x1024xi1>, vector<256x1024xf32>
    %select_n3A_759 = arith.select %and3A_757, %select_n3A_725, %select_n3A_724 : vector<256x1024xi1>, vector<256x1024xf32>
    %select_n3A_760 = arith.select %and3A_757, %select_n3A_726, %select_n3A_725 : vector<256x1024xi1>, vector<256x1024xf32>
    %shift_right_logical3A_761 = arith.constant 3 : i32
    %shift_right_logical3A_762 = vector.broadcast %shift_right_logical3A_761 : i32 to vector<256x1024xi32>
    %shift_right_logical3A_763 = arith.shrui %select_n3A_730, %shift_right_logical3A_762 : vector<256x1024xi32>
    %select_n3A_764 = arith.select %and3A_757, %shift_right_logical3A_763, %select_n3A_730 : vector<256x1024xi1>, vector<256x1024xi32>
    %and3A_765 = arith.constant 7 : i32
    %and3A_766 = vector.broadcast %and3A_765 : i32 to vector<256x1024xi32>
    %and3A_767 = arith.andi %select_n3A_764, %and3A_766 : vector<256x1024xi32>
    %mul3A_768 = arith.constant 1024 : i32
    %mul3A_769 = vector.broadcast %mul3A_768 : i32 to vector<256x1024xi32>
    %mul3A_770 = arith.muli %and3A_767, %mul3A_769 : vector<256x1024xi32>
    %or3A_771 = arith.ori %mul3A_770, %iota3A_25 : vector<256x1024xi32>
    %reduce_min3A_772 = arith.constant dense<0x7F800000> : vector<256xf32>
    %reduce_min3A_773 = vector.multi_reduction <minimumf>, %select_n3A_758, %reduce_min3A_772 [1] : vector<256x1024xf32> to vector<256xf32>
    %broadcast_in_dim3A_774 = vector.shape_cast %reduce_min3A_773 : vector<256xf32> to vector<256x1xf32>
    %eq3A_775 = vector.broadcast %broadcast_in_dim3A_774 : vector<256x1xf32> to vector<256x1024xf32>
    %eq3A_776 = arith.cmpf oeq, %select_n3A_758, %eq3A_775 : vector<256x1024xf32>
    %jit3A_777 = arith.constant 8192 : i32
    %broadcast_in_dim3A_778 = vector.broadcast %jit3A_777 : i32 to vector<256x1024xi32>
    %select_n3A_779 = arith.select %eq3A_776, %or3A_771, %broadcast_in_dim3A_778 : vector<256x1024xi1>, vector<256x1024xi32>
    %reduce_min3A_780 = arith.constant dense<2147483647> : vector<256xi32>
    %reduce_min3A_781 = vector.multi_reduction <minsi>, %select_n3A_779, %reduce_min3A_780 [1] : vector<256x1024xi32> to vector<256xi32>
    %broadcast_in_dim3A_782 = vector.shape_cast %reduce_min3A_781 : vector<256xi32> to vector<256x1xi32>
    %eq3A_783 = arith.constant 12 : i32
    %eq3A_784 = vector.broadcast %eq3A_783 : i32 to vector<256x16xi32>
    %eq3A_785 = arith.cmpi eq, %iota3A_298, %eq3A_784 : vector<256x16xi32>
    %broadcast_in_dim3A_786 = vector.shape_cast %broadcast_in_dim3A_782 : vector<256x1xi32> to vector<256x1xi32>
    %broadcast_in_dim3A_787 = vector.broadcast %broadcast_in_dim3A_786 : vector<256x1xi32> to vector<256x16xi32>
    %select_n3A_788 = arith.select %eq3A_785, %broadcast_in_dim3A_787, %select_n3A_754 : vector<256x16xi1>, vector<256x16xi32>
    %eq3A_789 = vector.broadcast %broadcast_in_dim3A_782 : vector<256x1xi32> to vector<256x1024xi32>
    %eq3A_790 = arith.cmpi eq, %or3A_771, %eq3A_789 : vector<256x1024xi32>
    %and3A_791 = arith.andi %eq3A_776, %eq3A_790 : vector<256x1024xi1>
    %select_n3A_792 = arith.select %and3A_791, %select_n3A_759, %select_n3A_758 : vector<256x1024xi1>, vector<256x1024xf32>
    %select_n3A_793 = arith.select %and3A_791, %select_n3A_760, %select_n3A_759 : vector<256x1024xi1>, vector<256x1024xf32>
    %shift_right_logical3A_794 = arith.constant 3 : i32
    %shift_right_logical3A_795 = vector.broadcast %shift_right_logical3A_794 : i32 to vector<256x1024xi32>
    %shift_right_logical3A_796 = arith.shrui %select_n3A_764, %shift_right_logical3A_795 : vector<256x1024xi32>
    %select_n3A_797 = arith.select %and3A_791, %shift_right_logical3A_796, %select_n3A_764 : vector<256x1024xi1>, vector<256x1024xi32>
    %and3A_798 = arith.constant 7 : i32
    %and3A_799 = vector.broadcast %and3A_798 : i32 to vector<256x1024xi32>
    %and3A_800 = arith.andi %select_n3A_797, %and3A_799 : vector<256x1024xi32>
    %mul3A_801 = arith.constant 1024 : i32
    %mul3A_802 = vector.broadcast %mul3A_801 : i32 to vector<256x1024xi32>
    %mul3A_803 = arith.muli %and3A_800, %mul3A_802 : vector<256x1024xi32>
    %or3A_804 = arith.ori %mul3A_803, %iota3A_25 : vector<256x1024xi32>
    %reduce_min3A_805 = arith.constant dense<0x7F800000> : vector<256xf32>
    %reduce_min3A_806 = vector.multi_reduction <minimumf>, %select_n3A_792, %reduce_min3A_805 [1] : vector<256x1024xf32> to vector<256xf32>
    %broadcast_in_dim3A_807 = vector.shape_cast %reduce_min3A_806 : vector<256xf32> to vector<256x1xf32>
    %eq3A_808 = vector.broadcast %broadcast_in_dim3A_807 : vector<256x1xf32> to vector<256x1024xf32>
    %eq3A_809 = arith.cmpf oeq, %select_n3A_792, %eq3A_808 : vector<256x1024xf32>
    %jit3A_810 = arith.constant 8192 : i32
    %broadcast_in_dim3A_811 = vector.broadcast %jit3A_810 : i32 to vector<256x1024xi32>
    %select_n3A_812 = arith.select %eq3A_809, %or3A_804, %broadcast_in_dim3A_811 : vector<256x1024xi1>, vector<256x1024xi32>
    %reduce_min3A_813 = arith.constant dense<2147483647> : vector<256xi32>
    %reduce_min3A_814 = vector.multi_reduction <minsi>, %select_n3A_812, %reduce_min3A_813 [1] : vector<256x1024xi32> to vector<256xi32>
    %broadcast_in_dim3A_815 = vector.shape_cast %reduce_min3A_814 : vector<256xi32> to vector<256x1xi32>
    %eq3A_816 = arith.constant 13 : i32
    %eq3A_817 = vector.broadcast %eq3A_816 : i32 to vector<256x16xi32>
    %eq3A_818 = arith.cmpi eq, %iota3A_298, %eq3A_817 : vector<256x16xi32>
    %broadcast_in_dim3A_819 = vector.shape_cast %broadcast_in_dim3A_815 : vector<256x1xi32> to vector<256x1xi32>
    %broadcast_in_dim3A_820 = vector.broadcast %broadcast_in_dim3A_819 : vector<256x1xi32> to vector<256x16xi32>
    %select_n3A_821 = arith.select %eq3A_818, %broadcast_in_dim3A_820, %select_n3A_788 : vector<256x16xi1>, vector<256x16xi32>
    %eq3A_822 = vector.broadcast %broadcast_in_dim3A_815 : vector<256x1xi32> to vector<256x1024xi32>
    %eq3A_823 = arith.cmpi eq, %or3A_804, %eq3A_822 : vector<256x1024xi32>
    %and3A_824 = arith.andi %eq3A_809, %eq3A_823 : vector<256x1024xi1>
    %select_n3A_825 = arith.select %and3A_824, %select_n3A_793, %select_n3A_792 : vector<256x1024xi1>, vector<256x1024xf32>
    %shift_right_logical3A_826 = arith.constant 3 : i32
    %shift_right_logical3A_827 = vector.broadcast %shift_right_logical3A_826 : i32 to vector<256x1024xi32>
    %shift_right_logical3A_828 = arith.shrui %select_n3A_797, %shift_right_logical3A_827 : vector<256x1024xi32>
    %select_n3A_829 = arith.select %and3A_824, %shift_right_logical3A_828, %select_n3A_797 : vector<256x1024xi1>, vector<256x1024xi32>
    %and3A_830 = arith.constant 7 : i32
    %and3A_831 = vector.broadcast %and3A_830 : i32 to vector<256x1024xi32>
    %and3A_832 = arith.andi %select_n3A_829, %and3A_831 : vector<256x1024xi32>
    %mul3A_833 = arith.constant 1024 : i32
    %mul3A_834 = vector.broadcast %mul3A_833 : i32 to vector<256x1024xi32>
    %mul3A_835 = arith.muli %and3A_832, %mul3A_834 : vector<256x1024xi32>
    %or3A_836 = arith.ori %mul3A_835, %iota3A_25 : vector<256x1024xi32>
    %reduce_min3A_837 = arith.constant dense<0x7F800000> : vector<256xf32>
    %reduce_min3A_838 = vector.multi_reduction <minimumf>, %select_n3A_825, %reduce_min3A_837 [1] : vector<256x1024xf32> to vector<256xf32>
    %broadcast_in_dim3A_839 = vector.shape_cast %reduce_min3A_838 : vector<256xf32> to vector<256x1xf32>
    %eq3A_840 = vector.broadcast %broadcast_in_dim3A_839 : vector<256x1xf32> to vector<256x1024xf32>
    %eq3A_841 = arith.cmpf oeq, %select_n3A_825, %eq3A_840 : vector<256x1024xf32>
    %jit3A_842 = arith.constant 8192 : i32
    %broadcast_in_dim3A_843 = vector.broadcast %jit3A_842 : i32 to vector<256x1024xi32>
    %select_n3A_844 = arith.select %eq3A_841, %or3A_836, %broadcast_in_dim3A_843 : vector<256x1024xi1>, vector<256x1024xi32>
    %reduce_min3A_845 = arith.constant dense<2147483647> : vector<256xi32>
    %reduce_min3A_846 = vector.multi_reduction <minsi>, %select_n3A_844, %reduce_min3A_845 [1] : vector<256x1024xi32> to vector<256xi32>
    %broadcast_in_dim3A_847 = vector.shape_cast %reduce_min3A_846 : vector<256xi32> to vector<256x1xi32>
    %eq3A_848 = arith.constant 14 : i32
    %eq3A_849 = vector.broadcast %eq3A_848 : i32 to vector<256x16xi32>
    %eq3A_850 = arith.cmpi eq, %iota3A_298, %eq3A_849 : vector<256x16xi32>
    %broadcast_in_dim3A_851 = vector.shape_cast %broadcast_in_dim3A_847 : vector<256x1xi32> to vector<256x1xi32>
    %broadcast_in_dim3A_852 = vector.broadcast %broadcast_in_dim3A_851 : vector<256x1xi32> to vector<256x16xi32>
    %select_n3A_853 = arith.select %eq3A_850, %broadcast_in_dim3A_852, %select_n3A_821 : vector<256x16xi1>, vector<256x16xi32>
    %eq3A_854 = arith.constant 15 : i32
    %eq3A_855 = vector.broadcast %eq3A_854 : i32 to vector<256x16xi32>
    %eq3A_856 = arith.cmpi eq, %iota3A_298, %eq3A_855 : vector<256x16xi32>
    %broadcast_in_dim3A_857 = vector.shape_cast %add3A_24 : vector<256x1xi32> to vector<256x1xi32>
    %broadcast_in_dim3A_858 = vector.broadcast %broadcast_in_dim3A_857 : vector<256x1xi32> to vector<256x16xi32>
    %select_n3A_859 = arith.select %eq3A_856, %broadcast_in_dim3A_858, %select_n3A_853 : vector<256x16xi1>, vector<256x16xi32>
    %swap3A = arith.constant 0 : index
    %swap3A_860 = arith.constant 0 : index
    %swap3A_861 = vector.load %arg3[%swap3A, %swap3A_860] : memref<256x16xi32, #tpu.memory_space<vmem>>, vector<256x16xi32>
    tpu.vector_store %arg3[%swap3A, %swap3A_860], %select_n3A_859 {strides = array<i32>} : memref<256x16xi32, #tpu.memory_space<vmem>>, vector<256x16xi32>,
    return
  }
  func.func @transform_0(%arg0: i32) -> (i32, i32) {
    %add3A = arith.constant 16 : i32
    %add3A_0 = arith.addi %add3A, %arg0 : i32
    %c0_i32 = arith.constant 0 : i32
    %c0_i32_1 = arith.constant 0 : i32
    return %add3A_0, %c0_i32 : i32, i32
  }
  func.func @transform_1(%arg0: i32) -> (i32, i32) {
    %c0_i32 = arith.constant 0 : i32
    %c0_i32_0 = arith.constant 0 : i32
    %c0_i32_1 = arith.constant 0 : i32
    return %c0_i32, %c0_i32_0 : i32, i32
  }
  func.func @transform_2(%arg0: i32) -> (i32, i32) {
    %c0_i32 = arith.constant 0 : i32
    %c0_i32_0 = arith.constant 0 : i32
    return %arg0, %c0_i32 : i32, i32
  }
}

module attributes {stable_mosaic.version = 14 : i64} {
  func.func @body(%arg0: i32, %arg1: memref<128x64xf32, #tpu.memory_space<vmem>>, %arg2: memref<2048x128xf32, #tpu.memory_space<vmem>>, %arg3: memref<2048x129xf32, #tpu.memory_space<vmem>>) attributes {dimension_semantics = [#tpu.dimension_semantics<arbitrary>], iteration_bounds = array<i64: 32>, scalar_prefetch = 0 : i64, scratch_operands = 0 : i64, tpu.core_type = #tpu.core_type<tc>, window_params = [{transform_indices = @transform_0, window_bounds = array<i64: 128, 64>}, {transform_indices = @transform_1, window_bounds = array<i64: 2048, 128>}, {transform_indices = @transform_2, window_bounds = array<i64: 2048, 129>}]} {
    %get3A = arith.constant 0 : index
    %get3A_0 = arith.constant 0 : index
    %get3A_1 = vector.load %arg1[%get3A, %get3A_0] : memref<128x64xf32, #tpu.memory_space<vmem>>, vector<128x64xf32>
    %iota3A = tpu.iota {dimensions = array<i32: 0>} : vector<2048x128xi32>
    %iota3A_2 = tpu.iota {dimensions = array<i32: 1>} : vector<2048x128xi32>
    %jit3A = arith.constant 16 : i32
    %div3A = vector.broadcast %jit3A : i32 to vector<2048x128xi32>
    %div3A_3 = arith.divsi %iota3A, %div3A : vector<2048x128xi32>
    %sign3A = arith.constant 0 : i32
    %sign3A_4 = vector.broadcast %sign3A : i32 to vector<2048x128xi32>
    %sign3A_5 = arith.cmpi sgt, %iota3A, %sign3A_4 : vector<2048x128xi32>
    %sign3A_6 = arith.extui %sign3A_5 : vector<2048x128xi1> to vector<2048x128xi32>
    %sign3A_7 = arith.constant 0 : i32
    %sign3A_8 = vector.broadcast %sign3A_7 : i32 to vector<2048x128xi32>
    %sign3A_9 = arith.cmpi slt, %iota3A, %sign3A_8 : vector<2048x128xi32>
    %sign3A_10 = arith.extui %sign3A_9 : vector<2048x128xi1> to vector<2048x128xi32>
    %sign3A_11 = arith.subi %sign3A_6, %sign3A_10 : vector<2048x128xi32>
    %sign3A_12 = arith.constant 0 : i32
    %sign3A_13 = arith.cmpi sgt, %jit3A, %sign3A_12 : i32
    %sign3A_14 = arith.extui %sign3A_13 : i1 to i32
    %sign3A_15 = arith.constant 0 : i32
    %sign3A_16 = arith.cmpi slt, %jit3A, %sign3A_15 : i32
    %sign3A_17 = arith.extui %sign3A_16 : i1 to i32
    %sign3A_18 = arith.subi %sign3A_14, %sign3A_17 : i32
    %ne3A = vector.broadcast %sign3A_18 : i32 to vector<2048x128xi32>
    %ne3A_19 = arith.cmpi ne, %sign3A_11, %ne3A : vector<2048x128xi32>
    %rem3A = vector.broadcast %jit3A : i32 to vector<2048x128xi32>
    %rem3A_20 = arith.remsi %iota3A, %rem3A : vector<2048x128xi32>
    %ne3A_21 = arith.constant 0 : i32
    %ne3A_22 = vector.broadcast %ne3A_21 : i32 to vector<2048x128xi32>
    %ne3A_23 = arith.cmpi ne, %rem3A_20, %ne3A_22 : vector<2048x128xi32>
    %and3A = arith.andi %ne3A_19, %ne3A_23 : vector<2048x128xi1>
    %sub3A = arith.constant 1 : i32
    %sub3A_24 = vector.broadcast %sub3A : i32 to vector<2048x128xi32>
    %sub3A_25 = arith.subi %div3A_3, %sub3A_24 : vector<2048x128xi32>
    %select_n3A = arith.select %and3A, %sub3A_25, %div3A_3 : vector<2048x128xi1>, vector<2048x128xi32>
    %eq3A = arith.cmpi eq, %select_n3A, %iota3A_2 : vector<2048x128xi32>
    %convert_element_type3A = arith.extui %eq3A : vector<2048x128xi1> to vector<2048x128xi32>
    %convert_element_type3A_26 = arith.sitofp %convert_element_type3A : vector<2048x128xi32> to vector<2048x128xf32>
    %dot_general3A = arith.constant dense<0.000000e+00> : vector<2048x64xf32>
    %dot_general3A_27 = tpu.matmul %convert_element_type3A_26, %get3A_1, %dot_general3A {dimension_numbers = #tpu.dot_dimension_numbers<[1], [0], [0], [1], [0, 0, 1, 1], [], []>, precision = #tpu.contract_precision<fp32>, transpose_lhs_hint = false} : vector<2048x128xf32>, vector<128x64xf32>, vector<2048x64xf32> -> vector<2048x64xf32>
    %get3A_28 = arith.constant 0 : index
    %get3A_29 = arith.constant 0 : index
    %get3A_30 = vector.load %arg2[%get3A_28, %get3A_29] : memref<2048x128xf32, #tpu.memory_space<vmem>>, vector<2048x128xf32>
    %slice3A = vector.extract_strided_slice %get3A_30 {offsets = [0, 0], sizes = [2048, 64], strides = [1, 1]} : vector<2048x128xf32> to vector<2048x64xf32>
    %slice3A_31 = vector.extract_strided_slice %get3A_30 {offsets = [0, 64], sizes = [2048, 1], strides = [1, 1]} : vector<2048x128xf32> to vector<2048x1xf32>
    %concatenate3A = tpu.concatenate %dot_general3A_27, %slice3A, %slice3A_31 in 1 : vector<2048x64xf32>, vector<2048x64xf32>, vector<2048x1xf32> -> vector<2048x129xf32>
    %swap3A = arith.constant 0 : index
    %swap3A_32 = arith.constant 0 : index
    %swap3A_33 = vector.load %arg3[%swap3A, %swap3A_32] : memref<2048x129xf32, #tpu.memory_space<vmem>>, vector<2048x129xf32>
    tpu.vector_store %arg3[%swap3A, %swap3A_32], %concatenate3A {strides = array<i32>} : memref<2048x129xf32, #tpu.memory_space<vmem>>, vector<2048x129xf32>,
    return
  }
  func.func @transform_0(%arg0: i32) -> (i32, i32) {
    %add3A = arith.constant 0 : i32
    %add3A_0 = arith.addi %add3A, %arg0 : i32
    %c0_i32 = arith.constant 0 : i32
    %c0_i32_1 = arith.constant 0 : i32
    return %add3A_0, %c0_i32 : i32, i32
  }
  func.func @transform_1(%arg0: i32) -> (i32, i32) {
    %c0_i32 = arith.constant 0 : i32
    %c0_i32_0 = arith.constant 0 : i32
    return %arg0, %c0_i32 : i32, i32
  }
  func.func @transform_2(%arg0: i32) -> (i32, i32) {
    %add3A = arith.constant 0 : i32
    %add3A_0 = arith.addi %add3A, %arg0 : i32
    %c0_i32 = arith.constant 0 : i32
    %c0_i32_1 = arith.constant 0 : i32
    return %add3A_0, %c0_i32 : i32, i32
  }
}

module attributes {stable_mosaic.version = 14 : i64} {
  func.func @body(%arg0: i32, %arg1: memref<128x64xf32, #tpu.memory_space<vmem>>, %arg2: memref<2048x128xf32, #tpu.memory_space<vmem>>, %arg3: memref<131072x129xf32, #tpu.memory_space<any>>, %arg4: memref<2048x129xf32, #tpu.memory_space<vmem>>) attributes {dimension_semantics = [#tpu.dimension_semantics<arbitrary>], iteration_bounds = array<i64: 32>, scalar_prefetch = 0 : i64, scratch_operands = 0 : i64, tpu.core_type = #tpu.core_type<tc>, window_params = [{transform_indices = @transform_0, window_bounds = array<i64: 128, 64>}, {transform_indices = @transform_1, window_bounds = array<i64: 2048, 128>}, {}, {transform_indices = @transform_3, window_bounds = array<i64: 2048, 129>}]} {
    %get3A = arith.constant 0 : index
    %get3A_0 = arith.constant 0 : index
    %get3A_1 = vector.load %arg1[%get3A, %get3A_0] : memref<128x64xf32, #tpu.memory_space<vmem>>, vector<128x64xf32>
    %iota3A = tpu.iota {dimensions = array<i32: 0>} : vector<2048x128xi32>
    %iota3A_2 = tpu.iota {dimensions = array<i32: 1>} : vector<2048x128xi32>
    %jit3A = arith.constant 16 : i32
    %div3A = vector.broadcast %jit3A : i32 to vector<2048x128xi32>
    %div3A_3 = arith.divsi %iota3A, %div3A : vector<2048x128xi32>
    %sign3A = arith.constant 0 : i32
    %sign3A_4 = vector.broadcast %sign3A : i32 to vector<2048x128xi32>
    %sign3A_5 = arith.cmpi sgt, %iota3A, %sign3A_4 : vector<2048x128xi32>
    %sign3A_6 = arith.extui %sign3A_5 : vector<2048x128xi1> to vector<2048x128xi32>
    %sign3A_7 = arith.constant 0 : i32
    %sign3A_8 = vector.broadcast %sign3A_7 : i32 to vector<2048x128xi32>
    %sign3A_9 = arith.cmpi slt, %iota3A, %sign3A_8 : vector<2048x128xi32>
    %sign3A_10 = arith.extui %sign3A_9 : vector<2048x128xi1> to vector<2048x128xi32>
    %sign3A_11 = arith.subi %sign3A_6, %sign3A_10 : vector<2048x128xi32>
    %sign3A_12 = arith.constant 0 : i32
    %sign3A_13 = arith.cmpi sgt, %jit3A, %sign3A_12 : i32
    %sign3A_14 = arith.extui %sign3A_13 : i1 to i32
    %sign3A_15 = arith.constant 0 : i32
    %sign3A_16 = arith.cmpi slt, %jit3A, %sign3A_15 : i32
    %sign3A_17 = arith.extui %sign3A_16 : i1 to i32
    %sign3A_18 = arith.subi %sign3A_14, %sign3A_17 : i32
    %ne3A = vector.broadcast %sign3A_18 : i32 to vector<2048x128xi32>
    %ne3A_19 = arith.cmpi ne, %sign3A_11, %ne3A : vector<2048x128xi32>
    %rem3A = vector.broadcast %jit3A : i32 to vector<2048x128xi32>
    %rem3A_20 = arith.remsi %iota3A, %rem3A : vector<2048x128xi32>
    %ne3A_21 = arith.constant 0 : i32
    %ne3A_22 = vector.broadcast %ne3A_21 : i32 to vector<2048x128xi32>
    %ne3A_23 = arith.cmpi ne, %rem3A_20, %ne3A_22 : vector<2048x128xi32>
    %and3A = arith.andi %ne3A_19, %ne3A_23 : vector<2048x128xi1>
    %sub3A = arith.constant 1 : i32
    %sub3A_24 = vector.broadcast %sub3A : i32 to vector<2048x128xi32>
    %sub3A_25 = arith.subi %div3A_3, %sub3A_24 : vector<2048x128xi32>
    %select_n3A = arith.select %and3A, %sub3A_25, %div3A_3 : vector<2048x128xi1>, vector<2048x128xi32>
    %eq3A = arith.cmpi eq, %select_n3A, %iota3A_2 : vector<2048x128xi32>
    %convert_element_type3A = arith.extui %eq3A : vector<2048x128xi1> to vector<2048x128xi32>
    %convert_element_type3A_26 = arith.sitofp %convert_element_type3A : vector<2048x128xi32> to vector<2048x128xf32>
    %dot_general3A = arith.constant dense<0.000000e+00> : vector<2048x64xf32>
    %dot_general3A_27 = tpu.matmul %convert_element_type3A_26, %get3A_1, %dot_general3A {dimension_numbers = #tpu.dot_dimension_numbers<[1], [0], [0], [1], [0, 0, 1, 1], [], []>, precision = #tpu.contract_precision<fp32>, transpose_lhs_hint = false} : vector<2048x128xf32>, vector<128x64xf32>, vector<2048x64xf32> -> vector<2048x64xf32>
    %get3A_28 = arith.constant 0 : index
    %get3A_29 = arith.constant 0 : index
    %get3A_30 = vector.load %arg2[%get3A_28, %get3A_29] : memref<2048x128xf32, #tpu.memory_space<vmem>>, vector<2048x128xf32>
    %slice3A = vector.extract_strided_slice %get3A_30 {offsets = [0, 0], sizes = [2048, 64], strides = [1, 1]} : vector<2048x128xf32> to vector<2048x64xf32>
    %slice3A_31 = vector.extract_strided_slice %get3A_30 {offsets = [0, 64], sizes = [2048, 1], strides = [1, 1]} : vector<2048x128xf32> to vector<2048x1xf32>
    %concatenate3A = tpu.concatenate %dot_general3A_27, %slice3A, %slice3A_31 in 1 : vector<2048x64xf32>, vector<2048x64xf32>, vector<2048x1xf32> -> vector<2048x129xf32>
    %swap3A = arith.constant 0 : index
    %swap3A_32 = arith.constant 0 : index
    %swap3A_33 = vector.load %arg4[%swap3A, %swap3A_32] : memref<2048x129xf32, #tpu.memory_space<vmem>>, vector<2048x129xf32>
    tpu.vector_store %arg4[%swap3A, %swap3A_32], %concatenate3A {strides = array<i32>} : memref<2048x129xf32, #tpu.memory_space<vmem>>, vector<2048x129xf32>,
    return
  }
  func.func @transform_0(%arg0: i32) -> (i32, i32) {
    %add3A = arith.constant 32 : i32
    %add3A_0 = arith.addi %add3A, %arg0 : i32
    %c0_i32 = arith.constant 0 : i32
    %c0_i32_1 = arith.constant 0 : i32
    return %add3A_0, %c0_i32 : i32, i32
  }
  func.func @transform_1(%arg0: i32) -> (i32, i32) {
    %c0_i32 = arith.constant 0 : i32
    %c0_i32_0 = arith.constant 0 : i32
    return %arg0, %c0_i32 : i32, i32
  }
  func.func @transform_3(%arg0: i32) -> (i32, i32) {
    %add3A = arith.constant 32 : i32
    %add3A_0 = arith.addi %add3A, %arg0 : i32
    %c0_i32 = arith.constant 0 : i32
    %c0_i32_1 = arith.constant 0 : i32
    return %add3A_0, %c0_i32 : i32, i32
  }
}

</mosaic_0001>

<sc_bundles>
// kernel: kernel.12.cloned.1.call-start
scs
__scs_entry_jumppad:
0x0: {  	(pc) =	sbr.rel $0x88, $3  }
0x1: {  	(tag) =	ssettag $0x0;
	lr =	simm.s32 $0x1  }
0x2: {  	[smem:$0x3F9F] =	sst lr;
	_ =	strace $0xD0000000  }
0x3: {  	_ = 	snop  }
0x4: {  	_ = 	snop  }
0x5: {  	_ = 	snop  }
0x6: {  	_ = 	snop  }
0x7: {  	_ = 	snop  }
__scs_overlays_trampoline_lowered:
0x8: {  	[smem:$0x3FAE] =	sst s0  }
0x9: {  	[smem:$0x3FAF] =	sst s1  }
0xa: {  	[smem:$0x3FB0] =	sst s2  }
0xb: {  	[smem:$0x3FB1] =	sst s3  }
0xc: {  	[smem:$0x3FB2] =	sst s4  }
0xd: {  	[smem:$0x3FB3] =	sst s5  }
0xe: {  	[smem:$0x3FB4] =	sst s6  }
0xf: {  	[smem:$0x3FB5] =	sst s7  }
0x10: {  	[smem:$0x3FB6] =	sst s8  }
0x11: {  	[smem:$0x3FB7] =	sst s9;
	s0 =	simm.s32 @!p0 $0x0  }
0x12: {  	s1 =	sld [smem:$0x3F9D];
	s0 =	simm.s32 @p0 $0x1  }
0x13: {  	[smem:$0x3FB8] =	sst s0;
	s0 =	simm.s32 @!p1 $0x0  }
0x14: {  	s2 =	sld [smem:$0x3F9C];
	s0 =	simm.s32 @p1 $0x1  }
0x15: {  	[smem:$0x3FB9] =	sst s0;
	s0 =	simm.s32 @!p2 $0x0  }
0x16: {  	s3 =	sld [smem:$0x3FDB];
	s0 =	simm.s32 @p2 $0x1  }
0x17: {  	s4 =	simm.s32 $0x1BF5;
	[smem:$0x3FBB] =	sst s0  }
0x18: {  	s0 =	sld [smem:$0x3F9E];
	_ =	swait.ge [sflag:s4], $0x0  }
0x19: {  	s7 =	sld [smem:$0x3F9F]  }
0x1a: {  	s8 =	sadd.s32 $0xFFFFE003, lr  }
0x1b: {  	s9 =	sadd.s32 $0xFFFFFEF7, lr;
	s5 =	simm.s32 $0xFFFFFFFF;
	p2 =	slt.u32 s8, $0xFFFFF086  }
0x1c: {  	p1 =	slt.u32 s9, $0xF7A;
	s5 =	simm.s32 @!p2 $0x0  }
0x1d: {  	s5 =	simm.s32 @p1 $0x1;
	p0 =	seq.s32 s7, s2  }
0x1e: {  	s7 =	smul.u32 @!p0 $0xF7A, s2;
	p2 =	seq.s32 @!p0 s5, $0x0  }
0x1f: {  	s9 =	smul.u32 $0xF7A, s1;
	s8 =	simm.s32 @!p0 $0x1BF5;
	p2 =	por !p2, p0  }
0x20: {  	[sflag:s8] =	ssyncset.s32 @!p0 $0xFFFFF086;
	s6 =	sadd.s32 @!p0 s3, s7;
	s7 =	simm.s32 @!p0 $0x108  }
0x21: {  	s3 =	sadd.s32 s3, s9;
	s6 =	sadd.s32 @!p0 $0x88, s6;
	s7 =	simm.s32 @p2 $0x1082  }
0x22: {  	[simem:s7], [sflag:s8] =	dma.local @!p0 [hbm:s6], $0xF7A  }
0x23: {  	s9 =	sor.u32 $0xD0000000, s2;
	s6 =	simm.s32 $0x108;
	_ =	swait.ge @!p0 [sflag:s8], $0x0  }
0x24: {  	s3 =	sadd.s32 $0x88, s3;
	s6 =	simm.s32 @!p1 $0x1082;
	[sflag:s4] =	ssyncset.s32 $0xFFFFF086  }
0x25: {  	[simem:s6], [sflag:s4] =	dma.local [hbm:s3], $0xF7A  }
0x26: {  	[smem:$0x3F9F] =	sst s1;
	(tag) =	ssettag s2;
	_ =	strace s9  }
0x27: {  	s1 =	sld [smem:$0x3FAF]  }
0x28: {  	s2 =	sld [smem:$0x3FB0]  }
0x29: {  	s4 =	sld [smem:$0x3FB2]  }
0x2a: {  	p0 =	seq.s32 s5, $0x0;
	s5 =	sld [smem:$0x3FB3]  }
0x2b: {  	s6 =	sld [smem:$0x3FB4]  }
0x2c: {  	s7 =	sld [smem:$0x3FB5]  }
0x2d: {  	s3 =	simm.s32 $0x108;
	s8 =	sld [smem:$0x3FB6]  }
0x2e: {  	s3 =	simm.s32 @!p0 $0x1082;
	s9 =	sld [smem:$0x3FB7]  }
0x2f: {  	lr =	sadd.s32 s0, s3;
	s0 =	sld [smem:$0x3FAE]  }
0x30: {  	s3 =	sld [smem:$0x3FB1]  }
0x31: {  	[smem:$0x3FBA] =	sst s10  }
0x32: {  	s10 =	sld [smem:$0x3FB8];
	_ =	sdelay $0x3  }
0x33: {  	p0 =	seq.s32 s10, $0x1;
	s10 =	sld [smem:$0x3FBA];
	_ =	sdelay $0x3  }
0x34: {  	[smem:$0x3FBA] =	sst s10  }
0x35: {  	s10 =	sld [smem:$0x3FB9];
	_ =	sdelay $0x3  }
0x36: {  	p1 =	seq.s32 s10, $0x1;
	s10 =	sld [smem:$0x3FBA];
	_ =	sdelay $0x3  }
0x37: {  	[smem:$0x3FBA] =	sst s10  }
0x38: {  	s10 =	sld [smem:$0x3FBB]  }
0x39: {  	_ = 	snop;
	(pc) =	sbr.ind lr, $3  }
0x3a: {  	_ = 	snop  }
0x3b: {  	_ = 	snop  }
0x3c: {  	p2 =	seq.s32 s10, $0x1;
	s10 =	sld [smem:$0x3FBA]  }
0x3d: {  	_ =	shalt  }
0x3e: {  	_ =	shalt  }
0x3f: {  	_ =	shalt  }
0x40: {  	_ =	shalt  }
0x41: {  	_ =	shalt  }
0x42: {  	_ =	shalt  }
0x43: {  	_ =	shalt  }
0x44: {  	_ =	shalt  }
0x45: {  	_ =	shalt  }
0x46: {  	_ =	shalt  }
0x47: {  	_ =	shalt  }
0x48: {  	_ =	shalt  }
0x49: {  	_ =	shalt  }
0x4a: {  	_ =	shalt  }
0x4b: {  	_ =	shalt  }
0x4c: {  	_ =	shalt  }
0x4d: {  	_ =	shalt  }
0x4e: {  	_ =	shalt  }
0x4f: {  	_ =	shalt  }
0x50: {  	_ =	shalt  }
0x51: {  	_ =	shalt  }
0x52: {  	_ =	shalt  }
0x53: {  	_ =	shalt  }
0x54: {  	_ =	shalt  }
0x55: {  	_ =	shalt  }
0x56: {  	_ =	shalt  }
0x57: {  	_ =	shalt  }
0x58: {  	_ =	shalt  }
0x59: {  	_ =	shalt  }
0x5a: {  	_ =	shalt  }
0x5b: {  	_ =	shalt  }
0x5c: {  	_ =	shalt  }
0x5d: {  	_ =	shalt  }
0x5e: {  	_ =	shalt  }
0x5f: {  	_ =	shalt  }
0x60: {  	_ =	shalt  }
0x61: {  	_ =	shalt  }
0x62: {  	_ =	shalt  }
0x63: {  	_ =	shalt  }
0x64: {  	_ =	shalt  }
0x65: {  	_ =	shalt  }
0x66: {  	_ =	shalt  }
0x67: {  	_ =	shalt  }
0x68: {  	_ =	shalt  }
0x69: {  	_ =	shalt  }
0x6a: {  	_ =	shalt  }
0x6b: {  	_ =	shalt  }
0x6c: {  	_ =	shalt  }
0x6d: {  	_ =	shalt  }
0x6e: {  	_ =	shalt  }
0x6f: {  	_ =	shalt  }
0x70: {  	_ =	shalt  }
0x71: {  	_ =	shalt  }
0x72: {  	_ =	shalt  }
0x73: {  	_ =	shalt  }
0x74: {  	_ =	shalt  }
0x75: {  	_ =	shalt  }
0x76: {  	_ =	shalt  }
0x77: {  	_ =	shalt  }
0x78: {  	_ =	shalt  }
0x79: {  	_ =	shalt  }
0x7a: {  	_ =	shalt  }
0x7b: {  	_ =	shalt  }
0x7c: {  	_ =	shalt  }
0x7d: {  	_ =	shalt  }
0x7e: {  	_ =	shalt  }
0x7f: {  	_ =	shalt  }
0x80: {  	_ =	shalt  }
0x81: {  	_ =	shalt  }
0x82: {  	_ =	shalt  }
0x83: {  	_ =	shalt  }
0x84: {  	_ =	shalt  }
0x85: {  	_ =	shalt  }
0x86: {  	_ =	shalt  }
0x87: {  	_ =	shalt  }
.Lfunc_end0:
.L_simem_size_0:
called_computation.1_lowered:
.L_overlay_start_0:
0x88: {  	s2 =	sld [smem:$0x3FD9]  }
0x89: {  	s3 =	sld [smem:$0x3FFE];
	_ =	sdelay $0x1  }
0x8a: {  	s1 =	srdreg.scid  }
0x8b: {  	s0 =	sand.u32 $0x1, s1  }
0x8c: {  	s17 =	sshll.u32 s0, $0xA;
	s2 =	sadd.s32 s3, s2  }
0x8d: {  	s2 =	sadd.s32 s2, s17  }
0x8e: {  	[smem:$0x3FC6] =	sst s2  }
0x8f: {  	_ = 	snop  }
0x90: {  	s18 =	sld [smem:$0x3FD0];
	(tm) =	ssettm $0x1  }
0x91: {  	s19 =	sld [smem:$0x3FFB];
	_ =	sdelay $0x3  }
0x92: {  	_ =	strace s19  }
0x93: {  	s2 =	sld [smem:$0x3FFC];
	_ =	sdelay $0x3  }
0x94: {  	_ =	strace s2  }
0x95: {  	s2 =	sld [smem:$0x3FFD];
	_ =	sdelay $0x3  }
0x96: {  	_ =	strace s2  }
0x97: {  	_ =	strace $0x8FFFFFFF  }
0x98: {  	s20 =	sld [smem:$0x3FDB];
	_ =	sdelay $0x1  }
0x99: {  	s4 =	simm.s32 $_scs_section_size  }
0x9a: {  	s5 =	simm.s32 $_size__tile_overlayer_lowered;
	s6 =	simm.s32 $_tile_overlayer_lowered  }
0x9b: {  	s7 =	simm.s32 $0x1BFF;
	s21 =	sshll.u32 s6, $0x1;
	s4 =	sadd.s32 s4, s20  }
0x9c: {  	s22 =	simm.s32 $0x0;
	s5 =	sshll.u32 s5, $0x1;
	s6 =	sadd.s32 s21, s4  }
0x9d: {  	[timem:s22], [sflag:s7] =	dma.local [hbm:s6], s5  }
0x9e: {  	_ =	swait.ge [sflag:s7], s5  }
0x9f: {  	s5 =	ssub.s32 $0x0, s5;
	[sflag:s7] =	ssyncset.done $0x0  }
0xa0: {  	[sflag:s7] =	ssyncadd.s32 s5;
	_ =	sdelay $0x1  }
0xa1: {  	s23 =	simm.s32 $0x1B8B  }
0xa2: {  	_ =	swait.ge [sflag:s23], $0x1  }
0xa3: {  	[sflag:s23] =	ssyncset.done $0x0  }
0xa4: {  	[sflag:s23] =	ssyncadd.s32 $0xFFFFFFFF  }
0xa5: {  	s5 =	sld [smem:$0x0]  }
0xa6: {  	s6 =	sand.u32 $0xFFFFFFFE, s1  }
0xa7: {  	p0 =	sne.s32 s1, s6  }
0xa8: {  	s6 =	sshll.u32 @p0 s6, $0xE  }
0xa9: {  	s6 =	sadd.s32 @p0 $0x11B8D, s6;
	s7 =	sshll.u32 @p0 s5, $0x11  }
0xaa: {  	s6 =	sor.u32 @p0 s7, s6  }
0xab: {  	[sflag:s6] =	ssyncadd.remote.s32 @p0 $0x1;
	_ =	sdelay $0x1  }
0xac: {  	s6 =	simm.s32 @p0 $0x1B8D  }
0xad: {  	_ =	swait.eq @p0 [sflag:s6], $0x1  }
0xae: {  	[sflag:s6] =	ssyncadd.s32 @p0 $0xFFFFFFFF  }
0xaf: {  	s7 =	sshll.u32 @!p0 s1, $0xE  }
0xb0: {  	s7 =	sor.u32 @!p0 $0x4000, s7;
	s6 =	simm.s32 @!p0 $0x1B8D  }
0xb1: {  	s5 =	sshll.u32 @!p0 s5, $0x11;
	s7 =	sadd.s32 @!p0 $0x11B8D, s7;
	_ =	swait.eq @!p0 [sflag:s6], $0x1  }
0xb2: {  	s5 =	sor.u32 @!p0 s5, s7;
	[sflag:s6] =	ssyncadd.s32 @!p0 $0xFFFFFFFF  }
0xb3: {  	s25 =	simm.s32 $0x1B8E;
	s24 =	sld [smem:$0x3FFE];
	[sflag:s5] =	ssyncadd.remote.s32 @!p0 $0x1  }
0xb4: {  	s26 =	simm.s32 $execute0_lowered;
	[smem:$0x3FD2] =	sst s25  }
0xb5: {  	s6 =	sshll.u32 s26, $0x1;
	_ =	strace $0x80000050;
	[dreg:$0x1] =	wrdreg $0xFFFFFFFF  }
0xb6: {  	s28 =	simm.s32 $_size_execute0_lowered;
	s4 =	sadd.s32 s4, s6;
	[dreg:$0x0] =	wrdreg $0x0  }
0xb7: {  	s6 =	sshll.u32 s28, $0x1;
	[dreg:$0x2] =	wrdreg s4  }
0xb8: {  	[dreg:$0x3] =	wrdreg s6  }
0xb9: {  	[dreg:$0x4] =	wrdreg $0xC0  }
0xba: {  	_ =	task [dreg:s22], $0x5FFFF  }
0xbb: {  	[dreg:$0x1] =	wrdreg $0xFFFFFFFF  }
0xbc: {  	[dreg:$0x0] =	wrdreg $0x60  }
0xbd: {  	[dreg:$0x2] =	wrdreg s24  }
0xbe: {  	[dreg:$0x3] =	wrdreg s18  }
0xbf: {  	[dreg:$0x4] =	wrdreg $0xA  }
0xc0: {  	_ =	task.clear_ibuf [dreg:s22], $0x5FFFF;
	_ =	strace $0x90000050  }
0xc1: {  	s29 =	simm.s32 $0xA;
	_ =	strace $0x80000059  }
0xc2: {  	_ =	swait.ge [sflag:s29], $0x1  }
0xc3: {  	[sflag:s29] =	ssyncadd.s32 $0xFFFFFFFF  }
0xc4: {  	_ =	strace $0x90000059  }
0xc5: {  	_ =	sfence  }
0xc6: {  	s30 =	sld [smem:$0x0];
	_ =	sdelay $0x2  }
0xc7: {  	s31 =	sshll.u32 s1, $0xD;
	s1 =	sshrl.u32 s1, $0x2  }
0xc8: {  	s4 =	sand.u32 $0x4000, s31;
	s1 =	sadd.s32 s1, s30  }
0xc9: {  	s0 =	sor.u32 s4, s0;
	s1 =	sshll.u32 s1, $0x11  }
0xca: {  	s0 =	sor.u32 s1, s0  }
0xcb: {  	s0 =	sadd.s32 $0x8F2B, s0  }
0xcc: {  	[sflag:s0] =	ssyncadd.remote.s32 $0x1  }
0xcd: {  	_ =	sfence.sel $0xFFFF  }
0xce: {  	[dreg:$0x0] =	wrdreg $0xFFFFFFFF;
	(pc) =	sbr.abs _section_cstart, $3  }
0xcf: {  	[dreg:$0x1] =	wrdreg $0xFFFFFFFF  }
0xd0: {  	_ =	task.clear_ibuf [dreg:s22], $0x2FFFF;
	_ =	strace $0x9FFFFFFF  }
0xd1: {  	(tm) =	ssettm $0x7FFFFFFF  }
tec
execute0_lowered:
.L_overlay_start_1:
0x0: {  	(tag) =	ssettag $0x1  }
0x1: {  	s3 =	rddreg [dreg:$0x0]  }
0x2: {  	s0 =	rddreg [dreg:$0x1]  }
0x3: {  	s1 =	simm.s32 $0x0;
	[dreg:$0x5] =	wrdreg s0  }
0x4: {  	s2 =	srdreg.scid;
	s8 =	simm.s32 $0x80;
	s0 =	rddreg [dreg:$0x2]  }
0x5: {  	s9 =	simm.s32 $0x4;
	s10 =	simm.s32 $0x0;
	[smem:$0x7FF] =	sst s1  }
0x6: {  	s4 =	sadd.s32 $0x2C00, s3;
	s5 =	sand.u32 $0x1, s2;
	s2 =	stileid.u32  }
0x7: {  	s3 =	sadd.s32 $0x122C00, s3;
	_ =	strace $0x80000051;
	[dreg:$0x3] =	wrdreg s4  }
0x8: {  	s6 =	ssub.s32 $0x2, s5;
	s5 =	sshll.u32 s5, $0x4;
	[dreg:$0x4] =	wrdreg s8  }
0x9: {  	s8 =	simm.s32 $0x5;
	s31 =	sshrl.u32 s6, $0x1;
	s5 =	sor.u32 s2, s5  }
0xa: {  	s6 =	ssub.s32 s6, s31;
	s7 =	sshll.u32 s5, $0x8;
	s4 =	sshll.u32 s5, $0x4  }
0xb: {  	s5 =	sadd.s32 s3, s7;
	s6 =	smax.u32 s6, $0x1;
	s7 =	simm.s32 $0x1  }
.LBB2_1:
0xc: {  	_ =	strace $0x80000052;
	s11 =	simm.s32 $0x1;
	p0 =	por $0x0, $0x0  }
0xd: {  	[tilespmem:s1], [sflag:$0x1] =	stream.linear.gather [hbm4b:s5+s1], $0x80, $0x200038;
	[tilespmem:$0x8100] =	vst v63  }
0xe: {  	s11 =	simm.s32 @p0 $0x0  }
0xf: {  	p4 =	por $0x1, $0x1;
	s20 =	sand.u32 $0x1, s1;
	p1 =	sne.s32 s11, $0x0  }
0x10: {  	p2 =	por $0x1, $0x1;
	s18 =	simm.s32 $0xE;
	p0 =	por !p4, !p1  }
0x11: {  	s16 =	simm.s32 $0x0;
	p5 =	por $0x0, $0x0;
	p0 =	por !p0, !p0  }
0x12: {  	s23 =	sadd.s32 $0x0, s4;
	s30 =	sadd.s32 $0x1, s20;
	s12 =	sadd.s32 @p0 s4, s11  }
0x13: {  	_ =	strace $0x90000052;
	s13 =	sand.u32 @p0 $0x1, s7;
	s12 =	sshll.u32 @p0 s12, $0x4  }
0x14: {  	_ =	strace @p0 $0x80000053;
	s15 =	simm.s32 @p0 $0x0;
	s12 =	sand.u32 @p0 $0x1FFFFFF0, s12  }
0x15: {  	s14 =	sshll.u32 @p0 s13, $0x7;
	s13 =	sadd.s32 @p0 $0x1, s13;
	s12 =	sadd.s32 @p0 s3, s12  }
0x16: {  	[tilespmem:s14], [sflag:s13] =	stream.linear.gather @p0 [hbm4b:s12+s15], $0x80, $0x200038;
	[tilespmem:$0x8100] =	vst v63  }
0x17: {  	p3 =	por p2, p2;
	s21 =	sshll.u32 s20, $0xE;
	_ =	strace @p0 $0x90000053  }
0x18: {  	s16 =	sand.u32 $0x80, s16;
	p2 =	por p5, p5;
	_ =	strace $0x80000054  }
0x19: {  	s17 =	sadd.s32 $0x1, s11;
	s22 =	sor.u32 $0x100, s21;
	_ =	swait.ge [sflag:s30], $0x80  }
0x1a: {  	s21 =	simm.s32 $0x1;
	p6 =	por p1, p1;
	[sflag:s30] =	ssyncset.done $0x0  }
0x1b: {  	p1 =	por p3, p3;
	p4 =	por $0x1, $0x1;
	[sflag:s30] =	ssyncadd.s32 $0xFFFFFF80  }
0x1c: {  	s12 =	simm.s32 $0xF;
	s15 =	sand.u32 @!p3 $0x1, s1;
	_ =	strace $0x90000054  }
0x1d: {  	s13 =	simm.s32 $0x1;
	p3 =	seq.s32 s17, $0x10;
	_ =	strace $0x80000055  }
0x1e: {  	s13 =	simm.s32 @!p0 $0x0;
	s17 =	simm.s32 @p3 $0x0;
	s19 =	rddreg [dreg:$0x4]  }
0x1f: {  	p0 =	por $0x0, $0x0;
	s14 =	sadd.s32 $0x1, s13;
	s31 =	rddreg [dreg:$0x3]  }
0x20: {  	[tilespmem:s22], [sflag:$0x5] =	stream.indirect.gather [hbm4b:s31+s19], $0x80, s16, s19, $0x2000b8;
	[tilespmem:$0x8100] =	vst v63  }
0x21: {  	p3 =	sne.s32 s11, s17;
	s21 =	simm.s32 @!p0 $0x0;
	_ =	swait.ge [sflag:s8], $0x4000  }
0x22: {  	p5 =	por !p4, !p3;
	p4 =	por $0x0, $0x0;
	[sflag:s8] =	ssyncset.done $0x0  }
0x23: {  	s13 =	simm.s32 $0x0;
	p6 =	por p4, p6;
	[sflag:s8] =	ssyncadd.s32 $0xFFFFC000  }
0x24: {  	s16 =	simm.s32 $0x0;
	s19 =	simm.s32 $0x0;
	_ =	strace $0x90000055  }
.LBB2_2:
0x25: {  	_ =	strace @p6 $0x80000056;
	s13 =	sadd.s32 s21, s13;
	s21 =	smov.u32 s12  }
0x26: {  	s12 =	smov.u32 s18;
	s18 =	sadd.s32 $0xFFFFFFFF, s18;
	p0 =	por p3, p3  }
0x27: {  	s28 =	sshll.u32 @p6 s23, $0xB;
	s20 =	sadd.s32 @p6 $0x3, s20;
	s24 =	simm.s32 @!p0 $0x0  }
0x28: {  	s25 =	rddreg [dreg:$0x5];
	s28 =	sand.u32 @p6 $0x1FFFF800, s28;
	s24 =	simm.s32 @p0 $0x1  }
0x29: {  	s25 =	sadd.s32 @p6 s25, s28;
	s28 =	simm.s32 @p6 $0x0;
	p0 =	sne.s32 s18, $0x0  }
0x2a: {  	[hbm4b:s25+s28] =	stream.linear.scatter @p6 [tilespmem:s22], [sflag:s20], $0x4000, $0x200038;
	[tilespmem:$0x8100] =	vst v63  }
0x2b: {  	s20 =	sadd.s32 @!p1 $0x3, s15;
	s15 =	simm.s32 @!p0 $0x0  }
0x2c: {  	s26 =	simm.s32 $0x1;
	[smem:$0x7FC] =	sst s24;
	s15 =	simm.s32 @p0 $0x1  }
0x2d: {  	s26 =	simm.s32 @!p6 $0x0;
	_ =	strace @p6 $0x90000056;
	[smem:$0x7FD] =	sst s15  }
0x2e: {  	p5 =	por !p5, !p5;
	s19 =	sadd.s32 s26, s19;
	_ =	strace @!p1 $0x80000057  }
0x2f: {  	s24 =	sand.u32 @!p2 $0x1, s13;
	s22 =	sand.u32 @p5 $0x1, s14;
	_ =	swait.ge @!p1 [sflag:s20], $0x4000  }
0x30: {  	s15 =	smov.u32 s24;
	s24 =	sadd.s32 @p5 s4, s17;
	[sflag:s20] =	ssyncset.done @!p1 $0x0  }
0x31: {  	s25 =	sshll.u32 @p5 s22, $0x7;
	s24 =	sshll.u32 @p5 s24, $0x4;
	[sflag:s20] =	ssyncadd.s32 @!p1 $0xFFFFC000  }
0x32: {  	s20 =	sadd.s32 @p5 $0x1, s22;
	s22 =	sand.u32 @p5 $0x1FFFFFF0, s24;
	_ =	strace @!p1 $0x90000057  }
0x33: {  	s24 =	simm.s32 @p5 $0x0;
	s22 =	sadd.s32 @p5 s3, s22;
	_ =	strace @p5 $0x80000053  }
0x34: {  	[tilespmem:s25], [sflag:s20] =	stream.linear.gather @p5 [hbm4b:s22+s24], $0x80, $0x200038;
	[tilespmem:$0x8100] =	vst v63  }
0x35: {  	s16 =	sadd.s32 s26, s16;
	s26 =	sand.u32 $0x1, s19;
	_ =	strace @p5 $0x90000053  }
0x36: {  	s24 =	sadd.s32 $0x1, s26;
	_ =	strace $0x80000054  }
0x37: {  	_ =	swait.ge [sflag:s24], $0x80  }
0x38: {  	[sflag:s24] =	ssyncset.done $0x0  }
0x39: {  	s20 =	simm.s32 $0x1;
	[sflag:s24] =	ssyncadd.s32 $0xFFFFFF80  }
0x3a: {  	s20 =	simm.s32 @!p5 $0x0;
	_ =	strace $0x90000054  }
0x3b: {  	s14 =	sadd.s32 s20, s14;
	s20 =	sand.u32 $0x1, s16;
	_ =	strace $0x80000055  }
0x3c: {  	s29 =	sshll.u32 s19, $0x7;
	s25 =	sshll.u32 s20, $0xE;
	s26 =	rddreg [dreg:$0x4]  }
0x3d: {  	s29 =	sand.u32 $0x80, s29;
	s22 =	sor.u32 $0x100, s25;
	s30 =	rddreg [dreg:$0x3]  }
0x3e: {  	[tilespmem:s22], [sflag:$0x5] =	stream.indirect.gather [hbm4b:s30+s26], $0x80, s29, s26, $0x2000b8;
	[tilespmem:$0x8100] =	vst v63  }
0x3f: {  	_ =	swait.ge [sflag:s8], $0x4000  }
0x40: {  	s31 =	sadd.s32 $0x1, s17;
	[sflag:s8] =	ssyncset.done $0x0  }
0x41: {  	s23 =	sadd.s32 s4, s11;
	s11 =	smov.u32 s17;
	[sflag:s8] =	ssyncadd.s32 $0xFFFFC000  }
0x42: {  	p3 =	seq.s32 s31, $0x10;
	s17 =	smov.u32 s31;
	_ =	strace $0x90000055  }
0x43: {  	s17 =	simm.s32 @p3 $0x0;
	s31 =	sld [smem:$0x7FD]  }
0x44: {  	p6 =	sne.s32 s12, $0x1;
	p0 =	sne.s32 s21, $0x10;
	p3 =	sne.s32 s11, s17  }
0x45: {  	p5 =	por !p6, !p3;
	p6 =	seq.s32 s21, $0x1;
	s21 =	simm.s32 $0x1  }
0x46: {  	s21 =	simm.s32 @!p0 $0x0;
	p0 =	seq.s32 s31, $0x1  }
.Ltmp0:
0x47: {  	s30 =	sld [smem:$0x7FC];
	(pc) =	sbr.rel @p0 .LBB2_2-.Ltmp0, $4  }
0x48: {  	_ = 	snop  }
0x49: {  	p4 =	seq.s32 s12, $0x10  }
0x4a: {  	p1 =	por p2, p2;
	p2 =	por p4, p4;
	p4 =	seq.s32 s30, $0x1  }
0x4b: {  	p6 =	por p6, p4  }
0x4c: {  	_ =	strace @p6 $0x80000056;
	s23 =	sshll.u32 @p6 s23, $0xB  }
0x4d: {  	s18 =	rddreg [dreg:$0x5];
	s23 =	sand.u32 @p6 $0x1FFFF800, s23  }
0x4e: {  	s20 =	sadd.s32 @p6 $0x3, s20;
	s18 =	sadd.s32 @p6 s18, s23;
	s23 =	simm.s32 @p6 $0x0  }
0x4f: {  	[hbm4b:s18+s23] =	stream.linear.scatter @p6 [tilespmem:s22], [sflag:s20], $0x4000, $0x200038;
	[tilespmem:$0x8100] =	vst v63  }
0x50: {  	p0 =	por !p5, !p5;
	_ =	strace @p6 $0x90000056  }
0x51: {  	s15 =	sadd.s32 @!p1 $0x3, s15;
	s17 =	sadd.s32 @p0 s4, s17;
	_ =	strace @!p1 $0x80000057  }
0x52: {  	s14 =	sand.u32 @p0 $0x1, s14;
	s17 =	sshll.u32 @p0 s17, $0x4;
	_ =	swait.ge @!p1 [sflag:s15], $0x4000  }
0x53: {  	s18 =	simm.s32 $0x1;
	s20 =	sshll.u32 @p0 s14, $0x7;
	[sflag:s15] =	ssyncset.done @!p1 $0x0  }
0x54: {  	s14 =	sadd.s32 @p0 $0x1, s14;
	s18 =	simm.s32 @!p6 $0x0;
	[sflag:s15] =	ssyncadd.s32 @!p1 $0xFFFFC000  }
0x55: {  	s19 =	sadd.s32 s18, s19;
	s15 =	sand.u32 @p0 $0x1FFFFFF0, s17;
	_ =	strace @!p1 $0x90000057  }
0x56: {  	s17 =	simm.s32 @p0 $0x0;
	s15 =	sadd.s32 @p0 s3, s15;
	_ =	strace @p0 $0x80000053  }
0x57: {  	[tilespmem:s20], [sflag:s14] =	stream.linear.gather @p0 [hbm4b:s15+s17], $0x80, $0x200038;
	[tilespmem:$0x8100] =	vst v63  }
0x58: {  	s25 =	sand.u32 $0x1, s19;
	_ =	strace @p0 $0x90000053  }
0x59: {  	s14 =	sadd.s32 $0x1, s25;
	_ =	strace $0x80000054  }
0x5a: {  	_ =	swait.ge [sflag:s14], $0x80  }
0x5b: {  	[sflag:s14] =	ssyncset.done $0x0  }
0x5c: {  	[sflag:s14] =	ssyncadd.s32 $0xFFFFFF80  }
0x5d: {  	s26 =	sadd.s32 s18, s16;
	_ =	strace $0x90000054  }
0x5e: {  	s14 =	sand.u32 $0x1, s26;
	_ =	strace $0x80000055  }
0x5f: {  	s30 =	sshll.u32 s19, $0x7;
	s31 =	sshll.u32 s14, $0xE;
	s28 =	rddreg [dreg:$0x4]  }
0x60: {  	s17 =	sand.u32 $0x80, s30;
	s18 =	sor.u32 $0x100, s31;
	s29 =	rddreg [dreg:$0x3]  }
0x61: {  	[tilespmem:s18], [sflag:$0x5] =	stream.indirect.gather [hbm4b:s29+s28], $0x80, s17, s28, $0x2000b8;
	[tilespmem:$0x8100] =	vst v63  }
0x62: {  	_ =	swait.ge [sflag:s8], $0x4000  }
0x63: {  	[sflag:s8] =	ssyncset.done $0x0  }
0x64: {  	p5 =	por p3, p3;
	p6 =	seq.s32 s12, $0x1;
	[sflag:s8] =	ssyncadd.s32 $0xFFFFC000  }
0x65: {  	s11 =	sadd.s32 s4, s11;
	p0 =	por p6, p5;
	_ =	strace $0x90000055  }
0x66: {  	s11 =	sshll.u32 @p0 s11, $0xB;
	_ =	strace @p0 $0x80000056  }
0x67: {  	s13 =	sadd.s32 s21, s13;
	s11 =	sand.u32 @p0 $0x1FFFF800, s11;
	s12 =	rddreg [dreg:$0x5]  }
0x68: {  	s14 =	sadd.s32 @p0 $0x3, s14;
	s11 =	sadd.s32 @p0 s12, s11;
	s12 =	simm.s32 @p0 $0x0  }
0x69: {  	[hbm4b:s11+s12] =	stream.linear.scatter @p0 [tilespmem:s18], [sflag:s14], $0x4000, $0x200038;
	[tilespmem:$0x8100] =	vst v63  }
0x6a: {  	p1 =	por p2, p2;
	s11 =	sand.u32 @!p2 $0x1, s13;
	_ =	strace @p0 $0x90000056  }
0x6b: {  	s11 =	sadd.s32 @!p1 $0x3, s11;
	_ =	strace @!p1 $0x80000057  }
0x6c: {  	_ =	swait.ge @!p1 [sflag:s11], $0x4000  }
0x6d: {  	[sflag:s11] =	ssyncset.done @!p1 $0x0  }
0x6e: {  	s10 =	sadd.s32 $0x1, s10;
	[sflag:s11] =	ssyncadd.s32 @!p1 $0xFFFFC000  }
0x6f: {  	p0 =	sne.s32 s10, s6;
	_ =	strace @!p1 $0x90000057  }
.Ltmp1:
0x70: {  	_ =	strace $0x80000058;
	(pc) =	sbr.rel @p0 .LBB2_1-.Ltmp1, $4  }
0x71: {  	_ =	swait.ge [sflag:s9], $0x4000  }
0x72: {  	[sflag:s9] =	ssyncset.done $0x0  }
0x73: {  	[sflag:s9] =	ssyncadd.s32 $0xFFFFC000  }
0x74: {  	_ =	strace $0x90000058  }
0x75: {  	_ =	sfence.sel $0x180000  }
0x76: {  	[bflag:$0x0] =	sbarrier.arrive $0xFFFF  }
0x77: {  	p0 =	sne.s32 s2, $0x0;
	_ =	strace $0x90000051  }
0x78: {  	s0 =	sadd.s32 @!p0 $0x100000, s0;
	[bflag:$0x2] =	sbarrier.arrive $0xFFFF  }
0x79: {  	[sflag:s0] =	ssyncadd.tile.s32 @!p0 $0x1;
	_ =	shalt  }
.Lfunc_end2:
_tile_overlayer_lowered:
.L_overlay_start_2:
0x7a: {  	(tag) =	ssettag $0x2  }
0x7b: {  	s0 =	rddreg [dreg:$0x0];
	s2 =	stileid.u32  }
0x7c: {  	s1 =	rddreg [dreg:$0x1];
	p0 =	sne.s32 s2, $0x0  }
0x7d: {  	s3 =	rddreg [dreg:$0x2];
	[bflag:$0x3] =	sbarrier.arrive $0xFFFF;
	s2 =	simm.s32 @!p0 $0x1C01  }
0x7e: {  	[timem:s3], [sflag:s2] =	dma.local @!p0 [hbm:s0], s1  }
0x7f: {  	s0 =	simm.s32 @!p0 $0x1  }
0x80: {  	_ =	swait.ge @!p0 [sflag:s0], s1  }
0x81: {  	s1 =	ssub.s32 @!p0 $0x0, s1;
	[sflag:s0] =	ssyncset.done @!p0 $0x0  }
0x82: {  	[sflag:s0] =	ssyncadd.s32 @!p0 s1  }
0x83: {  	[bflag:$0x3] =	sbarrier.arrive $0xFFFF  }
0x84: {  	_ =	shalt  }

// kernel: kernel.9.cloned.1.call-start
scs
__scs_entry_jumppad:
0x0: {  	(pc) =	sbr.rel $0x88, $3  }
0x1: {  	(tag) =	ssettag $0x0;
	lr =	simm.s32 $0x1  }
0x2: {  	[smem:$0x3F9F] =	sst lr;
	_ =	strace $0xD0000000  }
0x3: {  	_ = 	snop  }
0x4: {  	_ = 	snop  }
0x5: {  	_ = 	snop  }
0x6: {  	_ = 	snop  }
0x7: {  	_ = 	snop  }
__scs_overlays_trampoline_lowered:
0x8: {  	[smem:$0x3FAE] =	sst s0  }
0x9: {  	[smem:$0x3FAF] =	sst s1  }
0xa: {  	[smem:$0x3FB0] =	sst s2  }
0xb: {  	[smem:$0x3FB1] =	sst s3  }
0xc: {  	[smem:$0x3FB2] =	sst s4  }
0xd: {  	[smem:$0x3FB3] =	sst s5  }
0xe: {  	[smem:$0x3FB4] =	sst s6  }
0xf: {  	[smem:$0x3FB5] =	sst s7  }
0x10: {  	[smem:$0x3FB6] =	sst s8  }
0x11: {  	[smem:$0x3FB7] =	sst s9;
	s0 =	simm.s32 @!p0 $0x0  }
0x12: {  	s1 =	sld [smem:$0x3F9D];
	s0 =	simm.s32 @p0 $0x1  }
0x13: {  	[smem:$0x3FB8] =	sst s0;
	s0 =	simm.s32 @!p1 $0x0  }
0x14: {  	s2 =	sld [smem:$0x3F9C];
	s0 =	simm.s32 @p1 $0x1  }
0x15: {  	[smem:$0x3FB9] =	sst s0;
	s0 =	simm.s32 @!p2 $0x0  }
0x16: {  	s3 =	sld [smem:$0x3FDB];
	s0 =	simm.s32 @p2 $0x1  }
0x17: {  	s4 =	simm.s32 $0x1BF5;
	[smem:$0x3FBB] =	sst s0  }
0x18: {  	s0 =	sld [smem:$0x3F9E];
	_ =	swait.ge [sflag:s4], $0x0  }
0x19: {  	s7 =	sld [smem:$0x3F9F]  }
0x1a: {  	s8 =	sadd.s32 $0xFFFFE003, lr  }
0x1b: {  	s9 =	sadd.s32 $0xFFFFFEF7, lr;
	s5 =	simm.s32 $0xFFFFFFFF;
	p2 =	slt.u32 s8, $0xFFFFF086  }
0x1c: {  	p1 =	slt.u32 s9, $0xF7A;
	s5 =	simm.s32 @!p2 $0x0  }
0x1d: {  	s5 =	simm.s32 @p1 $0x1;
	p0 =	seq.s32 s7, s2  }
0x1e: {  	s7 =	smul.u32 @!p0 $0xF7A, s2;
	p2 =	seq.s32 @!p0 s5, $0x0  }
0x1f: {  	s9 =	smul.u32 $0xF7A, s1;
	s8 =	simm.s32 @!p0 $0x1BF5;
	p2 =	por !p2, p0  }
0x20: {  	[sflag:s8] =	ssyncset.s32 @!p0 $0xFFFFF086;
	s6 =	sadd.s32 @!p0 s3, s7;
	s7 =	simm.s32 @!p0 $0x108  }
0x21: {  	s3 =	sadd.s32 s3, s9;
	s6 =	sadd.s32 @!p0 $0x88, s6;
	s7 =	simm.s32 @p2 $0x1082  }
0x22: {  	[simem:s7], [sflag:s8] =	dma.local @!p0 [hbm:s6], $0xF7A  }
0x23: {  	s9 =	sor.u32 $0xD0000000, s2;
	s6 =	simm.s32 $0x108;
	_ =	swait.ge @!p0 [sflag:s8], $0x0  }
0x24: {  	s3 =	sadd.s32 $0x88, s3;
	s6 =	simm.s32 @!p1 $0x1082;
	[sflag:s4] =	ssyncset.s32 $0xFFFFF086  }
0x25: {  	[simem:s6], [sflag:s4] =	dma.local [hbm:s3], $0xF7A  }
0x26: {  	[smem:$0x3F9F] =	sst s1;
	(tag) =	ssettag s2;
	_ =	strace s9  }
0x27: {  	s1 =	sld [smem:$0x3FAF]  }
0x28: {  	s2 =	sld [smem:$0x3FB0]  }
0x29: {  	s4 =	sld [smem:$0x3FB2]  }
0x2a: {  	p0 =	seq.s32 s5, $0x0;
	s5 =	sld [smem:$0x3FB3]  }
0x2b: {  	s6 =	sld [smem:$0x3FB4]  }
0x2c: {  	s7 =	sld [smem:$0x3FB5]  }
0x2d: {  	s3 =	simm.s32 $0x108;
	s8 =	sld [smem:$0x3FB6]  }
0x2e: {  	s3 =	simm.s32 @!p0 $0x1082;
	s9 =	sld [smem:$0x3FB7]  }
0x2f: {  	lr =	sadd.s32 s0, s3;
	s0 =	sld [smem:$0x3FAE]  }
0x30: {  	s3 =	sld [smem:$0x3FB1]  }
0x31: {  	[smem:$0x3FBA] =	sst s10  }
0x32: {  	s10 =	sld [smem:$0x3FB8];
	_ =	sdelay $0x3  }
0x33: {  	p0 =	seq.s32 s10, $0x1;
	s10 =	sld [smem:$0x3FBA];
	_ =	sdelay $0x3  }
0x34: {  	[smem:$0x3FBA] =	sst s10  }
0x35: {  	s10 =	sld [smem:$0x3FB9];
	_ =	sdelay $0x3  }
0x36: {  	p1 =	seq.s32 s10, $0x1;
	s10 =	sld [smem:$0x3FBA];
	_ =	sdelay $0x3  }
0x37: {  	[smem:$0x3FBA] =	sst s10  }
0x38: {  	s10 =	sld [smem:$0x3FBB]  }
0x39: {  	_ = 	snop;
	(pc) =	sbr.ind lr, $3  }
0x3a: {  	_ = 	snop  }
0x3b: {  	_ = 	snop  }
0x3c: {  	p2 =	seq.s32 s10, $0x1;
	s10 =	sld [smem:$0x3FBA]  }
0x3d: {  	_ =	shalt  }
0x3e: {  	_ =	shalt  }
0x3f: {  	_ =	shalt  }
0x40: {  	_ =	shalt  }
0x41: {  	_ =	shalt  }
0x42: {  	_ =	shalt  }
0x43: {  	_ =	shalt  }
0x44: {  	_ =	shalt  }
0x45: {  	_ =	shalt  }
0x46: {  	_ =	shalt  }
0x47: {  	_ =	shalt  }
0x48: {  	_ =	shalt  }
0x49: {  	_ =	shalt  }
0x4a: {  	_ =	shalt  }
0x4b: {  	_ =	shalt  }
0x4c: {  	_ =	shalt  }
0x4d: {  	_ =	shalt  }
0x4e: {  	_ =	shalt  }
0x4f: {  	_ =	shalt  }
0x50: {  	_ =	shalt  }
0x51: {  	_ =	shalt  }
0x52: {  	_ =	shalt  }
0x53: {  	_ =	shalt  }
0x54: {  	_ =	shalt  }
0x55: {  	_ =	shalt  }
0x56: {  	_ =	shalt  }
0x57: {  	_ =	shalt  }
0x58: {  	_ =	shalt  }
0x59: {  	_ =	shalt  }
0x5a: {  	_ =	shalt  }
0x5b: {  	_ =	shalt  }
0x5c: {  	_ =	shalt  }
0x5d: {  	_ =	shalt  }
0x5e: {  	_ =	shalt  }
0x5f: {  	_ =	shalt  }
0x60: {  	_ =	shalt  }
0x61: {  	_ =	shalt  }
0x62: {  	_ =	shalt  }
0x63: {  	_ =	shalt  }
0x64: {  	_ =	shalt  }
0x65: {  	_ =	shalt  }
0x66: {  	_ =	shalt  }
0x67: {  	_ =	shalt  }
0x68: {  	_ =	shalt  }
0x69: {  	_ =	shalt  }
0x6a: {  	_ =	shalt  }
0x6b: {  	_ =	shalt  }
0x6c: {  	_ =	shalt  }
0x6d: {  	_ =	shalt  }
0x6e: {  	_ =	shalt  }
0x6f: {  	_ =	shalt  }
0x70: {  	_ =	shalt  }
0x71: {  	_ =	shalt  }
0x72: {  	_ =	shalt  }
0x73: {  	_ =	shalt  }
0x74: {  	_ =	shalt  }
0x75: {  	_ =	shalt  }
0x76: {  	_ =	shalt  }
0x77: {  	_ =	shalt  }
0x78: {  	_ =	shalt  }
0x79: {  	_ =	shalt  }
0x7a: {  	_ =	shalt  }
0x7b: {  	_ =	shalt  }
0x7c: {  	_ =	shalt  }
0x7d: {  	_ =	shalt  }
0x7e: {  	_ =	shalt  }
0x7f: {  	_ =	shalt  }
0x80: {  	_ =	shalt  }
0x81: {  	_ =	shalt  }
0x82: {  	_ =	shalt  }
0x83: {  	_ =	shalt  }
0x84: {  	_ =	shalt  }
0x85: {  	_ =	shalt  }
0x86: {  	_ =	shalt  }
0x87: {  	_ =	shalt  }
.Lfunc_end0:
.L_simem_size_0:
called_computation_lowered:
.L_overlay_start_0:
0x88: {  	s2 =	sld [smem:$0x3FD9]  }
0x89: {  	s3 =	sld [smem:$0x3FFE];
	_ =	sdelay $0x1  }
0x8a: {  	s1 =	srdreg.scid  }
0x8b: {  	s0 =	sand.u32 $0x1, s1  }
0x8c: {  	s16 =	sshll.u32 s0, $0xA;
	s2 =	sadd.s32 s3, s2  }
0x8d: {  	s2 =	sadd.s32 s2, s16  }
0x8e: {  	[smem:$0x3FC6] =	sst s2  }
0x8f: {  	_ = 	snop  }
0x90: {  	(tm) =	ssettm $0x1  }
0x91: {  	s17 =	sld [smem:$0x3FFB];
	_ =	sdelay $0x3  }
0x92: {  	_ =	strace s17  }
0x93: {  	s2 =	sld [smem:$0x3FFC];
	_ =	sdelay $0x3  }
0x94: {  	_ =	strace s2  }
0x95: {  	s2 =	sld [smem:$0x3FFD];
	_ =	sdelay $0x3  }
0x96: {  	_ =	strace s2  }
0x97: {  	_ =	strace $0x8FFFFFFF  }
0x98: {  	s18 =	sld [smem:$0x3FDB];
	_ =	sdelay $0x1  }
0x99: {  	s19 =	simm.s32 $_scs_section_size  }
0x9a: {  	s4 =	simm.s32 $_size__tile_overlayer_lowered;
	s5 =	simm.s32 $_tile_overlayer_lowered  }
0x9b: {  	s22 =	simm.s32 $0x1BFF;
	s21 =	sshll.u32 s5, $0x1;
	s2 =	sadd.s32 s19, s18  }
0x9c: {  	s6 =	simm.s32 $0x0;
	s20 =	sshll.u32 s4, $0x1;
	s4 =	sadd.s32 s21, s2  }
0x9d: {  	[timem:s6], [sflag:s22] =	dma.local [hbm:s4], s20  }
0x9e: {  	_ =	swait.ge [sflag:s22], s20  }
0x9f: {  	s3 =	ssub.s32 $0x0, s20;
	[sflag:s22] =	ssyncset.done $0x0  }
0xa0: {  	[sflag:s22] =	ssyncadd.s32 s3;
	_ =	sdelay $0x1  }
0xa1: {  	s23 =	simm.s32 $0x1B8B  }
0xa2: {  	_ =	swait.ge [sflag:s23], $0x1  }
0xa3: {  	[sflag:s23] =	ssyncset.done $0x0  }
0xa4: {  	s25 =	simm.s32 $0x1B8E;
	s24 =	sld [smem:$0x3FFE];
	[sflag:s23] =	ssyncadd.s32 $0xFFFFFFFF  }
0xa5: {  	s26 =	simm.s32 $execute0_lowered;
	[smem:$0x3FD2] =	sst s25  }
0xa6: {  	s4 =	sshll.u32 s26, $0x1;
	_ =	strace $0x80000046;
	[dreg:$0x1] =	wrdreg $0xFFFFFFFF  }
0xa7: {  	s28 =	simm.s32 $_size_execute0_lowered;
	s2 =	sadd.s32 s2, s4;
	[dreg:$0x0] =	wrdreg $0x0  }
0xa8: {  	s4 =	sshll.u32 s28, $0x1;
	[dreg:$0x2] =	wrdreg s2  }
0xa9: {  	[dreg:$0x3] =	wrdreg s4  }
0xaa: {  	[dreg:$0x4] =	wrdreg $0xC0  }
0xab: {  	_ =	task [dreg:s6], $0x5FFFF  }
0xac: {  	[dreg:$0x1] =	wrdreg $0xFFFFFFFF  }
0xad: {  	[dreg:$0x0] =	wrdreg $0x60  }
0xae: {  	[dreg:$0x2] =	wrdreg s24  }
0xaf: {  	[dreg:$0x3] =	wrdreg $0x9  }
0xb0: {  	_ =	task.clear_ibuf [dreg:s6], $0x4FFFF;
	_ =	strace $0x90000046  }
0xb1: {  	s29 =	simm.s32 $0x9;
	_ =	strace $0x8000004F  }
0xb2: {  	_ =	swait.ge [sflag:s29], $0x1  }
0xb3: {  	[sflag:s29] =	ssyncadd.s32 $0xFFFFFFFF  }
0xb4: {  	_ =	strace $0x9000004F  }
0xb5: {  	_ =	sfence  }
0xb6: {  	s30 =	sld [smem:$0x0];
	_ =	sdelay $0x2  }
0xb7: {  	s31 =	sshll.u32 s1, $0xD;
	s1 =	sshrl.u32 s1, $0x2  }
0xb8: {  	s3 =	sand.u32 $0x4000, s31;
	s1 =	sadd.s32 s1, s30  }
0xb9: {  	s0 =	sor.u32 s3, s0;
	s1 =	sshll.u32 s1, $0x11  }
0xba: {  	s0 =	sor.u32 s1, s0  }
0xbb: {  	s0 =	sadd.s32 $0x8F2B, s0  }
0xbc: {  	[sflag:s0] =	ssyncadd.remote.s32 $0x1  }
0xbd: {  	_ =	sfence.sel $0xFFFF  }
0xbe: {  	[dreg:$0x0] =	wrdreg $0xFFFFFFFF;
	(pc) =	sbr.abs _section_cstart, $3  }
0xbf: {  	[dreg:$0x1] =	wrdreg $0xFFFFFFFF  }
0xc0: {  	_ =	task.clear_ibuf [dreg:s6], $0x2FFFF;
	_ =	strace $0x9FFFFFFF  }
0xc1: {  	(tm) =	ssettm $0x7FFFFFFF  }
tec
execute0_lowered:
.L_overlay_start_1:
0x0: {  	(tag) =	ssettag $0x1  }
0x1: {  	s4 =	rddreg [dreg:$0x0]  }
0x2: {  	s0 =	rddreg [dreg:$0x1];
	s1 =	simm.s32 $0x0;
	s5 =	srdreg.scid  }
0x3: {  	s8 =	simm.s32 $0x80;
	s9 =	simm.s32 $0x4;
	s10 =	simm.s32 $0x0  }
0x4: {  	[smem:$0x7FF] =	sst s1;
	s2 =	sadd.s32 $0x2C00, s4;
	s3 =	sadd.s32 $0xC00, s4  }
0x5: {  	s4 =	sadd.s32 $0x22C00, s4;
	_ =	strace $0x80000047;
	[dreg:$0x2] =	wrdreg s2  }
0x6: {  	s5 =	sand.u32 $0x1, s5;
	s2 =	stileid.u32;
	[dreg:$0x4] =	wrdreg s4  }
0x7: {  	s6 =	ssub.s32 $0x2, s5;
	s5 =	sshll.u32 s5, $0x4;
	[dreg:$0x3] =	wrdreg s8  }
0x8: {  	s8 =	simm.s32 $0x5;
	s7 =	sshrl.u32 s6, $0x1;
	s5 =	sor.u32 s2, s5  }
0x9: {  	s6 =	ssub.s32 s6, s7;
	s31 =	sshll.u32 s5, $0x8;
	s4 =	sshll.u32 s5, $0x4  }
0xa: {  	s7 =	simm.s32 $0x1;
	s5 =	sadd.s32 s3, s31;
	s6 =	smax.u32 s6, $0x1  }
.LBB2_1:
0xb: {  	_ =	strace $0x80000048;
	s11 =	simm.s32 $0x1;
	p0 =	por $0x0, $0x0  }
0xc: {  	[tilespmem:s1], [sflag:$0x1] =	stream.linear.gather [hbm4b:s5+s1], $0x80, $0x200038;
	[tilespmem:$0x8100] =	vst v63  }
0xd: {  	s11 =	simm.s32 @p0 $0x0  }
0xe: {  	p4 =	por $0x1, $0x1;
	s20 =	sand.u32 $0x1, s1;
	p1 =	sne.s32 s11, $0x0  }
0xf: {  	p2 =	por $0x1, $0x1;
	s18 =	simm.s32 $0xE;
	p0 =	por !p4, !p1  }
0x10: {  	s16 =	simm.s32 $0x0;
	p5 =	por $0x0, $0x0;
	p0 =	por !p0, !p0  }
0x11: {  	s23 =	sadd.s32 $0x0, s4;
	s30 =	sadd.s32 $0x1, s20;
	s12 =	sadd.s32 @p0 s4, s11  }
0x12: {  	_ =	strace $0x90000048;
	s13 =	sand.u32 @p0 $0x1, s7;
	s12 =	sshll.u32 @p0 s12, $0x4  }
0x13: {  	_ =	strace @p0 $0x80000049;
	s15 =	simm.s32 @p0 $0x0;
	s12 =	sand.u32 @p0 $0x1FFFFFF0, s12  }
0x14: {  	s14 =	sshll.u32 @p0 s13, $0x7;
	s13 =	sadd.s32 @p0 $0x1, s13;
	s12 =	sadd.s32 @p0 s3, s12  }
0x15: {  	[tilespmem:s14], [sflag:s13] =	stream.linear.gather @p0 [hbm4b:s12+s15], $0x80, $0x200038;
	[tilespmem:$0x8100] =	vst v63  }
0x16: {  	p3 =	por p2, p2;
	s21 =	sshll.u32 s20, $0xE;
	_ =	strace @p0 $0x90000049  }
0x17: {  	s16 =	sand.u32 $0x80, s16;
	p2 =	por p5, p5;
	_ =	strace $0x8000004A  }
0x18: {  	s17 =	sadd.s32 $0x1, s11;
	s22 =	sor.u32 $0x100, s21;
	_ =	swait.ge [sflag:s30], $0x80  }
0x19: {  	s21 =	simm.s32 $0x1;
	p6 =	por p1, p1;
	[sflag:s30] =	ssyncset.done $0x0  }
0x1a: {  	p1 =	por p3, p3;
	p4 =	por $0x1, $0x1;
	[sflag:s30] =	ssyncadd.s32 $0xFFFFFF80  }
0x1b: {  	s12 =	simm.s32 $0xF;
	s15 =	sand.u32 @!p3 $0x1, s1;
	_ =	strace $0x9000004A  }
0x1c: {  	s13 =	simm.s32 $0x1;
	p3 =	seq.s32 s17, $0x10;
	_ =	strace $0x8000004B  }
0x1d: {  	s13 =	simm.s32 @!p0 $0x0;
	s17 =	simm.s32 @p3 $0x0;
	s19 =	rddreg [dreg:$0x3]  }
0x1e: {  	p0 =	por $0x0, $0x0;
	s14 =	sadd.s32 $0x1, s13;
	s31 =	rddreg [dreg:$0x2]  }
0x1f: {  	[tilespmem:s22], [sflag:$0x5] =	stream.indirect.gather [hbm4b:s31+s19], $0x80, s16, s19, $0x2000b8;
	[tilespmem:$0x8100] =	vst v63  }
0x20: {  	p3 =	sne.s32 s11, s17;
	s21 =	simm.s32 @!p0 $0x0;
	_ =	swait.ge [sflag:s8], $0x4000  }
0x21: {  	p5 =	por !p4, !p3;
	p4 =	por $0x0, $0x0;
	[sflag:s8] =	ssyncset.done $0x0  }
0x22: {  	s13 =	simm.s32 $0x0;
	p6 =	por p4, p6;
	[sflag:s8] =	ssyncadd.s32 $0xFFFFC000  }
0x23: {  	s16 =	simm.s32 $0x0;
	s19 =	simm.s32 $0x0;
	_ =	strace $0x9000004B  }
.LBB2_2:
0x24: {  	_ =	strace @p6 $0x8000004C;
	s13 =	sadd.s32 s21, s13;
	s21 =	smov.u32 s12  }
0x25: {  	s12 =	smov.u32 s18;
	s18 =	sadd.s32 $0xFFFFFFFF, s18;
	p0 =	por p3, p3  }
0x26: {  	s28 =	sshll.u32 @p6 s23, $0xB;
	s20 =	sadd.s32 @p6 $0x3, s20;
	s24 =	simm.s32 @!p0 $0x0  }
0x27: {  	s25 =	rddreg [dreg:$0x4];
	s28 =	sand.u32 @p6 $0x1FFFF800, s28;
	s24 =	simm.s32 @p0 $0x1  }
0x28: {  	s25 =	sadd.s32 @p6 s25, s28;
	s28 =	simm.s32 @p6 $0x0;
	p0 =	sne.s32 s18, $0x0  }
0x29: {  	[hbm4b:s25+s28] =	stream.linear.scatter @p6 [tilespmem:s22], [sflag:s20], $0x4000, $0x200038;
	[tilespmem:$0x8100] =	vst v63  }
0x2a: {  	s20 =	sadd.s32 @!p1 $0x3, s15;
	s15 =	simm.s32 @!p0 $0x0  }
0x2b: {  	s26 =	simm.s32 $0x1;
	[smem:$0x7FC] =	sst s24;
	s15 =	simm.s32 @p0 $0x1  }
0x2c: {  	s26 =	simm.s32 @!p6 $0x0;
	_ =	strace @p6 $0x9000004C;
	[smem:$0x7FD] =	sst s15  }
0x2d: {  	p5 =	por !p5, !p5;
	s19 =	sadd.s32 s26, s19;
	_ =	strace @!p1 $0x8000004D  }
0x2e: {  	s24 =	sand.u32 @!p2 $0x1, s13;
	s22 =	sand.u32 @p5 $0x1, s14;
	_ =	swait.ge @!p1 [sflag:s20], $0x4000  }
0x2f: {  	s15 =	smov.u32 s24;
	s24 =	sadd.s32 @p5 s4, s17;
	[sflag:s20] =	ssyncset.done @!p1 $0x0  }
0x30: {  	s25 =	sshll.u32 @p5 s22, $0x7;
	s24 =	sshll.u32 @p5 s24, $0x4;
	[sflag:s20] =	ssyncadd.s32 @!p1 $0xFFFFC000  }
0x31: {  	s20 =	sadd.s32 @p5 $0x1, s22;
	s22 =	sand.u32 @p5 $0x1FFFFFF0, s24;
	_ =	strace @!p1 $0x9000004D  }
0x32: {  	s24 =	simm.s32 @p5 $0x0;
	s22 =	sadd.s32 @p5 s3, s22;
	_ =	strace @p5 $0x80000049  }
0x33: {  	[tilespmem:s25], [sflag:s20] =	stream.linear.gather @p5 [hbm4b:s22+s24], $0x80, $0x200038;
	[tilespmem:$0x8100] =	vst v63  }
0x34: {  	s16 =	sadd.s32 s26, s16;
	s26 =	sand.u32 $0x1, s19;
	_ =	strace @p5 $0x90000049  }
0x35: {  	s24 =	sadd.s32 $0x1, s26;
	_ =	strace $0x8000004A  }
0x36: {  	_ =	swait.ge [sflag:s24], $0x80  }
0x37: {  	[sflag:s24] =	ssyncset.done $0x0  }
0x38: {  	s20 =	simm.s32 $0x1;
	[sflag:s24] =	ssyncadd.s32 $0xFFFFFF80  }
0x39: {  	s20 =	simm.s32 @!p5 $0x0;
	_ =	strace $0x9000004A  }
0x3a: {  	s14 =	sadd.s32 s20, s14;
	s20 =	sand.u32 $0x1, s16;
	_ =	strace $0x8000004B  }
0x3b: {  	s29 =	sshll.u32 s19, $0x7;
	s25 =	sshll.u32 s20, $0xE;
	s26 =	rddreg [dreg:$0x3]  }
0x3c: {  	s29 =	sand.u32 $0x80, s29;
	s22 =	sor.u32 $0x100, s25;
	s30 =	rddreg [dreg:$0x2]  }
0x3d: {  	[tilespmem:s22], [sflag:$0x5] =	stream.indirect.gather [hbm4b:s30+s26], $0x80, s29, s26, $0x2000b8;
	[tilespmem:$0x8100] =	vst v63  }
0x3e: {  	_ =	swait.ge [sflag:s8], $0x4000  }
0x3f: {  	s31 =	sadd.s32 $0x1, s17;
	[sflag:s8] =	ssyncset.done $0x0  }
0x40: {  	s23 =	sadd.s32 s4, s11;
	s11 =	smov.u32 s17;
	[sflag:s8] =	ssyncadd.s32 $0xFFFFC000  }
0x41: {  	p3 =	seq.s32 s31, $0x10;
	s17 =	smov.u32 s31;
	_ =	strace $0x9000004B  }
0x42: {  	s17 =	simm.s32 @p3 $0x0;
	s31 =	sld [smem:$0x7FD]  }
0x43: {  	p6 =	sne.s32 s12, $0x1;
	p0 =	sne.s32 s21, $0x10;
	p3 =	sne.s32 s11, s17  }
0x44: {  	p5 =	por !p6, !p3;
	p6 =	seq.s32 s21, $0x1;
	s21 =	simm.s32 $0x1  }
0x45: {  	s21 =	simm.s32 @!p0 $0x0;
	p0 =	seq.s32 s31, $0x1  }
.Ltmp0:
0x46: {  	s30 =	sld [smem:$0x7FC];
	(pc) =	sbr.rel @p0 .LBB2_2-.Ltmp0, $4  }
0x47: {  	_ = 	snop  }
0x48: {  	p4 =	seq.s32 s12, $0x10  }
0x49: {  	p1 =	por p2, p2;
	p2 =	por p4, p4;
	p4 =	seq.s32 s30, $0x1  }
0x4a: {  	p6 =	por p6, p4  }
0x4b: {  	_ =	strace @p6 $0x8000004C;
	s23 =	sshll.u32 @p6 s23, $0xB  }
0x4c: {  	s18 =	rddreg [dreg:$0x4];
	s23 =	sand.u32 @p6 $0x1FFFF800, s23  }
0x4d: {  	s20 =	sadd.s32 @p6 $0x3, s20;
	s18 =	sadd.s32 @p6 s18, s23;
	s23 =	simm.s32 @p6 $0x0  }
0x4e: {  	[hbm4b:s18+s23] =	stream.linear.scatter @p6 [tilespmem:s22], [sflag:s20], $0x4000, $0x200038;
	[tilespmem:$0x8100] =	vst v63  }
0x4f: {  	p0 =	por !p5, !p5;
	_ =	strace @p6 $0x9000004C  }
0x50: {  	s15 =	sadd.s32 @!p1 $0x3, s15;
	s17 =	sadd.s32 @p0 s4, s17;
	_ =	strace @!p1 $0x8000004D  }
0x51: {  	s14 =	sand.u32 @p0 $0x1, s14;
	s17 =	sshll.u32 @p0 s17, $0x4;
	_ =	swait.ge @!p1 [sflag:s15], $0x4000  }
0x52: {  	s18 =	simm.s32 $0x1;
	s20 =	sshll.u32 @p0 s14, $0x7;
	[sflag:s15] =	ssyncset.done @!p1 $0x0  }
0x53: {  	s14 =	sadd.s32 @p0 $0x1, s14;
	s18 =	simm.s32 @!p6 $0x0;
	[sflag:s15] =	ssyncadd.s32 @!p1 $0xFFFFC000  }
0x54: {  	s19 =	sadd.s32 s18, s19;
	s15 =	sand.u32 @p0 $0x1FFFFFF0, s17;
	_ =	strace @!p1 $0x9000004D  }
0x55: {  	s17 =	simm.s32 @p0 $0x0;
	s15 =	sadd.s32 @p0 s3, s15;
	_ =	strace @p0 $0x80000049  }
0x56: {  	[tilespmem:s20], [sflag:s14] =	stream.linear.gather @p0 [hbm4b:s15+s17], $0x80, $0x200038;
	[tilespmem:$0x8100] =	vst v63  }
0x57: {  	s25 =	sand.u32 $0x1, s19;
	_ =	strace @p0 $0x90000049  }
0x58: {  	s14 =	sadd.s32 $0x1, s25;
	_ =	strace $0x8000004A  }
0x59: {  	_ =	swait.ge [sflag:s14], $0x80  }
0x5a: {  	[sflag:s14] =	ssyncset.done $0x0  }
0x5b: {  	[sflag:s14] =	ssyncadd.s32 $0xFFFFFF80  }
0x5c: {  	s26 =	sadd.s32 s18, s16;
	_ =	strace $0x9000004A  }
0x5d: {  	s14 =	sand.u32 $0x1, s26;
	_ =	strace $0x8000004B  }
0x5e: {  	s30 =	sshll.u32 s19, $0x7;
	s31 =	sshll.u32 s14, $0xE;
	s28 =	rddreg [dreg:$0x3]  }
0x5f: {  	s17 =	sand.u32 $0x80, s30;
	s18 =	sor.u32 $0x100, s31;
	s29 =	rddreg [dreg:$0x2]  }
0x60: {  	[tilespmem:s18], [sflag:$0x5] =	stream.indirect.gather [hbm4b:s29+s28], $0x80, s17, s28, $0x2000b8;
	[tilespmem:$0x8100] =	vst v63  }
0x61: {  	_ =	swait.ge [sflag:s8], $0x4000  }
0x62: {  	[sflag:s8] =	ssyncset.done $0x0  }
0x63: {  	p5 =	por p3, p3;
	p6 =	seq.s32 s12, $0x1;
	[sflag:s8] =	ssyncadd.s32 $0xFFFFC000  }
0x64: {  	s11 =	sadd.s32 s4, s11;
	p0 =	por p6, p5;
	_ =	strace $0x9000004B  }
0x65: {  	s11 =	sshll.u32 @p0 s11, $0xB;
	_ =	strace @p0 $0x8000004C  }
0x66: {  	s13 =	sadd.s32 s21, s13;
	s11 =	sand.u32 @p0 $0x1FFFF800, s11;
	s12 =	rddreg [dreg:$0x4]  }
0x67: {  	s14 =	sadd.s32 @p0 $0x3, s14;
	s11 =	sadd.s32 @p0 s12, s11;
	s12 =	simm.s32 @p0 $0x0  }
0x68: {  	[hbm4b:s11+s12] =	stream.linear.scatter @p0 [tilespmem:s18], [sflag:s14], $0x4000, $0x200038;
	[tilespmem:$0x8100] =	vst v63  }
0x69: {  	p1 =	por p2, p2;
	s11 =	sand.u32 @!p2 $0x1, s13;
	_ =	strace @p0 $0x9000004C  }
0x6a: {  	s11 =	sadd.s32 @!p1 $0x3, s11;
	_ =	strace @!p1 $0x8000004D  }
0x6b: {  	_ =	swait.ge @!p1 [sflag:s11], $0x4000  }
0x6c: {  	[sflag:s11] =	ssyncset.done @!p1 $0x0  }
0x6d: {  	s10 =	sadd.s32 $0x1, s10;
	[sflag:s11] =	ssyncadd.s32 @!p1 $0xFFFFC000  }
0x6e: {  	p0 =	sne.s32 s10, s6;
	_ =	strace @!p1 $0x9000004D  }
.Ltmp1:
0x6f: {  	_ =	strace $0x8000004E;
	(pc) =	sbr.rel @p0 .LBB2_1-.Ltmp1, $4  }
0x70: {  	_ =	swait.ge [sflag:s9], $0x4000  }
0x71: {  	[sflag:s9] =	ssyncset.done $0x0  }
0x72: {  	[sflag:s9] =	ssyncadd.s32 $0xFFFFC000  }
0x73: {  	_ =	strace $0x9000004E  }
0x74: {  	_ =	sfence.sel $0x180000  }
0x75: {  	[bflag:$0x0] =	sbarrier.arrive $0xFFFF  }
0x76: {  	p0 =	sne.s32 s2, $0x0;
	_ =	strace $0x90000047  }
0x77: {  	s0 =	sadd.s32 @!p0 $0x100000, s0;
	[bflag:$0x2] =	sbarrier.arrive $0xFFFF  }
0x78: {  	[sflag:s0] =	ssyncadd.tile.s32 @!p0 $0x1;
	_ =	shalt  }
.Lfunc_end2:
_tile_overlayer_lowered:
.L_overlay_start_2:
0x79: {  	(tag) =	ssettag $0x2  }
0x7a: {  	s0 =	rddreg [dreg:$0x0];
	s2 =	stileid.u32  }
0x7b: {  	s1 =	rddreg [dreg:$0x1];
	p0 =	sne.s32 s2, $0x0  }
0x7c: {  	s3 =	rddreg [dreg:$0x2];
	[bflag:$0x3] =	sbarrier.arrive $0xFFFF;
	s2 =	simm.s32 @!p0 $0x1C01  }
0x7d: {  	[timem:s3], [sflag:s2] =	dma.local @!p0 [hbm:s0], s1  }
0x7e: {  	s0 =	simm.s32 @!p0 $0x1  }
0x7f: {  	_ =	swait.ge @!p0 [sflag:s0], s1  }
0x80: {  	s1 =	ssub.s32 @!p0 $0x0, s1;
	[sflag:s0] =	ssyncset.done @!p0 $0x0  }
0x81: {  	[sflag:s0] =	ssyncadd.s32 @!p0 s1  }
0x82: {  	[bflag:$0x3] =	sbarrier.arrive $0xFFFF  }
0x83: {  	_ =	shalt  }

</sc_bundles>
